<compile_context>
chip_gen: v7x
topology: tpu7x:2x2x1
jax: 0.10.2.dev20260603
libtpu: 0.0.44.dev20260713+nightly
codegen_flags: <defaults>
</compile_context>

<pallas_src>
import functools

import jax
import jax.numpy as jnp
from jax import lax
from jax.experimental import pallas as pl
from jax.experimental.pallas import tpu as pltpu
from jax.experimental.pallas import tpu_sc as plsc

D = 1024
B = 4 * 8192
NC = 2
NS = 16
NW = NC * NS
BPW = B // NW
C = 32
NCH = BPW // C
NBUF = 3


def _body(table_hbm, idx_hbm, out_hbm, idx_v, *rest):
    bufs = rest[:NBUF]
    gs = rest[NBUF:2 * NBUF]
    ws = rest[2 * NBUF:3 * NBUF]
    isem0 = rest[3 * NBUF]
    isem1 = rest[3 * NBUF + 1]

    wid = lax.axis_index("s") * NC + lax.axis_index("c")
    base = wid * BPW
    half = BPW // 2
    ih0 = pltpu.async_copy(
        idx_hbm.at[pl.ds(base, half)], idx_v.at[pl.ds(0, half)], isem0
    )
    ih1 = pltpu.async_copy(
        idx_hbm.at[pl.ds(base + half, half)], idx_v.at[pl.ds(half, half)], isem1
    )
    ih0.wait()

    def gather(g, b):
        return pltpu.async_copy(
            table_hbm.at[idx_v.at[pl.ds(g * C, C)]], bufs[b], gs[b]
        )

    def write(g, b):
        return pltpu.async_copy(
            bufs[b], out_hbm.at[pl.ds(base + g * C, C)], ws[b]
        )

    pg = [None] * NBUF
    pw = [None] * NBUF
    for v in range(NCH + NBUF - 1):
        if v < NCH:
            if v == (NCH // 2):
                ih1.wait()
            b = v % NBUF
            if pw[b] is not None:
                pw[b].wait()
                pw[b] = None
            pg[b] = gather(v, b)
        gc = v - (NBUF - 1)
        if gc >= 0:
            b = gc % NBUF
            pg[b].wait()
            pg[b] = None
            pw[b] = write(gc, b)
    for b in range(NBUF):
        if pw[b] is not None:
            pw[b].wait()


_gather = functools.partial(
    pl.kernel,
    out_type=jax.ShapeDtypeStruct((B, D), jnp.float32),
    mesh=plsc.VectorSubcoreMesh(core_axis_name="c", subcore_axis_name="s"),
    scratch_types=(
        [pltpu.VMEM((BPW,), jnp.int32)]
        + [pltpu.VMEM((C, D), jnp.float32) for _ in range(NBUF)]
        + [pltpu.SemaphoreType.DMA for _ in range(2 * NBUF + 2)]
    ),
)(_body)


@jax.jit
def kernel(src_seq, pos_table):
    idx = src_seq.reshape(-1).astype(jnp.int32)
    out = _gather(pos_table, idx)
    return out.reshape(src_seq.shape + (D,))

# --- scband reference (transcript-rebuilt; emitter-appended) ---
"""Pipeline reference for scband-position-encoder-1580547973909 (READ-ONLY COPY).

The authoritative reference and input builder live on the scoring server;
editing this copy changes nothing except your own understanding.
"""

import jax, jax.numpy as jnp
import numpy as np

MAX_INDEX = 8191
D_MODEL = 1024
EMB_DIM = 1024


def make_pos_table(max_index, d_model, emb_dim):
    pos = np.arange(max_index + 1, dtype=np.float64)[:, None]
    dim = np.arange(emb_dim, dtype=np.float64)[None, :]
    angle = pos / np.power(10000.0, 2.0 * np.floor(dim / 2.0) / d_model)
    angle[:, 0::2] = np.sin(angle[:, 0::2])
    angle[:, 1::2] = np.cos(angle[:, 1::2])
    return jnp.asarray(angle, dtype=jnp.float32)


def setup_inputs(seed: int = 0) -> dict:
    key = jax.random.key(seed)
    k1, _ = jax.random.split(key)
    src_seq = jax.random.randint(k1, (4, 8192), 0, MAX_INDEX + 1, dtype=jnp.int64 if jax.config.jax_enable_x64 else jnp.int32)
    pos_table = make_pos_table(MAX_INDEX, D_MODEL, EMB_DIM)
    return {"src_seq": src_seq, "pos_table": pos_table}


def reference(src_seq, pos_table):
    # PositionEncoder.forward: embedding lookup into precomputed sinusoidal table
    position_index = src_seq.astype(jnp.int32)
    encoded_pos_features = jnp.take(pos_table, position_index, axis=0)
    return encoded_pos_features

if __name__ == "__main__":
    import jax
    _d = setup_inputs()
    print(jax.jit(kernel)(*tuple(_d.values())))

</pallas_src>

<mosaic_0001>
#map = affine_map<(d0, d1) -> (0, 0)>
#map1 = affine_map<(d0, d1) -> (0)>
module attributes {stable_mosaic.version = 14 : i64} {
  func.func @_body(%arg0: i32, %arg1: i32, %arg2: memref<8192x1024xf32, #tpu.memory_space<hbm>>, %arg3: memref<32768xi32, #tpu.memory_space<hbm>>, %arg4: memref<32768x1024xf32, #tpu.memory_space<hbm>>, %arg5: memref<1024xi32, #tpu.memory_space<vmem>>, %arg6: memref<32x1024xf32, #tpu.memory_space<vmem>>, %arg7: memref<32x1024xf32, #tpu.memory_space<vmem>>, %arg8: memref<32x1024xf32, #tpu.memory_space<vmem>>, %arg9: memref<!tpu.dma_semaphore, #tpu.memory_space<semaphore_mem>>, %arg10: memref<!tpu.dma_semaphore, #tpu.memory_space<semaphore_mem>>, %arg11: memref<!tpu.dma_semaphore, #tpu.memory_space<semaphore_mem>>, %arg12: memref<!tpu.dma_semaphore, #tpu.memory_space<semaphore_mem>>, %arg13: memref<!tpu.dma_semaphore, #tpu.memory_space<semaphore_mem>>, %arg14: memref<!tpu.dma_semaphore, #tpu.memory_space<semaphore_mem>>, %arg15: memref<!tpu.dma_semaphore, #tpu.memory_space<semaphore_mem>>, %arg16: memref<!tpu.dma_semaphore, #tpu.memory_space<semaphore_mem>>) attributes {dimension_semantics = [#tpu.dimension_semantics<core_parallel>, #tpu.dimension_semantics<subcore_parallel>], iteration_bounds = array<i64: 2, 16>, scalar_prefetch = 0 : i64, scratch_operands = 12 : i64, tpu.core_type = #tpu.core_type<sc_vector_subcore>, window_params = [{transform_indices = #map}, {transform_indices = #map1}, {transform_indices = #map}]} {
    %mul3A = arith.constant 2 : i32
    %mul3A_0 = arith.muli %arg1, %mul3A : i32
    %add3A = arith.addi %mul3A_0, %arg0 : i32
    %mul3A_1 = arith.constant 1024 : i32
    %mul3A_2 = arith.muli %add3A, %mul3A_1 : i32
    %dma_start3A = arith.constant 0 : i32
    %dma_start3A_3 = tpu.memref_slice %arg5[%dma_start3A] : memref<1024xi32, #tpu.memory_space<vmem>> -> memref<512xi32, #tpu.memory_space<vmem>>
    %dma_start3A_4 = tpu.memref_slice %arg3[%mul3A_2] : memref<32768xi32, #tpu.memory_space<hbm>> -> memref<512xi32, #tpu.memory_space<hbm>>
    %dma_start3A_5 = arith.constant 0 : i32
    %dma_start3A_6 = tpu.memref_slice %arg5[%dma_start3A_5] : memref<1024xi32, #tpu.memory_space<vmem>> -> memref<512xi32, #tpu.memory_space<vmem>>
    %dma_start3A_7 = tpu.memref_slice %arg3[%mul3A_2] : memref<32768xi32, #tpu.memory_space<hbm>> -> memref<512xi32, #tpu.memory_space<hbm>>
    tpu.enqueue_dma source(%dma_start3A_7 : memref<512xi32, #tpu.memory_space<hbm>>) target(%dma_start3A_6 : memref<512xi32, #tpu.memory_space<vmem>>) target_semaphore(%arg15 : memref<!tpu.dma_semaphore, #tpu.memory_space<semaphore_mem>>)
    %add3A_8 = arith.constant 512 : i32
    %add3A_9 = arith.addi %mul3A_2, %add3A_8 : i32
    %dma_start3A_10 = arith.constant 512 : i32
    %dma_start3A_11 = tpu.memref_slice %arg5[%dma_start3A_10] : memref<1024xi32, #tpu.memory_space<vmem>> -> memref<512xi32, #tpu.memory_space<vmem>>
    %dma_start3A_12 = tpu.memref_slice %arg3[%add3A_9] : memref<32768xi32, #tpu.memory_space<hbm>> -> memref<512xi32, #tpu.memory_space<hbm>>
    %dma_start3A_13 = arith.constant 512 : i32
    %dma_start3A_14 = tpu.memref_slice %arg5[%dma_start3A_13] : memref<1024xi32, #tpu.memory_space<vmem>> -> memref<512xi32, #tpu.memory_space<vmem>>
    %dma_start3A_15 = tpu.memref_slice %arg3[%add3A_9] : memref<32768xi32, #tpu.memory_space<hbm>> -> memref<512xi32, #tpu.memory_space<hbm>>
    tpu.enqueue_dma source(%dma_start3A_15 : memref<512xi32, #tpu.memory_space<hbm>>) target(%dma_start3A_14 : memref<512xi32, #tpu.memory_space<vmem>>) target_semaphore(%arg16 : memref<!tpu.dma_semaphore, #tpu.memory_space<semaphore_mem>>)
    %dma_wait3A = arith.constant 0 : i32
    %dma_wait3A_16 = tpu.memref_slice %arg5[%dma_wait3A] : memref<1024xi32, #tpu.memory_space<vmem>> -> memref<512xi32, #tpu.memory_space<vmem>>
    %dma_wait3A_17 = tpu.memref_slice %arg3[%mul3A_2] : memref<32768xi32, #tpu.memory_space<hbm>> -> memref<512xi32, #tpu.memory_space<hbm>>
    %dma_wait3A_18 = arith.constant 0 : i32
    %dma_wait3A_19 = tpu.memref_slice %arg5[%dma_wait3A_18] : memref<1024xi32, #tpu.memory_space<vmem>> -> memref<512xi32, #tpu.memory_space<vmem>>
    %dma_wait3A_20 = tpu.memref_slice %arg3[%mul3A_2] : memref<32768xi32, #tpu.memory_space<hbm>> -> memref<512xi32, #tpu.memory_space<hbm>>
    tpu.wait_dma2 semaphore(%arg15 : memref<!tpu.dma_semaphore, #tpu.memory_space<semaphore_mem>>) src(%dma_wait3A_20 : memref<512xi32, #tpu.memory_space<hbm>>) dst(%dma_wait3A_19 : memref<512xi32, #tpu.memory_space<vmem>>)
    %dma_start3A_21 = arith.constant 0 : i32
    %dma_start3A_22 = tpu.memref_slice %arg5[%dma_start3A_21] : memref<1024xi32, #tpu.memory_space<vmem>> -> memref<32xi32, #tpu.memory_space<vmem>>
    %dma_start3A_23 = arith.constant 0 : i32
    %dma_start3A_24 = arith.constant 0 : i32
    %dma_start3A_25 = tpu.memref_slice %arg2[%dma_start3A_23, %dma_start3A_24] : memref<8192x1024xf32, #tpu.memory_space<hbm>> -> memref<8192x1024xf32, #tpu.memory_space<hbm>>
    tpu.enqueue_indirect_dma source(%dma_start3A_25 : memref<8192x1024xf32, #tpu.memory_space<hbm>>) target(%arg6 : memref<32x1024xf32, #tpu.memory_space<vmem>>) offsets(%dma_start3A_22 : memref<32xi32, #tpu.memory_space<vmem>>) semaphore(%arg9 : memref<!tpu.dma_semaphore, #tpu.memory_space<semaphore_mem>>)
    %dma_start3A_26 = arith.constant 32 : i32
    %dma_start3A_27 = tpu.memref_slice %arg5[%dma_start3A_26] : memref<1024xi32, #tpu.memory_space<vmem>> -> memref<32xi32, #tpu.memory_space<vmem>>
    %dma_start3A_28 = arith.constant 0 : i32
    %dma_start3A_29 = arith.constant 0 : i32
    %dma_start3A_30 = tpu.memref_slice %arg2[%dma_start3A_28, %dma_start3A_29] : memref<8192x1024xf32, #tpu.memory_space<hbm>> -> memref<8192x1024xf32, #tpu.memory_space<hbm>>
    tpu.enqueue_indirect_dma source(%dma_start3A_30 : memref<8192x1024xf32, #tpu.memory_space<hbm>>) target(%arg7 : memref<32x1024xf32, #tpu.memory_space<vmem>>) offsets(%dma_start3A_27 : memref<32xi32, #tpu.memory_space<vmem>>) semaphore(%arg10 : memref<!tpu.dma_semaphore, #tpu.memory_space<semaphore_mem>>)
    %dma_start3A_31 = arith.constant 64 : i32
    %dma_start3A_32 = tpu.memref_slice %arg5[%dma_start3A_31] : memref<1024xi32, #tpu.memory_space<vmem>> -> memref<32xi32, #tpu.memory_space<vmem>>
    %dma_start3A_33 = arith.constant 0 : i32
    %dma_start3A_34 = arith.constant 0 : i32
    %dma_start3A_35 = tpu.memref_slice %arg2[%dma_start3A_33, %dma_start3A_34] : memref<8192x1024xf32, #tpu.memory_space<hbm>> -> memref<8192x1024xf32, #tpu.memory_space<hbm>>
    tpu.enqueue_indirect_dma source(%dma_start3A_35 : memref<8192x1024xf32, #tpu.memory_space<hbm>>) target(%arg8 : memref<32x1024xf32, #tpu.memory_space<vmem>>) offsets(%dma_start3A_32 : memref<32xi32, #tpu.memory_space<vmem>>) semaphore(%arg11 : memref<!tpu.dma_semaphore, #tpu.memory_space<semaphore_mem>>)
    %dma_wait3A_36 = arith.constant 0 : i32
    %dma_wait3A_37 = tpu.memref_slice %arg5[%dma_wait3A_36] : memref<1024xi32, #tpu.memory_space<vmem>> -> memref<32xi32, #tpu.memory_space<vmem>>
    %dma_wait3A_38 = arith.constant 0 : i32
    %dma_wait3A_39 = arith.constant 0 : i32
    %dma_wait3A_40 = tpu.memref_slice %arg2[%dma_wait3A_38, %dma_wait3A_39] : memref<8192x1024xf32, #tpu.memory_space<hbm>> -> memref<8192x1024xf32, #tpu.memory_space<hbm>>
    tpu.wait_indirect_dma semaphore(%arg9 : memref<!tpu.dma_semaphore, #tpu.memory_space<semaphore_mem>>) src(%dma_wait3A_40 : memref<8192x1024xf32, #tpu.memory_space<hbm>>) dst(%arg6 : memref<32x1024xf32, #tpu.memory_space<vmem>>)
    %add3A_41 = arith.constant 0 : i32
    %add3A_42 = arith.addi %mul3A_2, %add3A_41 : i32
    %dma_start3A_43 = arith.constant 0 : i32
    %dma_start3A_44 = tpu.memref_slice %arg4[%add3A_42, %dma_start3A_43] : memref<32768x1024xf32, #tpu.memory_space<hbm>> -> memref<32x1024xf32, #tpu.memory_space<hbm>>
    %dma_start3A_45 = arith.constant 0 : i32
    %dma_start3A_46 = tpu.memref_slice %arg4[%add3A_42, %dma_start3A_45] : memref<32768x1024xf32, #tpu.memory_space<hbm>> -> memref<32x1024xf32, #tpu.memory_space<hbm>>
    tpu.enqueue_dma source(%arg6 : memref<32x1024xf32, #tpu.memory_space<vmem>>) target(%dma_start3A_46 : memref<32x1024xf32, #tpu.memory_space<hbm>>) target_semaphore(%arg12 : memref<!tpu.dma_semaphore, #tpu.memory_space<semaphore_mem>>)
    %dma_wait3A_47 = arith.constant 0 : i32
    %dma_wait3A_48 = tpu.memref_slice %arg4[%add3A_42, %dma_wait3A_47] : memref<32768x1024xf32, #tpu.memory_space<hbm>> -> memref<32x1024xf32, #tpu.memory_space<hbm>>
    %dma_wait3A_49 = arith.constant 0 : i32
    %dma_wait3A_50 = tpu.memref_slice %arg4[%add3A_42, %dma_wait3A_49] : memref<32768x1024xf32, #tpu.memory_space<hbm>> -> memref<32x1024xf32, #tpu.memory_space<hbm>>
    tpu.wait_dma2 semaphore(%arg12 : memref<!tpu.dma_semaphore, #tpu.memory_space<semaphore_mem>>) src(%arg6 : memref<32x1024xf32, #tpu.memory_space<vmem>>) dst(%dma_wait3A_50 : memref<32x1024xf32, #tpu.memory_space<hbm>>)
    %dma_start3A_51 = arith.constant 96 : i32
    %dma_start3A_52 = tpu.memref_slice %arg5[%dma_start3A_51] : memref<1024xi32, #tpu.memory_space<vmem>> -> memref<32xi32, #tpu.memory_space<vmem>>
    %dma_start3A_53 = arith.constant 0 : i32
    %dma_start3A_54 = arith.constant 0 : i32
    %dma_start3A_55 = tpu.memref_slice %arg2[%dma_start3A_53, %dma_start3A_54] : memref<8192x1024xf32, #tpu.memory_space<hbm>> -> memref<8192x1024xf32, #tpu.memory_space<hbm>>
    tpu.enqueue_indirect_dma source(%dma_start3A_55 : memref<8192x1024xf32, #tpu.memory_space<hbm>>) target(%arg6 : memref<32x1024xf32, #tpu.memory_space<vmem>>) offsets(%dma_start3A_52 : memref<32xi32, #tpu.memory_space<vmem>>) semaphore(%arg9 : memref<!tpu.dma_semaphore, #tpu.memory_space<semaphore_mem>>)
    %dma_wait3A_56 = arith.constant 32 : i32
    %dma_wait3A_57 = tpu.memref_slice %arg5[%dma_wait3A_56] : memref<1024xi32, #tpu.memory_space<vmem>> -> memref<32xi32, #tpu.memory_space<vmem>>
    %dma_wait3A_58 = arith.constant 0 : i32
    %dma_wait3A_59 = arith.constant 0 : i32
    %dma_wait3A_60 = tpu.memref_slice %arg2[%dma_wait3A_58, %dma_wait3A_59] : memref<8192x1024xf32, #tpu.memory_space<hbm>> -> memref<8192x1024xf32, #tpu.memory_space<hbm>>
    tpu.wait_indirect_dma semaphore(%arg10 : memref<!tpu.dma_semaphore, #tpu.memory_space<semaphore_mem>>) src(%dma_wait3A_60 : memref<8192x1024xf32, #tpu.memory_space<hbm>>) dst(%arg7 : memref<32x1024xf32, #tpu.memory_space<vmem>>)
    %add3A_61 = arith.constant 32 : i32
    %add3A_62 = arith.addi %mul3A_2, %add3A_61 : i32
    %dma_start3A_63 = arith.constant 0 : i32
    %dma_start3A_64 = tpu.memref_slice %arg4[%add3A_62, %dma_start3A_63] : memref<32768x1024xf32, #tpu.memory_space<hbm>> -> memref<32x1024xf32, #tpu.memory_space<hbm>>
    %dma_start3A_65 = arith.constant 0 : i32
    %dma_start3A_66 = tpu.memref_slice %arg4[%add3A_62, %dma_start3A_65] : memref<32768x1024xf32, #tpu.memory_space<hbm>> -> memref<32x1024xf32, #tpu.memory_space<hbm>>
    tpu.enqueue_dma source(%arg7 : memref<32x1024xf32, #tpu.memory_space<vmem>>) target(%dma_start3A_66 : memref<32x1024xf32, #tpu.memory_space<hbm>>) target_semaphore(%arg13 : memref<!tpu.dma_semaphore, #tpu.memory_space<semaphore_mem>>)
    %dma_wait3A_67 = arith.constant 0 : i32
    %dma_wait3A_68 = tpu.memref_slice %arg4[%add3A_62, %dma_wait3A_67] : memref<32768x1024xf32, #tpu.memory_space<hbm>> -> memref<32x1024xf32, #tpu.memory_space<hbm>>
    %dma_wait3A_69 = arith.constant 0 : i32
    %dma_wait3A_70 = tpu.memref_slice %arg4[%add3A_62, %dma_wait3A_69] : memref<32768x1024xf32, #tpu.memory_space<hbm>> -> memref<32x1024xf32, #tpu.memory_space<hbm>>
    tpu.wait_dma2 semaphore(%arg13 : memref<!tpu.dma_semaphore, #tpu.memory_space<semaphore_mem>>) src(%arg7 : memref<32x1024xf32, #tpu.memory_space<vmem>>) dst(%dma_wait3A_70 : memref<32x1024xf32, #tpu.memory_space<hbm>>)
    %dma_start3A_71 = arith.constant 128 : i32
    %dma_start3A_72 = tpu.memref_slice %arg5[%dma_start3A_71] : memref<1024xi32, #tpu.memory_space<vmem>> -> memref<32xi32, #tpu.memory_space<vmem>>
    %dma_start3A_73 = arith.constant 0 : i32
    %dma_start3A_74 = arith.constant 0 : i32
    %dma_start3A_75 = tpu.memref_slice %arg2[%dma_start3A_73, %dma_start3A_74] : memref<8192x1024xf32, #tpu.memory_space<hbm>> -> memref<8192x1024xf32, #tpu.memory_space<hbm>>
    tpu.enqueue_indirect_dma source(%dma_start3A_75 : memref<8192x1024xf32, #tpu.memory_space<hbm>>) target(%arg7 : memref<32x1024xf32, #tpu.memory_space<vmem>>) offsets(%dma_start3A_72 : memref<32xi32, #tpu.memory_space<vmem>>) semaphore(%arg10 : memref<!tpu.dma_semaphore, #tpu.memory_space<semaphore_mem>>)
    %dma_wait3A_76 = arith.constant 64 : i32
    %dma_wait3A_77 = tpu.memref_slice %arg5[%dma_wait3A_76] : memref<1024xi32, #tpu.memory_space<vmem>> -> memref<32xi32, #tpu.memory_space<vmem>>
    %dma_wait3A_78 = arith.constant 0 : i32
    %dma_wait3A_79 = arith.constant 0 : i32
    %dma_wait3A_80 = tpu.memref_slice %arg2[%dma_wait3A_78, %dma_wait3A_79] : memref<8192x1024xf32, #tpu.memory_space<hbm>> -> memref<8192x1024xf32, #tpu.memory_space<hbm>>
    tpu.wait_indirect_dma semaphore(%arg11 : memref<!tpu.dma_semaphore, #tpu.memory_space<semaphore_mem>>) src(%dma_wait3A_80 : memref<8192x1024xf32, #tpu.memory_space<hbm>>) dst(%arg8 : memref<32x1024xf32, #tpu.memory_space<vmem>>)
    %add3A_81 = arith.constant 64 : i32
    %add3A_82 = arith.addi %mul3A_2, %add3A_81 : i32
    %dma_start3A_83 = arith.constant 0 : i32
    %dma_start3A_84 = tpu.memref_slice %arg4[%add3A_82, %dma_start3A_83] : memref<32768x1024xf32, #tpu.memory_space<hbm>> -> memref<32x1024xf32, #tpu.memory_space<hbm>>
    %dma_start3A_85 = arith.constant 0 : i32
    %dma_start3A_86 = tpu.memref_slice %arg4[%add3A_82, %dma_start3A_85] : memref<32768x1024xf32, #tpu.memory_space<hbm>> -> memref<32x1024xf32, #tpu.memory_space<hbm>>
    tpu.enqueue_dma source(%arg8 : memref<32x1024xf32, #tpu.memory_space<vmem>>) target(%dma_start3A_86 : memref<32x1024xf32, #tpu.memory_space<hbm>>) target_semaphore(%arg14 : memref<!tpu.dma_semaphore, #tpu.memory_space<semaphore_mem>>)
    %dma_wait3A_87 = arith.constant 0 : i32
    %dma_wait3A_88 = tpu.memref_slice %arg4[%add3A_82, %dma_wait3A_87] : memref<32768x1024xf32, #tpu.memory_space<hbm>> -> memref<32x1024xf32, #tpu.memory_space<hbm>>
    %dma_wait3A_89 = arith.constant 0 : i32
    %dma_wait3A_90 = tpu.memref_slice %arg4[%add3A_82, %dma_wait3A_89] : memref<32768x1024xf32, #tpu.memory_space<hbm>> -> memref<32x1024xf32, #tpu.memory_space<hbm>>
    tpu.wait_dma2 semaphore(%arg14 : memref<!tpu.dma_semaphore, #tpu.memory_space<semaphore_mem>>) src(%arg8 : memref<32x1024xf32, #tpu.memory_space<vmem>>) dst(%dma_wait3A_90 : memref<32x1024xf32, #tpu.memory_space<hbm>>)
    %dma_start3A_91 = arith.constant 160 : i32
    %dma_start3A_92 = tpu.memref_slice %arg5[%dma_start3A_91] : memref<1024xi32, #tpu.memory_space<vmem>> -> memref<32xi32, #tpu.memory_space<vmem>>
    %dma_start3A_93 = arith.constant 0 : i32
    %dma_start3A_94 = arith.constant 0 : i32
    %dma_start3A_95 = tpu.memref_slice %arg2[%dma_start3A_93, %dma_start3A_94] : memref<8192x1024xf32, #tpu.memory_space<hbm>> -> memref<8192x1024xf32, #tpu.memory_space<hbm>>
    tpu.enqueue_indirect_dma source(%dma_start3A_95 : memref<8192x1024xf32, #tpu.memory_space<hbm>>) target(%arg8 : memref<32x1024xf32, #tpu.memory_space<vmem>>) offsets(%dma_start3A_92 : memref<32xi32, #tpu.memory_space<vmem>>) semaphore(%arg11 : memref<!tpu.dma_semaphore, #tpu.memory_space<semaphore_mem>>)
    %dma_wait3A_96 = arith.constant 96 : i32
    %dma_wait3A_97 = tpu.memref_slice %arg5[%dma_wait3A_96] : memref<1024xi32, #tpu.memory_space<vmem>> -> memref<32xi32, #tpu.memory_space<vmem>>
    %dma_wait3A_98 = arith.constant 0 : i32
    %dma_wait3A_99 = arith.constant 0 : i32
    %dma_wait3A_100 = tpu.memref_slice %arg2[%dma_wait3A_98, %dma_wait3A_99] : memref<8192x1024xf32, #tpu.memory_space<hbm>> -> memref<8192x1024xf32, #tpu.memory_space<hbm>>
    tpu.wait_indirect_dma semaphore(%arg9 : memref<!tpu.dma_semaphore, #tpu.memory_space<semaphore_mem>>) src(%dma_wait3A_100 : memref<8192x1024xf32, #tpu.memory_space<hbm>>) dst(%arg6 : memref<32x1024xf32, #tpu.memory_space<vmem>>)
    %add3A_101 = arith.constant 96 : i32
    %add3A_102 = arith.addi %mul3A_2, %add3A_101 : i32
    %dma_start3A_103 = arith.constant 0 : i32
    %dma_start3A_104 = tpu.memref_slice %arg4[%add3A_102, %dma_start3A_103] : memref<32768x1024xf32, #tpu.memory_space<hbm>> -> memref<32x1024xf32, #tpu.memory_space<hbm>>
    %dma_start3A_105 = arith.constant 0 : i32
    %dma_start3A_106 = tpu.memref_slice %arg4[%add3A_102, %dma_start3A_105] : memref<32768x1024xf32, #tpu.memory_space<hbm>> -> memref<32x1024xf32, #tpu.memory_space<hbm>>
    tpu.enqueue_dma source(%arg6 : memref<32x1024xf32, #tpu.memory_space<vmem>>) target(%dma_start3A_106 : memref<32x1024xf32, #tpu.memory_space<hbm>>) target_semaphore(%arg12 : memref<!tpu.dma_semaphore, #tpu.memory_space<semaphore_mem>>)
    %dma_wait3A_107 = arith.constant 0 : i32
    %dma_wait3A_108 = tpu.memref_slice %arg4[%add3A_102, %dma_wait3A_107] : memref<32768x1024xf32, #tpu.memory_space<hbm>> -> memref<32x1024xf32, #tpu.memory_space<hbm>>
    %dma_wait3A_109 = arith.constant 0 : i32
    %dma_wait3A_110 = tpu.memref_slice %arg4[%add3A_102, %dma_wait3A_109] : memref<32768x1024xf32, #tpu.memory_space<hbm>> -> memref<32x1024xf32, #tpu.memory_space<hbm>>
    tpu.wait_dma2 semaphore(%arg12 : memref<!tpu.dma_semaphore, #tpu.memory_space<semaphore_mem>>) src(%arg6 : memref<32x1024xf32, #tpu.memory_space<vmem>>) dst(%dma_wait3A_110 : memref<32x1024xf32, #tpu.memory_space<hbm>>)
    %dma_start3A_111 = arith.constant 192 : i32
    %dma_start3A_112 = tpu.memref_slice %arg5[%dma_start3A_111] : memref<1024xi32, #tpu.memory_space<vmem>> -> memref<32xi32, #tpu.memory_space<vmem>>
    %dma_start3A_113 = arith.constant 0 : i32
    %dma_start3A_114 = arith.constant 0 : i32
    %dma_start3A_115 = tpu.memref_slice %arg2[%dma_start3A_113, %dma_start3A_114] : memref<8192x1024xf32, #tpu.memory_space<hbm>> -> memref<8192x1024xf32, #tpu.memory_space<hbm>>
    tpu.enqueue_indirect_dma source(%dma_start3A_115 : memref<8192x1024xf32, #tpu.memory_space<hbm>>) target(%arg6 : memref<32x1024xf32, #tpu.memory_space<vmem>>) offsets(%dma_start3A_112 : memref<32xi32, #tpu.memory_space<vmem>>) semaphore(%arg9 : memref<!tpu.dma_semaphore, #tpu.memory_space<semaphore_mem>>)
    %dma_wait3A_116 = arith.constant 128 : i32
    %dma_wait3A_117 = tpu.memref_slice %arg5[%dma_wait3A_116] : memref<1024xi32, #tpu.memory_space<vmem>> -> memref<32xi32, #tpu.memory_space<vmem>>
    %dma_wait3A_118 = arith.constant 0 : i32
    %dma_wait3A_119 = arith.constant 0 : i32
    %dma_wait3A_120 = tpu.memref_slice %arg2[%dma_wait3A_118, %dma_wait3A_119] : memref<8192x1024xf32, #tpu.memory_space<hbm>> -> memref<8192x1024xf32, #tpu.memory_space<hbm>>
    tpu.wait_indirect_dma semaphore(%arg10 : memref<!tpu.dma_semaphore, #tpu.memory_space<semaphore_mem>>) src(%dma_wait3A_120 : memref<8192x1024xf32, #tpu.memory_space<hbm>>) dst(%arg7 : memref<32x1024xf32, #tpu.memory_space<vmem>>)
    %add3A_121 = arith.constant 128 : i32
    %add3A_122 = arith.addi %mul3A_2, %add3A_121 : i32
    %dma_start3A_123 = arith.constant 0 : i32
    %dma_start3A_124 = tpu.memref_slice %arg4[%add3A_122, %dma_start3A_123] : memref<32768x1024xf32, #tpu.memory_space<hbm>> -> memref<32x1024xf32, #tpu.memory_space<hbm>>
    %dma_start3A_125 = arith.constant 0 : i32
    %dma_start3A_126 = tpu.memref_slice %arg4[%add3A_122, %dma_start3A_125] : memref<32768x1024xf32, #tpu.memory_space<hbm>> -> memref<32x1024xf32, #tpu.memory_space<hbm>>
    tpu.enqueue_dma source(%arg7 : memref<32x1024xf32, #tpu.memory_space<vmem>>) target(%dma_start3A_126 : memref<32x1024xf32, #tpu.memory_space<hbm>>) target_semaphore(%arg13 : memref<!tpu.dma_semaphore, #tpu.memory_space<semaphore_mem>>)
    %dma_wait3A_127 = arith.constant 0 : i32
    %dma_wait3A_128 = tpu.memref_slice %arg4[%add3A_122, %dma_wait3A_127] : memref<32768x1024xf32, #tpu.memory_space<hbm>> -> memref<32x1024xf32, #tpu.memory_space<hbm>>
    %dma_wait3A_129 = arith.constant 0 : i32
    %dma_wait3A_130 = tpu.memref_slice %arg4[%add3A_122, %dma_wait3A_129] : memref<32768x1024xf32, #tpu.memory_space<hbm>> -> memref<32x1024xf32, #tpu.memory_space<hbm>>
    tpu.wait_dma2 semaphore(%arg13 : memref<!tpu.dma_semaphore, #tpu.memory_space<semaphore_mem>>) src(%arg7 : memref<32x1024xf32, #tpu.memory_space<vmem>>) dst(%dma_wait3A_130 : memref<32x1024xf32, #tpu.memory_space<hbm>>)
    %dma_start3A_131 = arith.constant 224 : i32
    %dma_start3A_132 = tpu.memref_slice %arg5[%dma_start3A_131] : memref<1024xi32, #tpu.memory_space<vmem>> -> memref<32xi32, #tpu.memory_space<vmem>>
    %dma_start3A_133 = arith.constant 0 : i32
    %dma_start3A_134 = arith.constant 0 : i32
    %dma_start3A_135 = tpu.memref_slice %arg2[%dma_start3A_133, %dma_start3A_134] : memref<8192x1024xf32, #tpu.memory_space<hbm>> -> memref<8192x1024xf32, #tpu.memory_space<hbm>>
    tpu.enqueue_indirect_dma source(%dma_start3A_135 : memref<8192x1024xf32, #tpu.memory_space<hbm>>) target(%arg7 : memref<32x1024xf32, #tpu.memory_space<vmem>>) offsets(%dma_start3A_132 : memref<32xi32, #tpu.memory_space<vmem>>) semaphore(%arg10 : memref<!tpu.dma_semaphore, #tpu.memory_space<semaphore_mem>>)
    %dma_wait3A_136 = arith.constant 160 : i32
    %dma_wait3A_137 = tpu.memref_slice %arg5[%dma_wait3A_136] : memref<1024xi32, #tpu.memory_space<vmem>> -> memref<32xi32, #tpu.memory_space<vmem>>
    %dma_wait3A_138 = arith.constant 0 : i32
    %dma_wait3A_139 = arith.constant 0 : i32
    %dma_wait3A_140 = tpu.memref_slice %arg2[%dma_wait3A_138, %dma_wait3A_139] : memref<8192x1024xf32, #tpu.memory_space<hbm>> -> memref<8192x1024xf32, #tpu.memory_space<hbm>>
    tpu.wait_indirect_dma semaphore(%arg11 : memref<!tpu.dma_semaphore, #tpu.memory_space<semaphore_mem>>) src(%dma_wait3A_140 : memref<8192x1024xf32, #tpu.memory_space<hbm>>) dst(%arg8 : memref<32x1024xf32, #tpu.memory_space<vmem>>)
    %add3A_141 = arith.constant 160 : i32
    %add3A_142 = arith.addi %mul3A_2, %add3A_141 : i32
    %dma_start3A_143 = arith.constant 0 : i32
    %dma_start3A_144 = tpu.memref_slice %arg4[%add3A_142, %dma_start3A_143] : memref<32768x1024xf32, #tpu.memory_space<hbm>> -> memref<32x1024xf32, #tpu.memory_space<hbm>>
    %dma_start3A_145 = arith.constant 0 : i32
    %dma_start3A_146 = tpu.memref_slice %arg4[%add3A_142, %dma_start3A_145] : memref<32768x1024xf32, #tpu.memory_space<hbm>> -> memref<32x1024xf32, #tpu.memory_space<hbm>>
    tpu.enqueue_dma source(%arg8 : memref<32x1024xf32, #tpu.memory_space<vmem>>) target(%dma_start3A_146 : memref<32x1024xf32, #tpu.memory_space<hbm>>) target_semaphore(%arg14 : memref<!tpu.dma_semaphore, #tpu.memory_space<semaphore_mem>>)
    %dma_wait3A_147 = arith.constant 0 : i32
    %dma_wait3A_148 = tpu.memref_slice %arg4[%add3A_142, %dma_wait3A_147] : memref<32768x1024xf32, #tpu.memory_space<hbm>> -> memref<32x1024xf32, #tpu.memory_space<hbm>>
    %dma_wait3A_149 = arith.constant 0 : i32
    %dma_wait3A_150 = tpu.memref_slice %arg4[%add3A_142, %dma_wait3A_149] : memref<32768x1024xf32, #tpu.memory_space<hbm>> -> memref<32x1024xf32, #tpu.memory_space<hbm>>
    tpu.wait_dma2 semaphore(%arg14 : memref<!tpu.dma_semaphore, #tpu.memory_space<semaphore_mem>>) src(%arg8 : memref<32x1024xf32, #tpu.memory_space<vmem>>) dst(%dma_wait3A_150 : memref<32x1024xf32, #tpu.memory_space<hbm>>)
    %dma_start3A_151 = arith.constant 256 : i32
    %dma_start3A_152 = tpu.memref_slice %arg5[%dma_start3A_151] : memref<1024xi32, #tpu.memory_space<vmem>> -> memref<32xi32, #tpu.memory_space<vmem>>
    %dma_start3A_153 = arith.constant 0 : i32
    %dma_start3A_154 = arith.constant 0 : i32
    %dma_start3A_155 = tpu.memref_slice %arg2[%dma_start3A_153, %dma_start3A_154] : memref<8192x1024xf32, #tpu.memory_space<hbm>> -> memref<8192x1024xf32, #tpu.memory_space<hbm>>
    tpu.enqueue_indirect_dma source(%dma_start3A_155 : memref<8192x1024xf32, #tpu.memory_space<hbm>>) target(%arg8 : memref<32x1024xf32, #tpu.memory_space<vmem>>) offsets(%dma_start3A_152 : memref<32xi32, #tpu.memory_space<vmem>>) semaphore(%arg11 : memref<!tpu.dma_semaphore, #tpu.memory_space<semaphore_mem>>)
    %dma_wait3A_156 = arith.constant 192 : i32
    %dma_wait3A_157 = tpu.memref_slice %arg5[%dma_wait3A_156] : memref<1024xi32, #tpu.memory_space<vmem>> -> memref<32xi32, #tpu.memory_space<vmem>>
    %dma_wait3A_158 = arith.constant 0 : i32
    %dma_wait3A_159 = arith.constant 0 : i32
    %dma_wait3A_160 = tpu.memref_slice %arg2[%dma_wait3A_158, %dma_wait3A_159] : memref<8192x1024xf32, #tpu.memory_space<hbm>> -> memref<8192x1024xf32, #tpu.memory_space<hbm>>
    tpu.wait_indirect_dma semaphore(%arg9 : memref<!tpu.dma_semaphore, #tpu.memory_space<semaphore_mem>>) src(%dma_wait3A_160 : memref<8192x1024xf32, #tpu.memory_space<hbm>>) dst(%arg6 : memref<32x1024xf32, #tpu.memory_space<vmem>>)
    %add3A_161 = arith.constant 192 : i32
    %add3A_162 = arith.addi %mul3A_2, %add3A_161 : i32
    %dma_start3A_163 = arith.constant 0 : i32
    %dma_start3A_164 = tpu.memref_slice %arg4[%add3A_162, %dma_start3A_163] : memref<32768x1024xf32, #tpu.memory_space<hbm>> -> memref<32x1024xf32, #tpu.memory_space<hbm>>
    %dma_start3A_165 = arith.constant 0 : i32
    %dma_start3A_166 = tpu.memref_slice %arg4[%add3A_162, %dma_start3A_165] : memref<32768x1024xf32, #tpu.memory_space<hbm>> -> memref<32x1024xf32, #tpu.memory_space<hbm>>
    tpu.enqueue_dma source(%arg6 : memref<32x1024xf32, #tpu.memory_space<vmem>>) target(%dma_start3A_166 : memref<32x1024xf32, #tpu.memory_space<hbm>>) target_semaphore(%arg12 : memref<!tpu.dma_semaphore, #tpu.memory_space<semaphore_mem>>)
    %dma_wait3A_167 = arith.constant 0 : i32
    %dma_wait3A_168 = tpu.memref_slice %arg4[%add3A_162, %dma_wait3A_167] : memref<32768x1024xf32, #tpu.memory_space<hbm>> -> memref<32x1024xf32, #tpu.memory_space<hbm>>
    %dma_wait3A_169 = arith.constant 0 : i32
    %dma_wait3A_170 = tpu.memref_slice %arg4[%add3A_162, %dma_wait3A_169] : memref<32768x1024xf32, #tpu.memory_space<hbm>> -> memref<32x1024xf32, #tpu.memory_space<hbm>>
    tpu.wait_dma2 semaphore(%arg12 : memref<!tpu.dma_semaphore, #tpu.memory_space<semaphore_mem>>) src(%arg6 : memref<32x1024xf32, #tpu.memory_space<vmem>>) dst(%dma_wait3A_170 : memref<32x1024xf32, #tpu.memory_space<hbm>>)
    %dma_start3A_171 = arith.constant 288 : i32
    %dma_start3A_172 = tpu.memref_slice %arg5[%dma_start3A_171] : memref<1024xi32, #tpu.memory_space<vmem>> -> memref<32xi32, #tpu.memory_space<vmem>>
    %dma_start3A_173 = arith.constant 0 : i32
    %dma_start3A_174 = arith.constant 0 : i32
    %dma_start3A_175 = tpu.memref_slice %arg2[%dma_start3A_173, %dma_start3A_174] : memref<8192x1024xf32, #tpu.memory_space<hbm>> -> memref<8192x1024xf32, #tpu.memory_space<hbm>>
    tpu.enqueue_indirect_dma source(%dma_start3A_175 : memref<8192x1024xf32, #tpu.memory_space<hbm>>) target(%arg6 : memref<32x1024xf32, #tpu.memory_space<vmem>>) offsets(%dma_start3A_172 : memref<32xi32, #tpu.memory_space<vmem>>) semaphore(%arg9 : memref<!tpu.dma_semaphore, #tpu.memory_space<semaphore_mem>>)
    %dma_wait3A_176 = arith.constant 224 : i32
    %dma_wait3A_177 = tpu.memref_slice %arg5[%dma_wait3A_176] : memref<1024xi32, #tpu.memory_space<vmem>> -> memref<32xi32, #tpu.memory_space<vmem>>
    %dma_wait3A_178 = arith.constant 0 : i32
    %dma_wait3A_179 = arith.constant 0 : i32
    %dma_wait3A_180 = tpu.memref_slice %arg2[%dma_wait3A_178, %dma_wait3A_179] : memref<8192x1024xf32, #tpu.memory_space<hbm>> -> memref<8192x1024xf32, #tpu.memory_space<hbm>>
    tpu.wait_indirect_dma semaphore(%arg10 : memref<!tpu.dma_semaphore, #tpu.memory_space<semaphore_mem>>) src(%dma_wait3A_180 : memref<8192x1024xf32, #tpu.memory_space<hbm>>) dst(%arg7 : memref<32x1024xf32, #tpu.memory_space<vmem>>)
    %add3A_181 = arith.constant 224 : i32
    %add3A_182 = arith.addi %mul3A_2, %add3A_181 : i32
    %dma_start3A_183 = arith.constant 0 : i32
    %dma_start3A_184 = tpu.memref_slice %arg4[%add3A_182, %dma_start3A_183] : memref<32768x1024xf32, #tpu.memory_space<hbm>> -> memref<32x1024xf32, #tpu.memory_space<hbm>>
    %dma_start3A_185 = arith.constant 0 : i32
    %dma_start3A_186 = tpu.memref_slice %arg4[%add3A_182, %dma_start3A_185] : memref<32768x1024xf32, #tpu.memory_space<hbm>> -> memref<32x1024xf32, #tpu.memory_space<hbm>>
    tpu.enqueue_dma source(%arg7 : memref<32x1024xf32, #tpu.memory_space<vmem>>) target(%dma_start3A_186 : memref<32x1024xf32, #tpu.memory_space<hbm>>) target_semaphore(%arg13 : memref<!tpu.dma_semaphore, #tpu.memory_space<semaphore_mem>>)
    %dma_wait3A_187 = arith.constant 0 : i32
    %dma_wait3A_188 = tpu.memref_slice %arg4[%add3A_182, %dma_wait3A_187] : memref<32768x1024xf32, #tpu.memory_space<hbm>> -> memref<32x1024xf32, #tpu.memory_space<hbm>>
    %dma_wait3A_189 = arith.constant 0 : i32
    %dma_wait3A_190 = tpu.memref_slice %arg4[%add3A_182, %dma_wait3A_189] : memref<32768x1024xf32, #tpu.memory_space<hbm>> -> memref<32x1024xf32, #tpu.memory_space<hbm>>
    tpu.wait_dma2 semaphore(%arg13 : memref<!tpu.dma_semaphore, #tpu.memory_space<semaphore_mem>>) src(%arg7 : memref<32x1024xf32, #tpu.memory_space<vmem>>) dst(%dma_wait3A_190 : memref<32x1024xf32, #tpu.memory_space<hbm>>)
    %dma_start3A_191 = arith.constant 320 : i32
    %dma_start3A_192 = tpu.memref_slice %arg5[%dma_start3A_191] : memref<1024xi32, #tpu.memory_space<vmem>> -> memref<32xi32, #tpu.memory_space<vmem>>
    %dma_start3A_193 = arith.constant 0 : i32
    %dma_start3A_194 = arith.constant 0 : i32
    %dma_start3A_195 = tpu.memref_slice %arg2[%dma_start3A_193, %dma_start3A_194] : memref<8192x1024xf32, #tpu.memory_space<hbm>> -> memref<8192x1024xf32, #tpu.memory_space<hbm>>
    tpu.enqueue_indirect_dma source(%dma_start3A_195 : memref<8192x1024xf32, #tpu.memory_space<hbm>>) target(%arg7 : memref<32x1024xf32, #tpu.memory_space<vmem>>) offsets(%dma_start3A_192 : memref<32xi32, #tpu.memory_space<vmem>>) semaphore(%arg10 : memref<!tpu.dma_semaphore, #tpu.memory_space<semaphore_mem>>)
    %dma_wait3A_196 = arith.constant 256 : i32
    %dma_wait3A_197 = tpu.memref_slice %arg5[%dma_wait3A_196] : memref<1024xi32, #tpu.memory_space<vmem>> -> memref<32xi32, #tpu.memory_space<vmem>>
    %dma_wait3A_198 = arith.constant 0 : i32
    %dma_wait3A_199 = arith.constant 0 : i32
    %dma_wait3A_200 = tpu.memref_slice %arg2[%dma_wait3A_198, %dma_wait3A_199] : memref<8192x1024xf32, #tpu.memory_space<hbm>> -> memref<8192x1024xf32, #tpu.memory_space<hbm>>
    tpu.wait_indirect_dma semaphore(%arg11 : memref<!tpu.dma_semaphore, #tpu.memory_space<semaphore_mem>>) src(%dma_wait3A_200 : memref<8192x1024xf32, #tpu.memory_space<hbm>>) dst(%arg8 : memref<32x1024xf32, #tpu.memory_space<vmem>>)
    %add3A_201 = arith.constant 256 : i32
    %add3A_202 = arith.addi %mul3A_2, %add3A_201 : i32
    %dma_start3A_203 = arith.constant 0 : i32
    %dma_start3A_204 = tpu.memref_slice %arg4[%add3A_202, %dma_start3A_203] : memref<32768x1024xf32, #tpu.memory_space<hbm>> -> memref<32x1024xf32, #tpu.memory_space<hbm>>
    %dma_start3A_205 = arith.constant 0 : i32
    %dma_start3A_206 = tpu.memref_slice %arg4[%add3A_202, %dma_start3A_205] : memref<32768x1024xf32, #tpu.memory_space<hbm>> -> memref<32x1024xf32, #tpu.memory_space<hbm>>
    tpu.enqueue_dma source(%arg8 : memref<32x1024xf32, #tpu.memory_space<vmem>>) target(%dma_start3A_206 : memref<32x1024xf32, #tpu.memory_space<hbm>>) target_semaphore(%arg14 : memref<!tpu.dma_semaphore, #tpu.memory_space<semaphore_mem>>)
    %dma_wait3A_207 = arith.constant 0 : i32
    %dma_wait3A_208 = tpu.memref_slice %arg4[%add3A_202, %dma_wait3A_207] : memref<32768x1024xf32, #tpu.memory_space<hbm>> -> memref<32x1024xf32, #tpu.memory_space<hbm>>
    %dma_wait3A_209 = arith.constant 0 : i32
    %dma_wait3A_210 = tpu.memref_slice %arg4[%add3A_202, %dma_wait3A_209] : memref<32768x1024xf32, #tpu.memory_space<hbm>> -> memref<32x1024xf32, #tpu.memory_space<hbm>>
    tpu.wait_dma2 semaphore(%arg14 : memref<!tpu.dma_semaphore, #tpu.memory_space<semaphore_mem>>) src(%arg8 : memref<32x1024xf32, #tpu.memory_space<vmem>>) dst(%dma_wait3A_210 : memref<32x1024xf32, #tpu.memory_space<hbm>>)
    %dma_start3A_211 = arith.constant 352 : i32
    %dma_start3A_212 = tpu.memref_slice %arg5[%dma_start3A_211] : memref<1024xi32, #tpu.memory_space<vmem>> -> memref<32xi32, #tpu.memory_space<vmem>>
    %dma_start3A_213 = arith.constant 0 : i32
    %dma_start3A_214 = arith.constant 0 : i32
    %dma_start3A_215 = tpu.memref_slice %arg2[%dma_start3A_213, %dma_start3A_214] : memref<8192x1024xf32, #tpu.memory_space<hbm>> -> memref<8192x1024xf32, #tpu.memory_space<hbm>>
    tpu.enqueue_indirect_dma source(%dma_start3A_215 : memref<8192x1024xf32, #tpu.memory_space<hbm>>) target(%arg8 : memref<32x1024xf32, #tpu.memory_space<vmem>>) offsets(%dma_start3A_212 : memref<32xi32, #tpu.memory_space<vmem>>) semaphore(%arg11 : memref<!tpu.dma_semaphore, #tpu.memory_space<semaphore_mem>>)
    %dma_wait3A_216 = arith.constant 288 : i32
    %dma_wait3A_217 = tpu.memref_slice %arg5[%dma_wait3A_216] : memref<1024xi32, #tpu.memory_space<vmem>> -> memref<32xi32, #tpu.memory_space<vmem>>
    %dma_wait3A_218 = arith.constant 0 : i32
    %dma_wait3A_219 = arith.constant 0 : i32
    %dma_wait3A_220 = tpu.memref_slice %arg2[%dma_wait3A_218, %dma_wait3A_219] : memref<8192x1024xf32, #tpu.memory_space<hbm>> -> memref<8192x1024xf32, #tpu.memory_space<hbm>>
    tpu.wait_indirect_dma semaphore(%arg9 : memref<!tpu.dma_semaphore, #tpu.memory_space<semaphore_mem>>) src(%dma_wait3A_220 : memref<8192x1024xf32, #tpu.memory_space<hbm>>) dst(%arg6 : memref<32x1024xf32, #tpu.memory_space<vmem>>)
    %add3A_221 = arith.constant 288 : i32
    %add3A_222 = arith.addi %mul3A_2, %add3A_221 : i32
    %dma_start3A_223 = arith.constant 0 : i32
    %dma_start3A_224 = tpu.memref_slice %arg4[%add3A_222, %dma_start3A_223] : memref<32768x1024xf32, #tpu.memory_space<hbm>> -> memref<32x1024xf32, #tpu.memory_space<hbm>>
    %dma_start3A_225 = arith.constant 0 : i32
    %dma_start3A_226 = tpu.memref_slice %arg4[%add3A_222, %dma_start3A_225] : memref<32768x1024xf32, #tpu.memory_space<hbm>> -> memref<32x1024xf32, #tpu.memory_space<hbm>>
    tpu.enqueue_dma source(%arg6 : memref<32x1024xf32, #tpu.memory_space<vmem>>) target(%dma_start3A_226 : memref<32x1024xf32, #tpu.memory_space<hbm>>) target_semaphore(%arg12 : memref<!tpu.dma_semaphore, #tpu.memory_space<semaphore_mem>>)
    %dma_wait3A_227 = arith.constant 0 : i32
    %dma_wait3A_228 = tpu.memref_slice %arg4[%add3A_222, %dma_wait3A_227] : memref<32768x1024xf32, #tpu.memory_space<hbm>> -> memref<32x1024xf32, #tpu.memory_space<hbm>>
    %dma_wait3A_229 = arith.constant 0 : i32
    %dma_wait3A_230 = tpu.memref_slice %arg4[%add3A_222, %dma_wait3A_229] : memref<32768x1024xf32, #tpu.memory_space<hbm>> -> memref<32x1024xf32, #tpu.memory_space<hbm>>
    tpu.wait_dma2 semaphore(%arg12 : memref<!tpu.dma_semaphore, #tpu.memory_space<semaphore_mem>>) src(%arg6 : memref<32x1024xf32, #tpu.memory_space<vmem>>) dst(%dma_wait3A_230 : memref<32x1024xf32, #tpu.memory_space<hbm>>)
    %dma_start3A_231 = arith.constant 384 : i32
    %dma_start3A_232 = tpu.memref_slice %arg5[%dma_start3A_231] : memref<1024xi32, #tpu.memory_space<vmem>> -> memref<32xi32, #tpu.memory_space<vmem>>
    %dma_start3A_233 = arith.constant 0 : i32
    %dma_start3A_234 = arith.constant 0 : i32
    %dma_start3A_235 = tpu.memref_slice %arg2[%dma_start3A_233, %dma_start3A_234] : memref<8192x1024xf32, #tpu.memory_space<hbm>> -> memref<8192x1024xf32, #tpu.memory_space<hbm>>
    tpu.enqueue_indirect_dma source(%dma_start3A_235 : memref<8192x1024xf32, #tpu.memory_space<hbm>>) target(%arg6 : memref<32x1024xf32, #tpu.memory_space<vmem>>) offsets(%dma_start3A_232 : memref<32xi32, #tpu.memory_space<vmem>>) semaphore(%arg9 : memref<!tpu.dma_semaphore, #tpu.memory_space<semaphore_mem>>)
    %dma_wait3A_236 = arith.constant 320 : i32
    %dma_wait3A_237 = tpu.memref_slice %arg5[%dma_wait3A_236] : memref<1024xi32, #tpu.memory_space<vmem>> -> memref<32xi32, #tpu.memory_space<vmem>>
    %dma_wait3A_238 = arith.constant 0 : i32
    %dma_wait3A_239 = arith.constant 0 : i32
    %dma_wait3A_240 = tpu.memref_slice %arg2[%dma_wait3A_238, %dma_wait3A_239] : memref<8192x1024xf32, #tpu.memory_space<hbm>> -> memref<8192x1024xf32, #tpu.memory_space<hbm>>
    tpu.wait_indirect_dma semaphore(%arg10 : memref<!tpu.dma_semaphore, #tpu.memory_space<semaphore_mem>>) src(%dma_wait3A_240 : memref<8192x1024xf32, #tpu.memory_space<hbm>>) dst(%arg7 : memref<32x1024xf32, #tpu.memory_space<vmem>>)
    %add3A_241 = arith.constant 320 : i32
    %add3A_242 = arith.addi %mul3A_2, %add3A_241 : i32
    %dma_start3A_243 = arith.constant 0 : i32
    %dma_start3A_244 = tpu.memref_slice %arg4[%add3A_242, %dma_start3A_243] : memref<32768x1024xf32, #tpu.memory_space<hbm>> -> memref<32x1024xf32, #tpu.memory_space<hbm>>
    %dma_start3A_245 = arith.constant 0 : i32
    %dma_start3A_246 = tpu.memref_slice %arg4[%add3A_242, %dma_start3A_245] : memref<32768x1024xf32, #tpu.memory_space<hbm>> -> memref<32x1024xf32, #tpu.memory_space<hbm>>
    tpu.enqueue_dma source(%arg7 : memref<32x1024xf32, #tpu.memory_space<vmem>>) target(%dma_start3A_246 : memref<32x1024xf32, #tpu.memory_space<hbm>>) target_semaphore(%arg13 : memref<!tpu.dma_semaphore, #tpu.memory_space<semaphore_mem>>)
    %dma_wait3A_247 = arith.constant 0 : i32
    %dma_wait3A_248 = tpu.memref_slice %arg4[%add3A_242, %dma_wait3A_247] : memref<32768x1024xf32, #tpu.memory_space<hbm>> -> memref<32x1024xf32, #tpu.memory_space<hbm>>
    %dma_wait3A_249 = arith.constant 0 : i32
    %dma_wait3A_250 = tpu.memref_slice %arg4[%add3A_242, %dma_wait3A_249] : memref<32768x1024xf32, #tpu.memory_space<hbm>> -> memref<32x1024xf32, #tpu.memory_space<hbm>>
    tpu.wait_dma2 semaphore(%arg13 : memref<!tpu.dma_semaphore, #tpu.memory_space<semaphore_mem>>) src(%arg7 : memref<32x1024xf32, #tpu.memory_space<vmem>>) dst(%dma_wait3A_250 : memref<32x1024xf32, #tpu.memory_space<hbm>>)
    %dma_start3A_251 = arith.constant 416 : i32
    %dma_start3A_252 = tpu.memref_slice %arg5[%dma_start3A_251] : memref<1024xi32, #tpu.memory_space<vmem>> -> memref<32xi32, #tpu.memory_space<vmem>>
    %dma_start3A_253 = arith.constant 0 : i32
    %dma_start3A_254 = arith.constant 0 : i32
    %dma_start3A_255 = tpu.memref_slice %arg2[%dma_start3A_253, %dma_start3A_254] : memref<8192x1024xf32, #tpu.memory_space<hbm>> -> memref<8192x1024xf32, #tpu.memory_space<hbm>>
    tpu.enqueue_indirect_dma source(%dma_start3A_255 : memref<8192x1024xf32, #tpu.memory_space<hbm>>) target(%arg7 : memref<32x1024xf32, #tpu.memory_space<vmem>>) offsets(%dma_start3A_252 : memref<32xi32, #tpu.memory_space<vmem>>) semaphore(%arg10 : memref<!tpu.dma_semaphore, #tpu.memory_space<semaphore_mem>>)
    %dma_wait3A_256 = arith.constant 352 : i32
    %dma_wait3A_257 = tpu.memref_slice %arg5[%dma_wait3A_256] : memref<1024xi32, #tpu.memory_space<vmem>> -> memref<32xi32, #tpu.memory_space<vmem>>
    %dma_wait3A_258 = arith.constant 0 : i32
    %dma_wait3A_259 = arith.constant 0 : i32
    %dma_wait3A_260 = tpu.memref_slice %arg2[%dma_wait3A_258, %dma_wait3A_259] : memref<8192x1024xf32, #tpu.memory_space<hbm>> -> memref<8192x1024xf32, #tpu.memory_space<hbm>>
    tpu.wait_indirect_dma semaphore(%arg11 : memref<!tpu.dma_semaphore, #tpu.memory_space<semaphore_mem>>) src(%dma_wait3A_260 : memref<8192x1024xf32, #tpu.memory_space<hbm>>) dst(%arg8 : memref<32x1024xf32, #tpu.memory_space<vmem>>)
    %add3A_261 = arith.constant 352 : i32
    %add3A_262 = arith.addi %mul3A_2, %add3A_261 : i32
    %dma_start3A_263 = arith.constant 0 : i32
    %dma_start3A_264 = tpu.memref_slice %arg4[%add3A_262, %dma_start3A_263] : memref<32768x1024xf32, #tpu.memory_space<hbm>> -> memref<32x1024xf32, #tpu.memory_space<hbm>>
    %dma_start3A_265 = arith.constant 0 : i32
    %dma_start3A_266 = tpu.memref_slice %arg4[%add3A_262, %dma_start3A_265] : memref<32768x1024xf32, #tpu.memory_space<hbm>> -> memref<32x1024xf32, #tpu.memory_space<hbm>>
    tpu.enqueue_dma source(%arg8 : memref<32x1024xf32, #tpu.memory_space<vmem>>) target(%dma_start3A_266 : memref<32x1024xf32, #tpu.memory_space<hbm>>) target_semaphore(%arg14 : memref<!tpu.dma_semaphore, #tpu.memory_space<semaphore_mem>>)
    %dma_wait3A_267 = arith.constant 0 : i32
    %dma_wait3A_268 = tpu.memref_slice %arg4[%add3A_262, %dma_wait3A_267] : memref<32768x1024xf32, #tpu.memory_space<hbm>> -> memref<32x1024xf32, #tpu.memory_space<hbm>>
    %dma_wait3A_269 = arith.constant 0 : i32
    %dma_wait3A_270 = tpu.memref_slice %arg4[%add3A_262, %dma_wait3A_269] : memref<32768x1024xf32, #tpu.memory_space<hbm>> -> memref<32x1024xf32, #tpu.memory_space<hbm>>
    tpu.wait_dma2 semaphore(%arg14 : memref<!tpu.dma_semaphore, #tpu.memory_space<semaphore_mem>>) src(%arg8 : memref<32x1024xf32, #tpu.memory_space<vmem>>) dst(%dma_wait3A_270 : memref<32x1024xf32, #tpu.memory_space<hbm>>)
    %dma_start3A_271 = arith.constant 448 : i32
    %dma_start3A_272 = tpu.memref_slice %arg5[%dma_start3A_271] : memref<1024xi32, #tpu.memory_space<vmem>> -> memref<32xi32, #tpu.memory_space<vmem>>
    %dma_start3A_273 = arith.constant 0 : i32
    %dma_start3A_274 = arith.constant 0 : i32
    %dma_start3A_275 = tpu.memref_slice %arg2[%dma_start3A_273, %dma_start3A_274] : memref<8192x1024xf32, #tpu.memory_space<hbm>> -> memref<8192x1024xf32, #tpu.memory_space<hbm>>
    tpu.enqueue_indirect_dma source(%dma_start3A_275 : memref<8192x1024xf32, #tpu.memory_space<hbm>>) target(%arg8 : memref<32x1024xf32, #tpu.memory_space<vmem>>) offsets(%dma_start3A_272 : memref<32xi32, #tpu.memory_space<vmem>>) semaphore(%arg11 : memref<!tpu.dma_semaphore, #tpu.memory_space<semaphore_mem>>)
    %dma_wait3A_276 = arith.constant 384 : i32
    %dma_wait3A_277 = tpu.memref_slice %arg5[%dma_wait3A_276] : memref<1024xi32, #tpu.memory_space<vmem>> -> memref<32xi32, #tpu.memory_space<vmem>>
    %dma_wait3A_278 = arith.constant 0 : i32
    %dma_wait3A_279 = arith.constant 0 : i32
    %dma_wait3A_280 = tpu.memref_slice %arg2[%dma_wait3A_278, %dma_wait3A_279] : memref<8192x1024xf32, #tpu.memory_space<hbm>> -> memref<8192x1024xf32, #tpu.memory_space<hbm>>
    tpu.wait_indirect_dma semaphore(%arg9 : memref<!tpu.dma_semaphore, #tpu.memory_space<semaphore_mem>>) src(%dma_wait3A_280 : memref<8192x1024xf32, #tpu.memory_space<hbm>>) dst(%arg6 : memref<32x1024xf32, #tpu.memory_space<vmem>>)
    %add3A_281 = arith.constant 384 : i32
    %add3A_282 = arith.addi %mul3A_2, %add3A_281 : i32
    %dma_start3A_283 = arith.constant 0 : i32
    %dma_start3A_284 = tpu.memref_slice %arg4[%add3A_282, %dma_start3A_283] : memref<32768x1024xf32, #tpu.memory_space<hbm>> -> memref<32x1024xf32, #tpu.memory_space<hbm>>
    %dma_start3A_285 = arith.constant 0 : i32
    %dma_start3A_286 = tpu.memref_slice %arg4[%add3A_282, %dma_start3A_285] : memref<32768x1024xf32, #tpu.memory_space<hbm>> -> memref<32x1024xf32, #tpu.memory_space<hbm>>
    tpu.enqueue_dma source(%arg6 : memref<32x1024xf32, #tpu.memory_space<vmem>>) target(%dma_start3A_286 : memref<32x1024xf32, #tpu.memory_space<hbm>>) target_semaphore(%arg12 : memref<!tpu.dma_semaphore, #tpu.memory_space<semaphore_mem>>)
    %dma_wait3A_287 = arith.constant 0 : i32
    %dma_wait3A_288 = tpu.memref_slice %arg4[%add3A_282, %dma_wait3A_287] : memref<32768x1024xf32, #tpu.memory_space<hbm>> -> memref<32x1024xf32, #tpu.memory_space<hbm>>
    %dma_wait3A_289 = arith.constant 0 : i32
    %dma_wait3A_290 = tpu.memref_slice %arg4[%add3A_282, %dma_wait3A_289] : memref<32768x1024xf32, #tpu.memory_space<hbm>> -> memref<32x1024xf32, #tpu.memory_space<hbm>>
    tpu.wait_dma2 semaphore(%arg12 : memref<!tpu.dma_semaphore, #tpu.memory_space<semaphore_mem>>) src(%arg6 : memref<32x1024xf32, #tpu.memory_space<vmem>>) dst(%dma_wait3A_290 : memref<32x1024xf32, #tpu.memory_space<hbm>>)
    %dma_start3A_291 = arith.constant 480 : i32
    %dma_start3A_292 = tpu.memref_slice %arg5[%dma_start3A_291] : memref<1024xi32, #tpu.memory_space<vmem>> -> memref<32xi32, #tpu.memory_space<vmem>>
    %dma_start3A_293 = arith.constant 0 : i32
    %dma_start3A_294 = arith.constant 0 : i32
    %dma_start3A_295 = tpu.memref_slice %arg2[%dma_start3A_293, %dma_start3A_294] : memref<8192x1024xf32, #tpu.memory_space<hbm>> -> memref<8192x1024xf32, #tpu.memory_space<hbm>>
    tpu.enqueue_indirect_dma source(%dma_start3A_295 : memref<8192x1024xf32, #tpu.memory_space<hbm>>) target(%arg6 : memref<32x1024xf32, #tpu.memory_space<vmem>>) offsets(%dma_start3A_292 : memref<32xi32, #tpu.memory_space<vmem>>) semaphore(%arg9 : memref<!tpu.dma_semaphore, #tpu.memory_space<semaphore_mem>>)
    %dma_wait3A_296 = arith.constant 416 : i32
    %dma_wait3A_297 = tpu.memref_slice %arg5[%dma_wait3A_296] : memref<1024xi32, #tpu.memory_space<vmem>> -> memref<32xi32, #tpu.memory_space<vmem>>
    %dma_wait3A_298 = arith.constant 0 : i32
    %dma_wait3A_299 = arith.constant 0 : i32
    %dma_wait3A_300 = tpu.memref_slice %arg2[%dma_wait3A_298, %dma_wait3A_299] : memref<8192x1024xf32, #tpu.memory_space<hbm>> -> memref<8192x1024xf32, #tpu.memory_space<hbm>>
    tpu.wait_indirect_dma semaphore(%arg10 : memref<!tpu.dma_semaphore, #tpu.memory_space<semaphore_mem>>) src(%dma_wait3A_300 : memref<8192x1024xf32, #tpu.memory_space<hbm>>) dst(%arg7 : memref<32x1024xf32, #tpu.memory_space<vmem>>)
    %add3A_301 = arith.constant 416 : i32
    %add3A_302 = arith.addi %mul3A_2, %add3A_301 : i32
    %dma_start3A_303 = arith.constant 0 : i32
    %dma_start3A_304 = tpu.memref_slice %arg4[%add3A_302, %dma_start3A_303] : memref<32768x1024xf32, #tpu.memory_space<hbm>> -> memref<32x1024xf32, #tpu.memory_space<hbm>>
    %dma_start3A_305 = arith.constant 0 : i32
    %dma_start3A_306 = tpu.memref_slice %arg4[%add3A_302, %dma_start3A_305] : memref<32768x1024xf32, #tpu.memory_space<hbm>> -> memref<32x1024xf32, #tpu.memory_space<hbm>>
    tpu.enqueue_dma source(%arg7 : memref<32x1024xf32, #tpu.memory_space<vmem>>) target(%dma_start3A_306 : memref<32x1024xf32, #tpu.memory_space<hbm>>) target_semaphore(%arg13 : memref<!tpu.dma_semaphore, #tpu.memory_space<semaphore_mem>>)
    %dma_wait3A_307 = arith.constant 512 : i32
    %dma_wait3A_308 = tpu.memref_slice %arg5[%dma_wait3A_307] : memref<1024xi32, #tpu.memory_space<vmem>> -> memref<512xi32, #tpu.memory_space<vmem>>
    %dma_wait3A_309 = tpu.memref_slice %arg3[%add3A_9] : memref<32768xi32, #tpu.memory_space<hbm>> -> memref<512xi32, #tpu.memory_space<hbm>>
    %dma_wait3A_310 = arith.constant 512 : i32
    %dma_wait3A_311 = tpu.memref_slice %arg5[%dma_wait3A_310] : memref<1024xi32, #tpu.memory_space<vmem>> -> memref<512xi32, #tpu.memory_space<vmem>>
    %dma_wait3A_312 = tpu.memref_slice %arg3[%add3A_9] : memref<32768xi32, #tpu.memory_space<hbm>> -> memref<512xi32, #tpu.memory_space<hbm>>
    tpu.wait_dma2 semaphore(%arg16 : memref<!tpu.dma_semaphore, #tpu.memory_space<semaphore_mem>>) src(%dma_wait3A_312 : memref<512xi32, #tpu.memory_space<hbm>>) dst(%dma_wait3A_311 : memref<512xi32, #tpu.memory_space<vmem>>)
    %dma_wait3A_313 = arith.constant 0 : i32
    %dma_wait3A_314 = tpu.memref_slice %arg4[%add3A_302, %dma_wait3A_313] : memref<32768x1024xf32, #tpu.memory_space<hbm>> -> memref<32x1024xf32, #tpu.memory_space<hbm>>
    %dma_wait3A_315 = arith.constant 0 : i32
    %dma_wait3A_316 = tpu.memref_slice %arg4[%add3A_302, %dma_wait3A_315] : memref<32768x1024xf32, #tpu.memory_space<hbm>> -> memref<32x1024xf32, #tpu.memory_space<hbm>>
    tpu.wait_dma2 semaphore(%arg13 : memref<!tpu.dma_semaphore, #tpu.memory_space<semaphore_mem>>) src(%arg7 : memref<32x1024xf32, #tpu.memory_space<vmem>>) dst(%dma_wait3A_316 : memref<32x1024xf32, #tpu.memory_space<hbm>>)
    %dma_start3A_317 = arith.constant 512 : i32
    %dma_start3A_318 = tpu.memref_slice %arg5[%dma_start3A_317] : memref<1024xi32, #tpu.memory_space<vmem>> -> memref<32xi32, #tpu.memory_space<vmem>>
    %dma_start3A_319 = arith.constant 0 : i32
    %dma_start3A_320 = arith.constant 0 : i32
    %dma_start3A_321 = tpu.memref_slice %arg2[%dma_start3A_319, %dma_start3A_320] : memref<8192x1024xf32, #tpu.memory_space<hbm>> -> memref<8192x1024xf32, #tpu.memory_space<hbm>>
    tpu.enqueue_indirect_dma source(%dma_start3A_321 : memref<8192x1024xf32, #tpu.memory_space<hbm>>) target(%arg7 : memref<32x1024xf32, #tpu.memory_space<vmem>>) offsets(%dma_start3A_318 : memref<32xi32, #tpu.memory_space<vmem>>) semaphore(%arg10 : memref<!tpu.dma_semaphore, #tpu.memory_space<semaphore_mem>>)
    %dma_wait3A_322 = arith.constant 448 : i32
    %dma_wait3A_323 = tpu.memref_slice %arg5[%dma_wait3A_322] : memref<1024xi32, #tpu.memory_space<vmem>> -> memref<32xi32, #tpu.memory_space<vmem>>
    %dma_wait3A_324 = arith.constant 0 : i32
    %dma_wait3A_325 = arith.constant 0 : i32
    %dma_wait3A_326 = tpu.memref_slice %arg2[%dma_wait3A_324, %dma_wait3A_325] : memref<8192x1024xf32, #tpu.memory_space<hbm>> -> memref<8192x1024xf32, #tpu.memory_space<hbm>>
    tpu.wait_indirect_dma semaphore(%arg11 : memref<!tpu.dma_semaphore, #tpu.memory_space<semaphore_mem>>) src(%dma_wait3A_326 : memref<8192x1024xf32, #tpu.memory_space<hbm>>) dst(%arg8 : memref<32x1024xf32, #tpu.memory_space<vmem>>)
    %add3A_327 = arith.constant 448 : i32
    %add3A_328 = arith.addi %mul3A_2, %add3A_327 : i32
    %dma_start3A_329 = arith.constant 0 : i32
    %dma_start3A_330 = tpu.memref_slice %arg4[%add3A_328, %dma_start3A_329] : memref<32768x1024xf32, #tpu.memory_space<hbm>> -> memref<32x1024xf32, #tpu.memory_space<hbm>>
    %dma_start3A_331 = arith.constant 0 : i32
    %dma_start3A_332 = tpu.memref_slice %arg4[%add3A_328, %dma_start3A_331] : memref<32768x1024xf32, #tpu.memory_space<hbm>> -> memref<32x1024xf32, #tpu.memory_space<hbm>>
    tpu.enqueue_dma source(%arg8 : memref<32x1024xf32, #tpu.memory_space<vmem>>) target(%dma_start3A_332 : memref<32x1024xf32, #tpu.memory_space<hbm>>) target_semaphore(%arg14 : memref<!tpu.dma_semaphore, #tpu.memory_space<semaphore_mem>>)
    %dma_wait3A_333 = arith.constant 0 : i32
    %dma_wait3A_334 = tpu.memref_slice %arg4[%add3A_328, %dma_wait3A_333] : memref<32768x1024xf32, #tpu.memory_space<hbm>> -> memref<32x1024xf32, #tpu.memory_space<hbm>>
    %dma_wait3A_335 = arith.constant 0 : i32
    %dma_wait3A_336 = tpu.memref_slice %arg4[%add3A_328, %dma_wait3A_335] : memref<32768x1024xf32, #tpu.memory_space<hbm>> -> memref<32x1024xf32, #tpu.memory_space<hbm>>
    tpu.wait_dma2 semaphore(%arg14 : memref<!tpu.dma_semaphore, #tpu.memory_space<semaphore_mem>>) src(%arg8 : memref<32x1024xf32, #tpu.memory_space<vmem>>) dst(%dma_wait3A_336 : memref<32x1024xf32, #tpu.memory_space<hbm>>)
    %dma_start3A_337 = arith.constant 544 : i32
    %dma_start3A_338 = tpu.memref_slice %arg5[%dma_start3A_337] : memref<1024xi32, #tpu.memory_space<vmem>> -> memref<32xi32, #tpu.memory_space<vmem>>
    %dma_start3A_339 = arith.constant 0 : i32
    %dma_start3A_340 = arith.constant 0 : i32
    %dma_start3A_341 = tpu.memref_slice %arg2[%dma_start3A_339, %dma_start3A_340] : memref<8192x1024xf32, #tpu.memory_space<hbm>> -> memref<8192x1024xf32, #tpu.memory_space<hbm>>
    tpu.enqueue_indirect_dma source(%dma_start3A_341 : memref<8192x1024xf32, #tpu.memory_space<hbm>>) target(%arg8 : memref<32x1024xf32, #tpu.memory_space<vmem>>) offsets(%dma_start3A_338 : memref<32xi32, #tpu.memory_space<vmem>>) semaphore(%arg11 : memref<!tpu.dma_semaphore, #tpu.memory_space<semaphore_mem>>)
    %dma_wait3A_342 = arith.constant 480 : i32
    %dma_wait3A_343 = tpu.memref_slice %arg5[%dma_wait3A_342] : memref<1024xi32, #tpu.memory_space<vmem>> -> memref<32xi32, #tpu.memory_space<vmem>>
    %dma_wait3A_344 = arith.constant 0 : i32
    %dma_wait3A_345 = arith.constant 0 : i32
    %dma_wait3A_346 = tpu.memref_slice %arg2[%dma_wait3A_344, %dma_wait3A_345] : memref<8192x1024xf32, #tpu.memory_space<hbm>> -> memref<8192x1024xf32, #tpu.memory_space<hbm>>
    tpu.wait_indirect_dma semaphore(%arg9 : memref<!tpu.dma_semaphore, #tpu.memory_space<semaphore_mem>>) src(%dma_wait3A_346 : memref<8192x1024xf32, #tpu.memory_space<hbm>>) dst(%arg6 : memref<32x1024xf32, #tpu.memory_space<vmem>>)
    %add3A_347 = arith.constant 480 : i32
    %add3A_348 = arith.addi %mul3A_2, %add3A_347 : i32
    %dma_start3A_349 = arith.constant 0 : i32
    %dma_start3A_350 = tpu.memref_slice %arg4[%add3A_348, %dma_start3A_349] : memref<32768x1024xf32, #tpu.memory_space<hbm>> -> memref<32x1024xf32, #tpu.memory_space<hbm>>
    %dma_start3A_351 = arith.constant 0 : i32
    %dma_start3A_352 = tpu.memref_slice %arg4[%add3A_348, %dma_start3A_351] : memref<32768x1024xf32, #tpu.memory_space<hbm>> -> memref<32x1024xf32, #tpu.memory_space<hbm>>
    tpu.enqueue_dma source(%arg6 : memref<32x1024xf32, #tpu.memory_space<vmem>>) target(%dma_start3A_352 : memref<32x1024xf32, #tpu.memory_space<hbm>>) target_semaphore(%arg12 : memref<!tpu.dma_semaphore, #tpu.memory_space<semaphore_mem>>)
    %dma_wait3A_353 = arith.constant 0 : i32
    %dma_wait3A_354 = tpu.memref_slice %arg4[%add3A_348, %dma_wait3A_353] : memref<32768x1024xf32, #tpu.memory_space<hbm>> -> memref<32x1024xf32, #tpu.memory_space<hbm>>
    %dma_wait3A_355 = arith.constant 0 : i32
    %dma_wait3A_356 = tpu.memref_slice %arg4[%add3A_348, %dma_wait3A_355] : memref<32768x1024xf32, #tpu.memory_space<hbm>> -> memref<32x1024xf32, #tpu.memory_space<hbm>>
    tpu.wait_dma2 semaphore(%arg12 : memref<!tpu.dma_semaphore, #tpu.memory_space<semaphore_mem>>) src(%arg6 : memref<32x1024xf32, #tpu.memory_space<vmem>>) dst(%dma_wait3A_356 : memref<32x1024xf32, #tpu.memory_space<hbm>>)
    %dma_start3A_357 = arith.constant 576 : i32
    %dma_start3A_358 = tpu.memref_slice %arg5[%dma_start3A_357] : memref<1024xi32, #tpu.memory_space<vmem>> -> memref<32xi32, #tpu.memory_space<vmem>>
    %dma_start3A_359 = arith.constant 0 : i32
    %dma_start3A_360 = arith.constant 0 : i32
    %dma_start3A_361 = tpu.memref_slice %arg2[%dma_start3A_359, %dma_start3A_360] : memref<8192x1024xf32, #tpu.memory_space<hbm>> -> memref<8192x1024xf32, #tpu.memory_space<hbm>>
    tpu.enqueue_indirect_dma source(%dma_start3A_361 : memref<8192x1024xf32, #tpu.memory_space<hbm>>) target(%arg6 : memref<32x1024xf32, #tpu.memory_space<vmem>>) offsets(%dma_start3A_358 : memref<32xi32, #tpu.memory_space<vmem>>) semaphore(%arg9 : memref<!tpu.dma_semaphore, #tpu.memory_space<semaphore_mem>>)
    %dma_wait3A_362 = arith.constant 512 : i32
    %dma_wait3A_363 = tpu.memref_slice %arg5[%dma_wait3A_362] : memref<1024xi32, #tpu.memory_space<vmem>> -> memref<32xi32, #tpu.memory_space<vmem>>
    %dma_wait3A_364 = arith.constant 0 : i32
    %dma_wait3A_365 = arith.constant 0 : i32
    %dma_wait3A_366 = tpu.memref_slice %arg2[%dma_wait3A_364, %dma_wait3A_365] : memref<8192x1024xf32, #tpu.memory_space<hbm>> -> memref<8192x1024xf32, #tpu.memory_space<hbm>>
    tpu.wait_indirect_dma semaphore(%arg10 : memref<!tpu.dma_semaphore, #tpu.memory_space<semaphore_mem>>) src(%dma_wait3A_366 : memref<8192x1024xf32, #tpu.memory_space<hbm>>) dst(%arg7 : memref<32x1024xf32, #tpu.memory_space<vmem>>)
    %add3A_367 = arith.constant 512 : i32
    %add3A_368 = arith.addi %mul3A_2, %add3A_367 : i32
    %dma_start3A_369 = arith.constant 0 : i32
    %dma_start3A_370 = tpu.memref_slice %arg4[%add3A_368, %dma_start3A_369] : memref<32768x1024xf32, #tpu.memory_space<hbm>> -> memref<32x1024xf32, #tpu.memory_space<hbm>>
    %dma_start3A_371 = arith.constant 0 : i32
    %dma_start3A_372 = tpu.memref_slice %arg4[%add3A_368, %dma_start3A_371] : memref<32768x1024xf32, #tpu.memory_space<hbm>> -> memref<32x1024xf32, #tpu.memory_space<hbm>>
    tpu.enqueue_dma source(%arg7 : memref<32x1024xf32, #tpu.memory_space<vmem>>) target(%dma_start3A_372 : memref<32x1024xf32, #tpu.memory_space<hbm>>) target_semaphore(%arg13 : memref<!tpu.dma_semaphore, #tpu.memory_space<semaphore_mem>>)
    %dma_wait3A_373 = arith.constant 0 : i32
    %dma_wait3A_374 = tpu.memref_slice %arg4[%add3A_368, %dma_wait3A_373] : memref<32768x1024xf32, #tpu.memory_space<hbm>> -> memref<32x1024xf32, #tpu.memory_space<hbm>>
    %dma_wait3A_375 = arith.constant 0 : i32
    %dma_wait3A_376 = tpu.memref_slice %arg4[%add3A_368, %dma_wait3A_375] : memref<32768x1024xf32, #tpu.memory_space<hbm>> -> memref<32x1024xf32, #tpu.memory_space<hbm>>
    tpu.wait_dma2 semaphore(%arg13 : memref<!tpu.dma_semaphore, #tpu.memory_space<semaphore_mem>>) src(%arg7 : memref<32x1024xf32, #tpu.memory_space<vmem>>) dst(%dma_wait3A_376 : memref<32x1024xf32, #tpu.memory_space<hbm>>)
    %dma_start3A_377 = arith.constant 608 : i32
    %dma_start3A_378 = tpu.memref_slice %arg5[%dma_start3A_377] : memref<1024xi32, #tpu.memory_space<vmem>> -> memref<32xi32, #tpu.memory_space<vmem>>
    %dma_start3A_379 = arith.constant 0 : i32
    %dma_start3A_380 = arith.constant 0 : i32
    %dma_start3A_381 = tpu.memref_slice %arg2[%dma_start3A_379, %dma_start3A_380] : memref<8192x1024xf32, #tpu.memory_space<hbm>> -> memref<8192x1024xf32, #tpu.memory_space<hbm>>
    tpu.enqueue_indirect_dma source(%dma_start3A_381 : memref<8192x1024xf32, #tpu.memory_space<hbm>>) target(%arg7 : memref<32x1024xf32, #tpu.memory_space<vmem>>) offsets(%dma_start3A_378 : memref<32xi32, #tpu.memory_space<vmem>>) semaphore(%arg10 : memref<!tpu.dma_semaphore, #tpu.memory_space<semaphore_mem>>)
    %dma_wait3A_382 = arith.constant 544 : i32
    %dma_wait3A_383 = tpu.memref_slice %arg5[%dma_wait3A_382] : memref<1024xi32, #tpu.memory_space<vmem>> -> memref<32xi32, #tpu.memory_space<vmem>>
    %dma_wait3A_384 = arith.constant 0 : i32
    %dma_wait3A_385 = arith.constant 0 : i32
    %dma_wait3A_386 = tpu.memref_slice %arg2[%dma_wait3A_384, %dma_wait3A_385] : memref<8192x1024xf32, #tpu.memory_space<hbm>> -> memref<8192x1024xf32, #tpu.memory_space<hbm>>
    tpu.wait_indirect_dma semaphore(%arg11 : memref<!tpu.dma_semaphore, #tpu.memory_space<semaphore_mem>>) src(%dma_wait3A_386 : memref<8192x1024xf32, #tpu.memory_space<hbm>>) dst(%arg8 : memref<32x1024xf32, #tpu.memory_space<vmem>>)
    %add3A_387 = arith.constant 544 : i32
    %add3A_388 = arith.addi %mul3A_2, %add3A_387 : i32
    %dma_start3A_389 = arith.constant 0 : i32
    %dma_start3A_390 = tpu.memref_slice %arg4[%add3A_388, %dma_start3A_389] : memref<32768x1024xf32, #tpu.memory_space<hbm>> -> memref<32x1024xf32, #tpu.memory_space<hbm>>
    %dma_start3A_391 = arith.constant 0 : i32
    %dma_start3A_392 = tpu.memref_slice %arg4[%add3A_388, %dma_start3A_391] : memref<32768x1024xf32, #tpu.memory_space<hbm>> -> memref<32x1024xf32, #tpu.memory_space<hbm>>
    tpu.enqueue_dma source(%arg8 : memref<32x1024xf32, #tpu.memory_space<vmem>>) target(%dma_start3A_392 : memref<32x1024xf32, #tpu.memory_space<hbm>>) target_semaphore(%arg14 : memref<!tpu.dma_semaphore, #tpu.memory_space<semaphore_mem>>)
    %dma_wait3A_393 = arith.constant 0 : i32
    %dma_wait3A_394 = tpu.memref_slice %arg4[%add3A_388, %dma_wait3A_393] : memref<32768x1024xf32, #tpu.memory_space<hbm>> -> memref<32x1024xf32, #tpu.memory_space<hbm>>
    %dma_wait3A_395 = arith.constant 0 : i32
    %dma_wait3A_396 = tpu.memref_slice %arg4[%add3A_388, %dma_wait3A_395] : memref<32768x1024xf32, #tpu.memory_space<hbm>> -> memref<32x1024xf32, #tpu.memory_space<hbm>>
    tpu.wait_dma2 semaphore(%arg14 : memref<!tpu.dma_semaphore, #tpu.memory_space<semaphore_mem>>) src(%arg8 : memref<32x1024xf32, #tpu.memory_space<vmem>>) dst(%dma_wait3A_396 : memref<32x1024xf32, #tpu.memory_space<hbm>>)
    %dma_start3A_397 = arith.constant 640 : i32
    %dma_start3A_398 = tpu.memref_slice %arg5[%dma_start3A_397] : memref<1024xi32, #tpu.memory_space<vmem>> -> memref<32xi32, #tpu.memory_space<vmem>>
    %dma_start3A_399 = arith.constant 0 : i32
    %dma_start3A_400 = arith.constant 0 : i32
    %dma_start3A_401 = tpu.memref_slice %arg2[%dma_start3A_399, %dma_start3A_400] : memref<8192x1024xf32, #tpu.memory_space<hbm>> -> memref<8192x1024xf32, #tpu.memory_space<hbm>>
    tpu.enqueue_indirect_dma source(%dma_start3A_401 : memref<8192x1024xf32, #tpu.memory_space<hbm>>) target(%arg8 : memref<32x1024xf32, #tpu.memory_space<vmem>>) offsets(%dma_start3A_398 : memref<32xi32, #tpu.memory_space<vmem>>) semaphore(%arg11 : memref<!tpu.dma_semaphore, #tpu.memory_space<semaphore_mem>>)
    %dma_wait3A_402 = arith.constant 576 : i32
    %dma_wait3A_403 = tpu.memref_slice %arg5[%dma_wait3A_402] : memref<1024xi32, #tpu.memory_space<vmem>> -> memref<32xi32, #tpu.memory_space<vmem>>
    %dma_wait3A_404 = arith.constant 0 : i32
    %dma_wait3A_405 = arith.constant 0 : i32
    %dma_wait3A_406 = tpu.memref_slice %arg2[%dma_wait3A_404, %dma_wait3A_405] : memref<8192x1024xf32, #tpu.memory_space<hbm>> -> memref<8192x1024xf32, #tpu.memory_space<hbm>>
    tpu.wait_indirect_dma semaphore(%arg9 : memref<!tpu.dma_semaphore, #tpu.memory_space<semaphore_mem>>) src(%dma_wait3A_406 : memref<8192x1024xf32, #tpu.memory_space<hbm>>) dst(%arg6 : memref<32x1024xf32, #tpu.memory_space<vmem>>)
    %add3A_407 = arith.constant 576 : i32
    %add3A_408 = arith.addi %mul3A_2, %add3A_407 : i32
    %dma_start3A_409 = arith.constant 0 : i32
    %dma_start3A_410 = tpu.memref_slice %arg4[%add3A_408, %dma_start3A_409] : memref<32768x1024xf32, #tpu.memory_space<hbm>> -> memref<32x1024xf32, #tpu.memory_space<hbm>>
    %dma_start3A_411 = arith.constant 0 : i32
    %dma_start3A_412 = tpu.memref_slice %arg4[%add3A_408, %dma_start3A_411] : memref<32768x1024xf32, #tpu.memory_space<hbm>> -> memref<32x1024xf32, #tpu.memory_space<hbm>>
    tpu.enqueue_dma source(%arg6 : memref<32x1024xf32, #tpu.memory_space<vmem>>) target(%dma_start3A_412 : memref<32x1024xf32, #tpu.memory_space<hbm>>) target_semaphore(%arg12 : memref<!tpu.dma_semaphore, #tpu.memory_space<semaphore_mem>>)
    %dma_wait3A_413 = arith.constant 0 : i32
    %dma_wait3A_414 = tpu.memref_slice %arg4[%add3A_408, %dma_wait3A_413] : memref<32768x1024xf32, #tpu.memory_space<hbm>> -> memref<32x1024xf32, #tpu.memory_space<hbm>>
    %dma_wait3A_415 = arith.constant 0 : i32
    %dma_wait3A_416 = tpu.memref_slice %arg4[%add3A_408, %dma_wait3A_415] : memref<32768x1024xf32, #tpu.memory_space<hbm>> -> memref<32x1024xf32, #tpu.memory_space<hbm>>
    tpu.wait_dma2 semaphore(%arg12 : memref<!tpu.dma_semaphore, #tpu.memory_space<semaphore_mem>>) src(%arg6 : memref<32x1024xf32, #tpu.memory_space<vmem>>) dst(%dma_wait3A_416 : memref<32x1024xf32, #tpu.memory_space<hbm>>)
    %dma_start3A_417 = arith.constant 672 : i32
    %dma_start3A_418 = tpu.memref_slice %arg5[%dma_start3A_417] : memref<1024xi32, #tpu.memory_space<vmem>> -> memref<32xi32, #tpu.memory_space<vmem>>
    %dma_start3A_419 = arith.constant 0 : i32
    %dma_start3A_420 = arith.constant 0 : i32
    %dma_start3A_421 = tpu.memref_slice %arg2[%dma_start3A_419, %dma_start3A_420] : memref<8192x1024xf32, #tpu.memory_space<hbm>> -> memref<8192x1024xf32, #tpu.memory_space<hbm>>
    tpu.enqueue_indirect_dma source(%dma_start3A_421 : memref<8192x1024xf32, #tpu.memory_space<hbm>>) target(%arg6 : memref<32x1024xf32, #tpu.memory_space<vmem>>) offsets(%dma_start3A_418 : memref<32xi32, #tpu.memory_space<vmem>>) semaphore(%arg9 : memref<!tpu.dma_semaphore, #tpu.memory_space<semaphore_mem>>)
    %dma_wait3A_422 = arith.constant 608 : i32
    %dma_wait3A_423 = tpu.memref_slice %arg5[%dma_wait3A_422] : memref<1024xi32, #tpu.memory_space<vmem>> -> memref<32xi32, #tpu.memory_space<vmem>>
    %dma_wait3A_424 = arith.constant 0 : i32
    %dma_wait3A_425 = arith.constant 0 : i32
    %dma_wait3A_426 = tpu.memref_slice %arg2[%dma_wait3A_424, %dma_wait3A_425] : memref<8192x1024xf32, #tpu.memory_space<hbm>> -> memref<8192x1024xf32, #tpu.memory_space<hbm>>
    tpu.wait_indirect_dma semaphore(%arg10 : memref<!tpu.dma_semaphore, #tpu.memory_space<semaphore_mem>>) src(%dma_wait3A_426 : memref<8192x1024xf32, #tpu.memory_space<hbm>>) dst(%arg7 : memref<32x1024xf32, #tpu.memory_space<vmem>>)
    %add3A_427 = arith.constant 608 : i32
    %add3A_428 = arith.addi %mul3A_2, %add3A_427 : i32
    %dma_start3A_429 = arith.constant 0 : i32
    %dma_start3A_430 = tpu.memref_slice %arg4[%add3A_428, %dma_start3A_429] : memref<32768x1024xf32, #tpu.memory_space<hbm>> -> memref<32x1024xf32, #tpu.memory_space<hbm>>
    %dma_start3A_431 = arith.constant 0 : i32
    %dma_start3A_432 = tpu.memref_slice %arg4[%add3A_428, %dma_start3A_431] : memref<32768x1024xf32, #tpu.memory_space<hbm>> -> memref<32x1024xf32, #tpu.memory_space<hbm>>
    tpu.enqueue_dma source(%arg7 : memref<32x1024xf32, #tpu.memory_space<vmem>>) target(%dma_start3A_432 : memref<32x1024xf32, #tpu.memory_space<hbm>>) target_semaphore(%arg13 : memref<!tpu.dma_semaphore, #tpu.memory_space<semaphore_mem>>)
    %dma_wait3A_433 = arith.constant 0 : i32
    %dma_wait3A_434 = tpu.memref_slice %arg4[%add3A_428, %dma_wait3A_433] : memref<32768x1024xf32, #tpu.memory_space<hbm>> -> memref<32x1024xf32, #tpu.memory_space<hbm>>
    %dma_wait3A_435 = arith.constant 0 : i32
    %dma_wait3A_436 = tpu.memref_slice %arg4[%add3A_428, %dma_wait3A_435] : memref<32768x1024xf32, #tpu.memory_space<hbm>> -> memref<32x1024xf32, #tpu.memory_space<hbm>>
    tpu.wait_dma2 semaphore(%arg13 : memref<!tpu.dma_semaphore, #tpu.memory_space<semaphore_mem>>) src(%arg7 : memref<32x1024xf32, #tpu.memory_space<vmem>>) dst(%dma_wait3A_436 : memref<32x1024xf32, #tpu.memory_space<hbm>>)
    %dma_start3A_437 = arith.constant 704 : i32
    %dma_start3A_438 = tpu.memref_slice %arg5[%dma_start3A_437] : memref<1024xi32, #tpu.memory_space<vmem>> -> memref<32xi32, #tpu.memory_space<vmem>>
    %dma_start3A_439 = arith.constant 0 : i32
    %dma_start3A_440 = arith.constant 0 : i32
    %dma_start3A_441 = tpu.memref_slice %arg2[%dma_start3A_439, %dma_start3A_440] : memref<8192x1024xf32, #tpu.memory_space<hbm>> -> memref<8192x1024xf32, #tpu.memory_space<hbm>>
    tpu.enqueue_indirect_dma source(%dma_start3A_441 : memref<8192x1024xf32, #tpu.memory_space<hbm>>) target(%arg7 : memref<32x1024xf32, #tpu.memory_space<vmem>>) offsets(%dma_start3A_438 : memref<32xi32, #tpu.memory_space<vmem>>) semaphore(%arg10 : memref<!tpu.dma_semaphore, #tpu.memory_space<semaphore_mem>>)
    %dma_wait3A_442 = arith.constant 640 : i32
    %dma_wait3A_443 = tpu.memref_slice %arg5[%dma_wait3A_442] : memref<1024xi32, #tpu.memory_space<vmem>> -> memref<32xi32, #tpu.memory_space<vmem>>
    %dma_wait3A_444 = arith.constant 0 : i32
    %dma_wait3A_445 = arith.constant 0 : i32
    %dma_wait3A_446 = tpu.memref_slice %arg2[%dma_wait3A_444, %dma_wait3A_445] : memref<8192x1024xf32, #tpu.memory_space<hbm>> -> memref<8192x1024xf32, #tpu.memory_space<hbm>>
    tpu.wait_indirect_dma semaphore(%arg11 : memref<!tpu.dma_semaphore, #tpu.memory_space<semaphore_mem>>) src(%dma_wait3A_446 : memref<8192x1024xf32, #tpu.memory_space<hbm>>) dst(%arg8 : memref<32x1024xf32, #tpu.memory_space<vmem>>)
    %add3A_447 = arith.constant 640 : i32
    %add3A_448 = arith.addi %mul3A_2, %add3A_447 : i32
    %dma_start3A_449 = arith.constant 0 : i32
    %dma_start3A_450 = tpu.memref_slice %arg4[%add3A_448, %dma_start3A_449] : memref<32768x1024xf32, #tpu.memory_space<hbm>> -> memref<32x1024xf32, #tpu.memory_space<hbm>>
    %dma_start3A_451 = arith.constant 0 : i32
    %dma_start3A_452 = tpu.memref_slice %arg4[%add3A_448, %dma_start3A_451] : memref<32768x1024xf32, #tpu.memory_space<hbm>> -> memref<32x1024xf32, #tpu.memory_space<hbm>>
    tpu.enqueue_dma source(%arg8 : memref<32x1024xf32, #tpu.memory_space<vmem>>) target(%dma_start3A_452 : memref<32x1024xf32, #tpu.memory_space<hbm>>) target_semaphore(%arg14 : memref<!tpu.dma_semaphore, #tpu.memory_space<semaphore_mem>>)
    %dma_wait3A_453 = arith.constant 0 : i32
    %dma_wait3A_454 = tpu.memref_slice %arg4[%add3A_448, %dma_wait3A_453] : memref<32768x1024xf32, #tpu.memory_space<hbm>> -> memref<32x1024xf32, #tpu.memory_space<hbm>>
    %dma_wait3A_455 = arith.constant 0 : i32
    %dma_wait3A_456 = tpu.memref_slice %arg4[%add3A_448, %dma_wait3A_455] : memref<32768x1024xf32, #tpu.memory_space<hbm>> -> memref<32x1024xf32, #tpu.memory_space<hbm>>
    tpu.wait_dma2 semaphore(%arg14 : memref<!tpu.dma_semaphore, #tpu.memory_space<semaphore_mem>>) src(%arg8 : memref<32x1024xf32, #tpu.memory_space<vmem>>) dst(%dma_wait3A_456 : memref<32x1024xf32, #tpu.memory_space<hbm>>)
    %dma_start3A_457 = arith.constant 736 : i32
    %dma_start3A_458 = tpu.memref_slice %arg5[%dma_start3A_457] : memref<1024xi32, #tpu.memory_space<vmem>> -> memref<32xi32, #tpu.memory_space<vmem>>
    %dma_start3A_459 = arith.constant 0 : i32
    %dma_start3A_460 = arith.constant 0 : i32
    %dma_start3A_461 = tpu.memref_slice %arg2[%dma_start3A_459, %dma_start3A_460] : memref<8192x1024xf32, #tpu.memory_space<hbm>> -> memref<8192x1024xf32, #tpu.memory_space<hbm>>
    tpu.enqueue_indirect_dma source(%dma_start3A_461 : memref<8192x1024xf32, #tpu.memory_space<hbm>>) target(%arg8 : memref<32x1024xf32, #tpu.memory_space<vmem>>) offsets(%dma_start3A_458 : memref<32xi32, #tpu.memory_space<vmem>>) semaphore(%arg11 : memref<!tpu.dma_semaphore, #tpu.memory_space<semaphore_mem>>)
    %dma_wait3A_462 = arith.constant 672 : i32
    %dma_wait3A_463 = tpu.memref_slice %arg5[%dma_wait3A_462] : memref<1024xi32, #tpu.memory_space<vmem>> -> memref<32xi32, #tpu.memory_space<vmem>>
    %dma_wait3A_464 = arith.constant 0 : i32
    %dma_wait3A_465 = arith.constant 0 : i32
    %dma_wait3A_466 = tpu.memref_slice %arg2[%dma_wait3A_464, %dma_wait3A_465] : memref<8192x1024xf32, #tpu.memory_space<hbm>> -> memref<8192x1024xf32, #tpu.memory_space<hbm>>
    tpu.wait_indirect_dma semaphore(%arg9 : memref<!tpu.dma_semaphore, #tpu.memory_space<semaphore_mem>>) src(%dma_wait3A_466 : memref<8192x1024xf32, #tpu.memory_space<hbm>>) dst(%arg6 : memref<32x1024xf32, #tpu.memory_space<vmem>>)
    %add3A_467 = arith.constant 672 : i32
    %add3A_468 = arith.addi %mul3A_2, %add3A_467 : i32
    %dma_start3A_469 = arith.constant 0 : i32
    %dma_start3A_470 = tpu.memref_slice %arg4[%add3A_468, %dma_start3A_469] : memref<32768x1024xf32, #tpu.memory_space<hbm>> -> memref<32x1024xf32, #tpu.memory_space<hbm>>
    %dma_start3A_471 = arith.constant 0 : i32
    %dma_start3A_472 = tpu.memref_slice %arg4[%add3A_468, %dma_start3A_471] : memref<32768x1024xf32, #tpu.memory_space<hbm>> -> memref<32x1024xf32, #tpu.memory_space<hbm>>
    tpu.enqueue_dma source(%arg6 : memref<32x1024xf32, #tpu.memory_space<vmem>>) target(%dma_start3A_472 : memref<32x1024xf32, #tpu.memory_space<hbm>>) target_semaphore(%arg12 : memref<!tpu.dma_semaphore, #tpu.memory_space<semaphore_mem>>)
    %dma_wait3A_473 = arith.constant 0 : i32
    %dma_wait3A_474 = tpu.memref_slice %arg4[%add3A_468, %dma_wait3A_473] : memref<32768x1024xf32, #tpu.memory_space<hbm>> -> memref<32x1024xf32, #tpu.memory_space<hbm>>
    %dma_wait3A_475 = arith.constant 0 : i32
    %dma_wait3A_476 = tpu.memref_slice %arg4[%add3A_468, %dma_wait3A_475] : memref<32768x1024xf32, #tpu.memory_space<hbm>> -> memref<32x1024xf32, #tpu.memory_space<hbm>>
    tpu.wait_dma2 semaphore(%arg12 : memref<!tpu.dma_semaphore, #tpu.memory_space<semaphore_mem>>) src(%arg6 : memref<32x1024xf32, #tpu.memory_space<vmem>>) dst(%dma_wait3A_476 : memref<32x1024xf32, #tpu.memory_space<hbm>>)
    %dma_start3A_477 = arith.constant 768 : i32
    %dma_start3A_478 = tpu.memref_slice %arg5[%dma_start3A_477] : memref<1024xi32, #tpu.memory_space<vmem>> -> memref<32xi32, #tpu.memory_space<vmem>>
    %dma_start3A_479 = arith.constant 0 : i32
    %dma_start3A_480 = arith.constant 0 : i32
    %dma_start3A_481 = tpu.memref_slice %arg2[%dma_start3A_479, %dma_start3A_480] : memref<8192x1024xf32, #tpu.memory_space<hbm>> -> memref<8192x1024xf32, #tpu.memory_space<hbm>>
    tpu.enqueue_indirect_dma source(%dma_start3A_481 : memref<8192x1024xf32, #tpu.memory_space<hbm>>) target(%arg6 : memref<32x1024xf32, #tpu.memory_space<vmem>>) offsets(%dma_start3A_478 : memref<32xi32, #tpu.memory_space<vmem>>) semaphore(%arg9 : memref<!tpu.dma_semaphore, #tpu.memory_space<semaphore_mem>>)
    %dma_wait3A_482 = arith.constant 704 : i32
    %dma_wait3A_483 = tpu.memref_slice %arg5[%dma_wait3A_482] : memref<1024xi32, #tpu.memory_space<vmem>> -> memref<32xi32, #tpu.memory_space<vmem>>
    %dma_wait3A_484 = arith.constant 0 : i32
    %dma_wait3A_485 = arith.constant 0 : i32
    %dma_wait3A_486 = tpu.memref_slice %arg2[%dma_wait3A_484, %dma_wait3A_485] : memref<8192x1024xf32, #tpu.memory_space<hbm>> -> memref<8192x1024xf32, #tpu.memory_space<hbm>>
    tpu.wait_indirect_dma semaphore(%arg10 : memref<!tpu.dma_semaphore, #tpu.memory_space<semaphore_mem>>) src(%dma_wait3A_486 : memref<8192x1024xf32, #tpu.memory_space<hbm>>) dst(%arg7 : memref<32x1024xf32, #tpu.memory_space<vmem>>)
    %add3A_487 = arith.constant 704 : i32
    %add3A_488 = arith.addi %mul3A_2, %add3A_487 : i32
    %dma_start3A_489 = arith.constant 0 : i32
    %dma_start3A_490 = tpu.memref_slice %arg4[%add3A_488, %dma_start3A_489] : memref<32768x1024xf32, #tpu.memory_space<hbm>> -> memref<32x1024xf32, #tpu.memory_space<hbm>>
    %dma_start3A_491 = arith.constant 0 : i32
    %dma_start3A_492 = tpu.memref_slice %arg4[%add3A_488, %dma_start3A_491] : memref<32768x1024xf32, #tpu.memory_space<hbm>> -> memref<32x1024xf32, #tpu.memory_space<hbm>>
    tpu.enqueue_dma source(%arg7 : memref<32x1024xf32, #tpu.memory_space<vmem>>) target(%dma_start3A_492 : memref<32x1024xf32, #tpu.memory_space<hbm>>) target_semaphore(%arg13 : memref<!tpu.dma_semaphore, #tpu.memory_space<semaphore_mem>>)
    %dma_wait3A_493 = arith.constant 0 : i32
    %dma_wait3A_494 = tpu.memref_slice %arg4[%add3A_488, %dma_wait3A_493] : memref<32768x1024xf32, #tpu.memory_space<hbm>> -> memref<32x1024xf32, #tpu.memory_space<hbm>>
    %dma_wait3A_495 = arith.constant 0 : i32
    %dma_wait3A_496 = tpu.memref_slice %arg4[%add3A_488, %dma_wait3A_495] : memref<32768x1024xf32, #tpu.memory_space<hbm>> -> memref<32x1024xf32, #tpu.memory_space<hbm>>
    tpu.wait_dma2 semaphore(%arg13 : memref<!tpu.dma_semaphore, #tpu.memory_space<semaphore_mem>>) src(%arg7 : memref<32x1024xf32, #tpu.memory_space<vmem>>) dst(%dma_wait3A_496 : memref<32x1024xf32, #tpu.memory_space<hbm>>)
    %dma_start3A_497 = arith.constant 800 : i32
    %dma_start3A_498 = tpu.memref_slice %arg5[%dma_start3A_497] : memref<1024xi32, #tpu.memory_space<vmem>> -> memref<32xi32, #tpu.memory_space<vmem>>
    %dma_start3A_499 = arith.constant 0 : i32
    %dma_start3A_500 = arith.constant 0 : i32
    %dma_start3A_501 = tpu.memref_slice %arg2[%dma_start3A_499, %dma_start3A_500] : memref<8192x1024xf32, #tpu.memory_space<hbm>> -> memref<8192x1024xf32, #tpu.memory_space<hbm>>
    tpu.enqueue_indirect_dma source(%dma_start3A_501 : memref<8192x1024xf32, #tpu.memory_space<hbm>>) target(%arg7 : memref<32x1024xf32, #tpu.memory_space<vmem>>) offsets(%dma_start3A_498 : memref<32xi32, #tpu.memory_space<vmem>>) semaphore(%arg10 : memref<!tpu.dma_semaphore, #tpu.memory_space<semaphore_mem>>)
    %dma_wait3A_502 = arith.constant 736 : i32
    %dma_wait3A_503 = tpu.memref_slice %arg5[%dma_wait3A_502] : memref<1024xi32, #tpu.memory_space<vmem>> -> memref<32xi32, #tpu.memory_space<vmem>>
    %dma_wait3A_504 = arith.constant 0 : i32
    %dma_wait3A_505 = arith.constant 0 : i32
    %dma_wait3A_506 = tpu.memref_slice %arg2[%dma_wait3A_504, %dma_wait3A_505] : memref<8192x1024xf32, #tpu.memory_space<hbm>> -> memref<8192x1024xf32, #tpu.memory_space<hbm>>
    tpu.wait_indirect_dma semaphore(%arg11 : memref<!tpu.dma_semaphore, #tpu.memory_space<semaphore_mem>>) src(%dma_wait3A_506 : memref<8192x1024xf32, #tpu.memory_space<hbm>>) dst(%arg8 : memref<32x1024xf32, #tpu.memory_space<vmem>>)
    %add3A_507 = arith.constant 736 : i32
    %add3A_508 = arith.addi %mul3A_2, %add3A_507 : i32
    %dma_start3A_509 = arith.constant 0 : i32
    %dma_start3A_510 = tpu.memref_slice %arg4[%add3A_508, %dma_start3A_509] : memref<32768x1024xf32, #tpu.memory_space<hbm>> -> memref<32x1024xf32, #tpu.memory_space<hbm>>
    %dma_start3A_511 = arith.constant 0 : i32
    %dma_start3A_512 = tpu.memref_slice %arg4[%add3A_508, %dma_start3A_511] : memref<32768x1024xf32, #tpu.memory_space<hbm>> -> memref<32x1024xf32, #tpu.memory_space<hbm>>
    tpu.enqueue_dma source(%arg8 : memref<32x1024xf32, #tpu.memory_space<vmem>>) target(%dma_start3A_512 : memref<32x1024xf32, #tpu.memory_space<hbm>>) target_semaphore(%arg14 : memref<!tpu.dma_semaphore, #tpu.memory_space<semaphore_mem>>)
    %dma_wait3A_513 = arith.constant 0 : i32
    %dma_wait3A_514 = tpu.memref_slice %arg4[%add3A_508, %dma_wait3A_513] : memref<32768x1024xf32, #tpu.memory_space<hbm>> -> memref<32x1024xf32, #tpu.memory_space<hbm>>
    %dma_wait3A_515 = arith.constant 0 : i32
    %dma_wait3A_516 = tpu.memref_slice %arg4[%add3A_508, %dma_wait3A_515] : memref<32768x1024xf32, #tpu.memory_space<hbm>> -> memref<32x1024xf32, #tpu.memory_space<hbm>>
    tpu.wait_dma2 semaphore(%arg14 : memref<!tpu.dma_semaphore, #tpu.memory_space<semaphore_mem>>) src(%arg8 : memref<32x1024xf32, #tpu.memory_space<vmem>>) dst(%dma_wait3A_516 : memref<32x1024xf32, #tpu.memory_space<hbm>>)
    %dma_start3A_517 = arith.constant 832 : i32
    %dma_start3A_518 = tpu.memref_slice %arg5[%dma_start3A_517] : memref<1024xi32, #tpu.memory_space<vmem>> -> memref<32xi32, #tpu.memory_space<vmem>>
    %dma_start3A_519 = arith.constant 0 : i32
    %dma_start3A_520 = arith.constant 0 : i32
    %dma_start3A_521 = tpu.memref_slice %arg2[%dma_start3A_519, %dma_start3A_520] : memref<8192x1024xf32, #tpu.memory_space<hbm>> -> memref<8192x1024xf32, #tpu.memory_space<hbm>>
    tpu.enqueue_indirect_dma source(%dma_start3A_521 : memref<8192x1024xf32, #tpu.memory_space<hbm>>) target(%arg8 : memref<32x1024xf32, #tpu.memory_space<vmem>>) offsets(%dma_start3A_518 : memref<32xi32, #tpu.memory_space<vmem>>) semaphore(%arg11 : memref<!tpu.dma_semaphore, #tpu.memory_space<semaphore_mem>>)
    %dma_wait3A_522 = arith.constant 768 : i32
    %dma_wait3A_523 = tpu.memref_slice %arg5[%dma_wait3A_522] : memref<1024xi32, #tpu.memory_space<vmem>> -> memref<32xi32, #tpu.memory_space<vmem>>
    %dma_wait3A_524 = arith.constant 0 : i32
    %dma_wait3A_525 = arith.constant 0 : i32
    %dma_wait3A_526 = tpu.memref_slice %arg2[%dma_wait3A_524, %dma_wait3A_525] : memref<8192x1024xf32, #tpu.memory_space<hbm>> -> memref<8192x1024xf32, #tpu.memory_space<hbm>>
    tpu.wait_indirect_dma semaphore(%arg9 : memref<!tpu.dma_semaphore, #tpu.memory_space<semaphore_mem>>) src(%dma_wait3A_526 : memref<8192x1024xf32, #tpu.memory_space<hbm>>) dst(%arg6 : memref<32x1024xf32, #tpu.memory_space<vmem>>)
    %add3A_527 = arith.constant 768 : i32
    %add3A_528 = arith.addi %mul3A_2, %add3A_527 : i32
    %dma_start3A_529 = arith.constant 0 : i32
    %dma_start3A_530 = tpu.memref_slice %arg4[%add3A_528, %dma_start3A_529] : memref<32768x1024xf32, #tpu.memory_space<hbm>> -> memref<32x1024xf32, #tpu.memory_space<hbm>>
    %dma_start3A_531 = arith.constant 0 : i32
    %dma_start3A_532 = tpu.memref_slice %arg4[%add3A_528, %dma_start3A_531] : memref<32768x1024xf32, #tpu.memory_space<hbm>> -> memref<32x1024xf32, #tpu.memory_space<hbm>>
    tpu.enqueue_dma source(%arg6 : memref<32x1024xf32, #tpu.memory_space<vmem>>) target(%dma_start3A_532 : memref<32x1024xf32, #tpu.memory_space<hbm>>) target_semaphore(%arg12 : memref<!tpu.dma_semaphore, #tpu.memory_space<semaphore_mem>>)
    %dma_wait3A_533 = arith.constant 0 : i32
    %dma_wait3A_534 = tpu.memref_slice %arg4[%add3A_528, %dma_wait3A_533] : memref<32768x1024xf32, #tpu.memory_space<hbm>> -> memref<32x1024xf32, #tpu.memory_space<hbm>>
    %dma_wait3A_535 = arith.constant 0 : i32
    %dma_wait3A_536 = tpu.memref_slice %arg4[%add3A_528, %dma_wait3A_535] : memref<32768x1024xf32, #tpu.memory_space<hbm>> -> memref<32x1024xf32, #tpu.memory_space<hbm>>
    tpu.wait_dma2 semaphore(%arg12 : memref<!tpu.dma_semaphore, #tpu.memory_space<semaphore_mem>>) src(%arg6 : memref<32x1024xf32, #tpu.memory_space<vmem>>) dst(%dma_wait3A_536 : memref<32x1024xf32, #tpu.memory_space<hbm>>)
    %dma_start3A_537 = arith.constant 864 : i32
    %dma_start3A_538 = tpu.memref_slice %arg5[%dma_start3A_537] : memref<1024xi32, #tpu.memory_space<vmem>> -> memref<32xi32, #tpu.memory_space<vmem>>
    %dma_start3A_539 = arith.constant 0 : i32
    %dma_start3A_540 = arith.constant 0 : i32
    %dma_start3A_541 = tpu.memref_slice %arg2[%dma_start3A_539, %dma_start3A_540] : memref<8192x1024xf32, #tpu.memory_space<hbm>> -> memref<8192x1024xf32, #tpu.memory_space<hbm>>
    tpu.enqueue_indirect_dma source(%dma_start3A_541 : memref<8192x1024xf32, #tpu.memory_space<hbm>>) target(%arg6 : memref<32x1024xf32, #tpu.memory_space<vmem>>) offsets(%dma_start3A_538 : memref<32xi32, #tpu.memory_space<vmem>>) semaphore(%arg9 : memref<!tpu.dma_semaphore, #tpu.memory_space<semaphore_mem>>)
    %dma_wait3A_542 = arith.constant 800 : i32
    %dma_wait3A_543 = tpu.memref_slice %arg5[%dma_wait3A_542] : memref<1024xi32, #tpu.memory_space<vmem>> -> memref<32xi32, #tpu.memory_space<vmem>>
    %dma_wait3A_544 = arith.constant 0 : i32
    %dma_wait3A_545 = arith.constant 0 : i32
    %dma_wait3A_546 = tpu.memref_slice %arg2[%dma_wait3A_544, %dma_wait3A_545] : memref<8192x1024xf32, #tpu.memory_space<hbm>> -> memref<8192x1024xf32, #tpu.memory_space<hbm>>
    tpu.wait_indirect_dma semaphore(%arg10 : memref<!tpu.dma_semaphore, #tpu.memory_space<semaphore_mem>>) src(%dma_wait3A_546 : memref<8192x1024xf32, #tpu.memory_space<hbm>>) dst(%arg7 : memref<32x1024xf32, #tpu.memory_space<vmem>>)
    %add3A_547 = arith.constant 800 : i32
    %add3A_548 = arith.addi %mul3A_2, %add3A_547 : i32
    %dma_start3A_549 = arith.constant 0 : i32
    %dma_start3A_550 = tpu.memref_slice %arg4[%add3A_548, %dma_start3A_549] : memref<32768x1024xf32, #tpu.memory_space<hbm>> -> memref<32x1024xf32, #tpu.memory_space<hbm>>
    %dma_start3A_551 = arith.constant 0 : i32
    %dma_start3A_552 = tpu.memref_slice %arg4[%add3A_548, %dma_start3A_551] : memref<32768x1024xf32, #tpu.memory_space<hbm>> -> memref<32x1024xf32, #tpu.memory_space<hbm>>
    tpu.enqueue_dma source(%arg7 : memref<32x1024xf32, #tpu.memory_space<vmem>>) target(%dma_start3A_552 : memref<32x1024xf32, #tpu.memory_space<hbm>>) target_semaphore(%arg13 : memref<!tpu.dma_semaphore, #tpu.memory_space<semaphore_mem>>)
    %dma_wait3A_553 = arith.constant 0 : i32
    %dma_wait3A_554 = tpu.memref_slice %arg4[%add3A_548, %dma_wait3A_553] : memref<32768x1024xf32, #tpu.memory_space<hbm>> -> memref<32x1024xf32, #tpu.memory_space<hbm>>
    %dma_wait3A_555 = arith.constant 0 : i32
    %dma_wait3A_556 = tpu.memref_slice %arg4[%add3A_548, %dma_wait3A_555] : memref<32768x1024xf32, #tpu.memory_space<hbm>> -> memref<32x1024xf32, #tpu.memory_space<hbm>>
    tpu.wait_dma2 semaphore(%arg13 : memref<!tpu.dma_semaphore, #tpu.memory_space<semaphore_mem>>) src(%arg7 : memref<32x1024xf32, #tpu.memory_space<vmem>>) dst(%dma_wait3A_556 : memref<32x1024xf32, #tpu.memory_space<hbm>>)
    %dma_start3A_557 = arith.constant 896 : i32
    %dma_start3A_558 = tpu.memref_slice %arg5[%dma_start3A_557] : memref<1024xi32, #tpu.memory_space<vmem>> -> memref<32xi32, #tpu.memory_space<vmem>>
    %dma_start3A_559 = arith.constant 0 : i32
    %dma_start3A_560 = arith.constant 0 : i32
    %dma_start3A_561 = tpu.memref_slice %arg2[%dma_start3A_559, %dma_start3A_560] : memref<8192x1024xf32, #tpu.memory_space<hbm>> -> memref<8192x1024xf32, #tpu.memory_space<hbm>>
    tpu.enqueue_indirect_dma source(%dma_start3A_561 : memref<8192x1024xf32, #tpu.memory_space<hbm>>) target(%arg7 : memref<32x1024xf32, #tpu.memory_space<vmem>>) offsets(%dma_start3A_558 : memref<32xi32, #tpu.memory_space<vmem>>) semaphore(%arg10 : memref<!tpu.dma_semaphore, #tpu.memory_space<semaphore_mem>>)
    %dma_wait3A_562 = arith.constant 832 : i32
    %dma_wait3A_563 = tpu.memref_slice %arg5[%dma_wait3A_562] : memref<1024xi32, #tpu.memory_space<vmem>> -> memref<32xi32, #tpu.memory_space<vmem>>
    %dma_wait3A_564 = arith.constant 0 : i32
    %dma_wait3A_565 = arith.constant 0 : i32
    %dma_wait3A_566 = tpu.memref_slice %arg2[%dma_wait3A_564, %dma_wait3A_565] : memref<8192x1024xf32, #tpu.memory_space<hbm>> -> memref<8192x1024xf32, #tpu.memory_space<hbm>>
    tpu.wait_indirect_dma semaphore(%arg11 : memref<!tpu.dma_semaphore, #tpu.memory_space<semaphore_mem>>) src(%dma_wait3A_566 : memref<8192x1024xf32, #tpu.memory_space<hbm>>) dst(%arg8 : memref<32x1024xf32, #tpu.memory_space<vmem>>)
    %add3A_567 = arith.constant 832 : i32
    %add3A_568 = arith.addi %mul3A_2, %add3A_567 : i32
    %dma_start3A_569 = arith.constant 0 : i32
    %dma_start3A_570 = tpu.memref_slice %arg4[%add3A_568, %dma_start3A_569] : memref<32768x1024xf32, #tpu.memory_space<hbm>> -> memref<32x1024xf32, #tpu.memory_space<hbm>>
    %dma_start3A_571 = arith.constant 0 : i32
    %dma_start3A_572 = tpu.memref_slice %arg4[%add3A_568, %dma_start3A_571] : memref<32768x1024xf32, #tpu.memory_space<hbm>> -> memref<32x1024xf32, #tpu.memory_space<hbm>>
    tpu.enqueue_dma source(%arg8 : memref<32x1024xf32, #tpu.memory_space<vmem>>) target(%dma_start3A_572 : memref<32x1024xf32, #tpu.memory_space<hbm>>) target_semaphore(%arg14 : memref<!tpu.dma_semaphore, #tpu.memory_space<semaphore_mem>>)
    %dma_wait3A_573 = arith.constant 0 : i32
    %dma_wait3A_574 = tpu.memref_slice %arg4[%add3A_568, %dma_wait3A_573] : memref<32768x1024xf32, #tpu.memory_space<hbm>> -> memref<32x1024xf32, #tpu.memory_space<hbm>>
    %dma_wait3A_575 = arith.constant 0 : i32
    %dma_wait3A_576 = tpu.memref_slice %arg4[%add3A_568, %dma_wait3A_575] : memref<32768x1024xf32, #tpu.memory_space<hbm>> -> memref<32x1024xf32, #tpu.memory_space<hbm>>
    tpu.wait_dma2 semaphore(%arg14 : memref<!tpu.dma_semaphore, #tpu.memory_space<semaphore_mem>>) src(%arg8 : memref<32x1024xf32, #tpu.memory_space<vmem>>) dst(%dma_wait3A_576 : memref<32x1024xf32, #tpu.memory_space<hbm>>)
    %dma_start3A_577 = arith.constant 928 : i32
    %dma_start3A_578 = tpu.memref_slice %arg5[%dma_start3A_577] : memref<1024xi32, #tpu.memory_space<vmem>> -> memref<32xi32, #tpu.memory_space<vmem>>
    %dma_start3A_579 = arith.constant 0 : i32
    %dma_start3A_580 = arith.constant 0 : i32
    %dma_start3A_581 = tpu.memref_slice %arg2[%dma_start3A_579, %dma_start3A_580] : memref<8192x1024xf32, #tpu.memory_space<hbm>> -> memref<8192x1024xf32, #tpu.memory_space<hbm>>
    tpu.enqueue_indirect_dma source(%dma_start3A_581 : memref<8192x1024xf32, #tpu.memory_space<hbm>>) target(%arg8 : memref<32x1024xf32, #tpu.memory_space<vmem>>) offsets(%dma_start3A_578 : memref<32xi32, #tpu.memory_space<vmem>>) semaphore(%arg11 : memref<!tpu.dma_semaphore, #tpu.memory_space<semaphore_mem>>)
    %dma_wait3A_582 = arith.constant 864 : i32
    %dma_wait3A_583 = tpu.memref_slice %arg5[%dma_wait3A_582] : memref<1024xi32, #tpu.memory_space<vmem>> -> memref<32xi32, #tpu.memory_space<vmem>>
    %dma_wait3A_584 = arith.constant 0 : i32
    %dma_wait3A_585 = arith.constant 0 : i32
    %dma_wait3A_586 = tpu.memref_slice %arg2[%dma_wait3A_584, %dma_wait3A_585] : memref<8192x1024xf32, #tpu.memory_space<hbm>> -> memref<8192x1024xf32, #tpu.memory_space<hbm>>
    tpu.wait_indirect_dma semaphore(%arg9 : memref<!tpu.dma_semaphore, #tpu.memory_space<semaphore_mem>>) src(%dma_wait3A_586 : memref<8192x1024xf32, #tpu.memory_space<hbm>>) dst(%arg6 : memref<32x1024xf32, #tpu.memory_space<vmem>>)
    %add3A_587 = arith.constant 864 : i32
    %add3A_588 = arith.addi %mul3A_2, %add3A_587 : i32
    %dma_start3A_589 = arith.constant 0 : i32
    %dma_start3A_590 = tpu.memref_slice %arg4[%add3A_588, %dma_start3A_589] : memref<32768x1024xf32, #tpu.memory_space<hbm>> -> memref<32x1024xf32, #tpu.memory_space<hbm>>
    %dma_start3A_591 = arith.constant 0 : i32
    %dma_start3A_592 = tpu.memref_slice %arg4[%add3A_588, %dma_start3A_591] : memref<32768x1024xf32, #tpu.memory_space<hbm>> -> memref<32x1024xf32, #tpu.memory_space<hbm>>
    tpu.enqueue_dma source(%arg6 : memref<32x1024xf32, #tpu.memory_space<vmem>>) target(%dma_start3A_592 : memref<32x1024xf32, #tpu.memory_space<hbm>>) target_semaphore(%arg12 : memref<!tpu.dma_semaphore, #tpu.memory_space<semaphore_mem>>)
    %dma_wait3A_593 = arith.constant 0 : i32
    %dma_wait3A_594 = tpu.memref_slice %arg4[%add3A_588, %dma_wait3A_593] : memref<32768x1024xf32, #tpu.memory_space<hbm>> -> memref<32x1024xf32, #tpu.memory_space<hbm>>
    %dma_wait3A_595 = arith.constant 0 : i32
    %dma_wait3A_596 = tpu.memref_slice %arg4[%add3A_588, %dma_wait3A_595] : memref<32768x1024xf32, #tpu.memory_space<hbm>> -> memref<32x1024xf32, #tpu.memory_space<hbm>>
    tpu.wait_dma2 semaphore(%arg12 : memref<!tpu.dma_semaphore, #tpu.memory_space<semaphore_mem>>) src(%arg6 : memref<32x1024xf32, #tpu.memory_space<vmem>>) dst(%dma_wait3A_596 : memref<32x1024xf32, #tpu.memory_space<hbm>>)
    %dma_start3A_597 = arith.constant 960 : i32
    %dma_start3A_598 = tpu.memref_slice %arg5[%dma_start3A_597] : memref<1024xi32, #tpu.memory_space<vmem>> -> memref<32xi32, #tpu.memory_space<vmem>>
    %dma_start3A_599 = arith.constant 0 : i32
    %dma_start3A_600 = arith.constant 0 : i32
    %dma_start3A_601 = tpu.memref_slice %arg2[%dma_start3A_599, %dma_start3A_600] : memref<8192x1024xf32, #tpu.memory_space<hbm>> -> memref<8192x1024xf32, #tpu.memory_space<hbm>>
    tpu.enqueue_indirect_dma source(%dma_start3A_601 : memref<8192x1024xf32, #tpu.memory_space<hbm>>) target(%arg6 : memref<32x1024xf32, #tpu.memory_space<vmem>>) offsets(%dma_start3A_598 : memref<32xi32, #tpu.memory_space<vmem>>) semaphore(%arg9 : memref<!tpu.dma_semaphore, #tpu.memory_space<semaphore_mem>>)
    %dma_wait3A_602 = arith.constant 896 : i32
    %dma_wait3A_603 = tpu.memref_slice %arg5[%dma_wait3A_602] : memref<1024xi32, #tpu.memory_space<vmem>> -> memref<32xi32, #tpu.memory_space<vmem>>
    %dma_wait3A_604 = arith.constant 0 : i32
    %dma_wait3A_605 = arith.constant 0 : i32
    %dma_wait3A_606 = tpu.memref_slice %arg2[%dma_wait3A_604, %dma_wait3A_605] : memref<8192x1024xf32, #tpu.memory_space<hbm>> -> memref<8192x1024xf32, #tpu.memory_space<hbm>>
    tpu.wait_indirect_dma semaphore(%arg10 : memref<!tpu.dma_semaphore, #tpu.memory_space<semaphore_mem>>) src(%dma_wait3A_606 : memref<8192x1024xf32, #tpu.memory_space<hbm>>) dst(%arg7 : memref<32x1024xf32, #tpu.memory_space<vmem>>)
    %add3A_607 = arith.constant 896 : i32
    %add3A_608 = arith.addi %mul3A_2, %add3A_607 : i32
    %dma_start3A_609 = arith.constant 0 : i32
    %dma_start3A_610 = tpu.memref_slice %arg4[%add3A_608, %dma_start3A_609] : memref<32768x1024xf32, #tpu.memory_space<hbm>> -> memref<32x1024xf32, #tpu.memory_space<hbm>>
    %dma_start3A_611 = arith.constant 0 : i32
    %dma_start3A_612 = tpu.memref_slice %arg4[%add3A_608, %dma_start3A_611] : memref<32768x1024xf32, #tpu.memory_space<hbm>> -> memref<32x1024xf32, #tpu.memory_space<hbm>>
    tpu.enqueue_dma source(%arg7 : memref<32x1024xf32, #tpu.memory_space<vmem>>) target(%dma_start3A_612 : memref<32x1024xf32, #tpu.memory_space<hbm>>) target_semaphore(%arg13 : memref<!tpu.dma_semaphore, #tpu.memory_space<semaphore_mem>>)
    %dma_wait3A_613 = arith.constant 0 : i32
    %dma_wait3A_614 = tpu.memref_slice %arg4[%add3A_608, %dma_wait3A_613] : memref<32768x1024xf32, #tpu.memory_space<hbm>> -> memref<32x1024xf32, #tpu.memory_space<hbm>>
    %dma_wait3A_615 = arith.constant 0 : i32
    %dma_wait3A_616 = tpu.memref_slice %arg4[%add3A_608, %dma_wait3A_615] : memref<32768x1024xf32, #tpu.memory_space<hbm>> -> memref<32x1024xf32, #tpu.memory_space<hbm>>
    tpu.wait_dma2 semaphore(%arg13 : memref<!tpu.dma_semaphore, #tpu.memory_space<semaphore_mem>>) src(%arg7 : memref<32x1024xf32, #tpu.memory_space<vmem>>) dst(%dma_wait3A_616 : memref<32x1024xf32, #tpu.memory_space<hbm>>)
    %dma_start3A_617 = arith.constant 992 : i32
    %dma_start3A_618 = tpu.memref_slice %arg5[%dma_start3A_617] : memref<1024xi32, #tpu.memory_space<vmem>> -> memref<32xi32, #tpu.memory_space<vmem>>
    %dma_start3A_619 = arith.constant 0 : i32
    %dma_start3A_620 = arith.constant 0 : i32
    %dma_start3A_621 = tpu.memref_slice %arg2[%dma_start3A_619, %dma_start3A_620] : memref<8192x1024xf32, #tpu.memory_space<hbm>> -> memref<8192x1024xf32, #tpu.memory_space<hbm>>
    tpu.enqueue_indirect_dma source(%dma_start3A_621 : memref<8192x1024xf32, #tpu.memory_space<hbm>>) target(%arg7 : memref<32x1024xf32, #tpu.memory_space<vmem>>) offsets(%dma_start3A_618 : memref<32xi32, #tpu.memory_space<vmem>>) semaphore(%arg10 : memref<!tpu.dma_semaphore, #tpu.memory_space<semaphore_mem>>)
    %dma_wait3A_622 = arith.constant 928 : i32
    %dma_wait3A_623 = tpu.memref_slice %arg5[%dma_wait3A_622] : memref<1024xi32, #tpu.memory_space<vmem>> -> memref<32xi32, #tpu.memory_space<vmem>>
    %dma_wait3A_624 = arith.constant 0 : i32
    %dma_wait3A_625 = arith.constant 0 : i32
    %dma_wait3A_626 = tpu.memref_slice %arg2[%dma_wait3A_624, %dma_wait3A_625] : memref<8192x1024xf32, #tpu.memory_space<hbm>> -> memref<8192x1024xf32, #tpu.memory_space<hbm>>
    tpu.wait_indirect_dma semaphore(%arg11 : memref<!tpu.dma_semaphore, #tpu.memory_space<semaphore_mem>>) src(%dma_wait3A_626 : memref<8192x1024xf32, #tpu.memory_space<hbm>>) dst(%arg8 : memref<32x1024xf32, #tpu.memory_space<vmem>>)
    %add3A_627 = arith.constant 928 : i32
    %add3A_628 = arith.addi %mul3A_2, %add3A_627 : i32
    %dma_start3A_629 = arith.constant 0 : i32
    %dma_start3A_630 = tpu.memref_slice %arg4[%add3A_628, %dma_start3A_629] : memref<32768x1024xf32, #tpu.memory_space<hbm>> -> memref<32x1024xf32, #tpu.memory_space<hbm>>
    %dma_start3A_631 = arith.constant 0 : i32
    %dma_start3A_632 = tpu.memref_slice %arg4[%add3A_628, %dma_start3A_631] : memref<32768x1024xf32, #tpu.memory_space<hbm>> -> memref<32x1024xf32, #tpu.memory_space<hbm>>
    tpu.enqueue_dma source(%arg8 : memref<32x1024xf32, #tpu.memory_space<vmem>>) target(%dma_start3A_632 : memref<32x1024xf32, #tpu.memory_space<hbm>>) target_semaphore(%arg14 : memref<!tpu.dma_semaphore, #tpu.memory_space<semaphore_mem>>)
    %dma_wait3A_633 = arith.constant 960 : i32
    %dma_wait3A_634 = tpu.memref_slice %arg5[%dma_wait3A_633] : memref<1024xi32, #tpu.memory_space<vmem>> -> memref<32xi32, #tpu.memory_space<vmem>>
    %dma_wait3A_635 = arith.constant 0 : i32
    %dma_wait3A_636 = arith.constant 0 : i32
    %dma_wait3A_637 = tpu.memref_slice %arg2[%dma_wait3A_635, %dma_wait3A_636] : memref<8192x1024xf32, #tpu.memory_space<hbm>> -> memref<8192x1024xf32, #tpu.memory_space<hbm>>
    tpu.wait_indirect_dma semaphore(%arg9 : memref<!tpu.dma_semaphore, #tpu.memory_space<semaphore_mem>>) src(%dma_wait3A_637 : memref<8192x1024xf32, #tpu.memory_space<hbm>>) dst(%arg6 : memref<32x1024xf32, #tpu.memory_space<vmem>>)
    %add3A_638 = arith.constant 960 : i32
    %add3A_639 = arith.addi %mul3A_2, %add3A_638 : i32
    %dma_start3A_640 = arith.constant 0 : i32
    %dma_start3A_641 = tpu.memref_slice %arg4[%add3A_639, %dma_start3A_640] : memref<32768x1024xf32, #tpu.memory_space<hbm>> -> memref<32x1024xf32, #tpu.memory_space<hbm>>
    %dma_start3A_642 = arith.constant 0 : i32
    %dma_start3A_643 = tpu.memref_slice %arg4[%add3A_639, %dma_start3A_642] : memref<32768x1024xf32, #tpu.memory_space<hbm>> -> memref<32x1024xf32, #tpu.memory_space<hbm>>
    tpu.enqueue_dma source(%arg6 : memref<32x1024xf32, #tpu.memory_space<vmem>>) target(%dma_start3A_643 : memref<32x1024xf32, #tpu.memory_space<hbm>>) target_semaphore(%arg12 : memref<!tpu.dma_semaphore, #tpu.memory_space<semaphore_mem>>)
    %dma_wait3A_644 = arith.constant 992 : i32
    %dma_wait3A_645 = tpu.memref_slice %arg5[%dma_wait3A_644] : memref<1024xi32, #tpu.memory_space<vmem>> -> memref<32xi32, #tpu.memory_space<vmem>>
    %dma_wait3A_646 = arith.constant 0 : i32
    %dma_wait3A_647 = arith.constant 0 : i32
    %dma_wait3A_648 = tpu.memref_slice %arg2[%dma_wait3A_646, %dma_wait3A_647] : memref<8192x1024xf32, #tpu.memory_space<hbm>> -> memref<8192x1024xf32, #tpu.memory_space<hbm>>
    tpu.wait_indirect_dma semaphore(%arg10 : memref<!tpu.dma_semaphore, #tpu.memory_space<semaphore_mem>>) src(%dma_wait3A_648 : memref<8192x1024xf32, #tpu.memory_space<hbm>>) dst(%arg7 : memref<32x1024xf32, #tpu.memory_space<vmem>>)
    %add3A_649 = arith.constant 992 : i32
    %add3A_650 = arith.addi %mul3A_2, %add3A_649 : i32
    %dma_start3A_651 = arith.constant 0 : i32
    %dma_start3A_652 = tpu.memref_slice %arg4[%add3A_650, %dma_start3A_651] : memref<32768x1024xf32, #tpu.memory_space<hbm>> -> memref<32x1024xf32, #tpu.memory_space<hbm>>
    %dma_start3A_653 = arith.constant 0 : i32
    %dma_start3A_654 = tpu.memref_slice %arg4[%add3A_650, %dma_start3A_653] : memref<32768x1024xf32, #tpu.memory_space<hbm>> -> memref<32x1024xf32, #tpu.memory_space<hbm>>
    tpu.enqueue_dma source(%arg7 : memref<32x1024xf32, #tpu.memory_space<vmem>>) target(%dma_start3A_654 : memref<32x1024xf32, #tpu.memory_space<hbm>>) target_semaphore(%arg13 : memref<!tpu.dma_semaphore, #tpu.memory_space<semaphore_mem>>)
    %dma_wait3A_655 = arith.constant 0 : i32
    %dma_wait3A_656 = tpu.memref_slice %arg4[%add3A_639, %dma_wait3A_655] : memref<32768x1024xf32, #tpu.memory_space<hbm>> -> memref<32x1024xf32, #tpu.memory_space<hbm>>
    %dma_wait3A_657 = arith.constant 0 : i32
    %dma_wait3A_658 = tpu.memref_slice %arg4[%add3A_639, %dma_wait3A_657] : memref<32768x1024xf32, #tpu.memory_space<hbm>> -> memref<32x1024xf32, #tpu.memory_space<hbm>>
    tpu.wait_dma2 semaphore(%arg12 : memref<!tpu.dma_semaphore, #tpu.memory_space<semaphore_mem>>) src(%arg6 : memref<32x1024xf32, #tpu.memory_space<vmem>>) dst(%dma_wait3A_658 : memref<32x1024xf32, #tpu.memory_space<hbm>>)
    %dma_wait3A_659 = arith.constant 0 : i32
    %dma_wait3A_660 = tpu.memref_slice %arg4[%add3A_650, %dma_wait3A_659] : memref<32768x1024xf32, #tpu.memory_space<hbm>> -> memref<32x1024xf32, #tpu.memory_space<hbm>>
    %dma_wait3A_661 = arith.constant 0 : i32
    %dma_wait3A_662 = tpu.memref_slice %arg4[%add3A_650, %dma_wait3A_661] : memref<32768x1024xf32, #tpu.memory_space<hbm>> -> memref<32x1024xf32, #tpu.memory_space<hbm>>
    tpu.wait_dma2 semaphore(%arg13 : memref<!tpu.dma_semaphore, #tpu.memory_space<semaphore_mem>>) src(%arg7 : memref<32x1024xf32, #tpu.memory_space<vmem>>) dst(%dma_wait3A_662 : memref<32x1024xf32, #tpu.memory_space<hbm>>)
    %dma_wait3A_663 = arith.constant 0 : i32
    %dma_wait3A_664 = tpu.memref_slice %arg4[%add3A_628, %dma_wait3A_663] : memref<32768x1024xf32, #tpu.memory_space<hbm>> -> memref<32x1024xf32, #tpu.memory_space<hbm>>
    %dma_wait3A_665 = arith.constant 0 : i32
    %dma_wait3A_666 = tpu.memref_slice %arg4[%add3A_628, %dma_wait3A_665] : memref<32768x1024xf32, #tpu.memory_space<hbm>> -> memref<32x1024xf32, #tpu.memory_space<hbm>>
    tpu.wait_dma2 semaphore(%arg14 : memref<!tpu.dma_semaphore, #tpu.memory_space<semaphore_mem>>) src(%arg8 : memref<32x1024xf32, #tpu.memory_space<vmem>>) dst(%dma_wait3A_666 : memref<32x1024xf32, #tpu.memory_space<hbm>>)
    return
  }
}

</mosaic_0001>

<sc_bundles>
// kernel: kernel.3.cloned.1.call-start
scs
__scs_entry_jumppad:
0x0: {  	(pc) =	sbr.rel $0x88, $3  }
0x1: {  	(tag) =	ssettag $0x0;
	lr =	simm.s32 $0x1  }
0x2: {  	[smem:$0x3F9F] =	sst lr;
	_ =	strace $0xD0000000  }
0x3: {  	_ = 	snop  }
0x4: {  	_ = 	snop  }
0x5: {  	_ = 	snop  }
0x6: {  	_ = 	snop  }
0x7: {  	_ = 	snop  }
__scs_overlays_trampoline_lowered:
0x8: {  	[smem:$0x3FAE] =	sst s0  }
0x9: {  	[smem:$0x3FAF] =	sst s1  }
0xa: {  	[smem:$0x3FB0] =	sst s2  }
0xb: {  	[smem:$0x3FB1] =	sst s3  }
0xc: {  	[smem:$0x3FB2] =	sst s4  }
0xd: {  	[smem:$0x3FB3] =	sst s5  }
0xe: {  	[smem:$0x3FB4] =	sst s6  }
0xf: {  	[smem:$0x3FB5] =	sst s7  }
0x10: {  	[smem:$0x3FB6] =	sst s8  }
0x11: {  	[smem:$0x3FB7] =	sst s9;
	s0 =	simm.s32 @!p0 $0x0  }
0x12: {  	s1 =	sld [smem:$0x3F9D];
	s0 =	simm.s32 @p0 $0x1  }
0x13: {  	[smem:$0x3FB8] =	sst s0;
	s0 =	simm.s32 @!p1 $0x0  }
0x14: {  	s2 =	sld [smem:$0x3F9C];
	s0 =	simm.s32 @p1 $0x1  }
0x15: {  	[smem:$0x3FB9] =	sst s0;
	s0 =	simm.s32 @!p2 $0x0  }
0x16: {  	s3 =	sld [smem:$0x3FDB];
	s0 =	simm.s32 @p2 $0x1  }
0x17: {  	s4 =	simm.s32 $0x1BF5;
	[smem:$0x3FBB] =	sst s0  }
0x18: {  	s0 =	sld [smem:$0x3F9E];
	_ =	swait.ge [sflag:s4], $0x0  }
0x19: {  	s7 =	sld [smem:$0x3F9F]  }
0x1a: {  	s8 =	sadd.s32 $0xFFFFE003, lr  }
0x1b: {  	s9 =	sadd.s32 $0xFFFFFEF7, lr;
	s5 =	simm.s32 $0xFFFFFFFF;
	p2 =	slt.u32 s8, $0xFFFFF086  }
0x1c: {  	p1 =	slt.u32 s9, $0xF7A;
	s5 =	simm.s32 @!p2 $0x0  }
0x1d: {  	s5 =	simm.s32 @p1 $0x1;
	p0 =	seq.s32 s7, s2  }
0x1e: {  	s7 =	smul.u32 @!p0 $0xF7A, s2;
	p2 =	seq.s32 @!p0 s5, $0x0  }
0x1f: {  	s9 =	smul.u32 $0xF7A, s1;
	s8 =	simm.s32 @!p0 $0x1BF5;
	p2 =	por !p2, p0  }
0x20: {  	[sflag:s8] =	ssyncset.s32 @!p0 $0xFFFFF086;
	s6 =	sadd.s32 @!p0 s3, s7;
	s7 =	simm.s32 @!p0 $0x108  }
0x21: {  	s3 =	sadd.s32 s3, s9;
	s6 =	sadd.s32 @!p0 $0x88, s6;
	s7 =	simm.s32 @p2 $0x1082  }
0x22: {  	[simem:s7], [sflag:s8] =	dma.local @!p0 [hbm:s6], $0xF7A  }
0x23: {  	s9 =	sor.u32 $0xD0000000, s2;
	s6 =	simm.s32 $0x108;
	_ =	swait.ge @!p0 [sflag:s8], $0x0  }
0x24: {  	s3 =	sadd.s32 $0x88, s3;
	s6 =	simm.s32 @!p1 $0x1082;
	[sflag:s4] =	ssyncset.s32 $0xFFFFF086  }
0x25: {  	[simem:s6], [sflag:s4] =	dma.local [hbm:s3], $0xF7A  }
0x26: {  	[smem:$0x3F9F] =	sst s1;
	(tag) =	ssettag s2;
	_ =	strace s9  }
0x27: {  	s1 =	sld [smem:$0x3FAF]  }
0x28: {  	s2 =	sld [smem:$0x3FB0]  }
0x29: {  	s4 =	sld [smem:$0x3FB2]  }
0x2a: {  	p0 =	seq.s32 s5, $0x0;
	s5 =	sld [smem:$0x3FB3]  }
0x2b: {  	s6 =	sld [smem:$0x3FB4]  }
0x2c: {  	s7 =	sld [smem:$0x3FB5]  }
0x2d: {  	s3 =	simm.s32 $0x108;
	s8 =	sld [smem:$0x3FB6]  }
0x2e: {  	s3 =	simm.s32 @!p0 $0x1082;
	s9 =	sld [smem:$0x3FB7]  }
0x2f: {  	lr =	sadd.s32 s0, s3;
	s0 =	sld [smem:$0x3FAE]  }
0x30: {  	s3 =	sld [smem:$0x3FB1]  }
0x31: {  	[smem:$0x3FBA] =	sst s10  }
0x32: {  	s10 =	sld [smem:$0x3FB8];
	_ =	sdelay $0x3  }
0x33: {  	p0 =	seq.s32 s10, $0x1;
	s10 =	sld [smem:$0x3FBA];
	_ =	sdelay $0x3  }
0x34: {  	[smem:$0x3FBA] =	sst s10  }
0x35: {  	s10 =	sld [smem:$0x3FB9];
	_ =	sdelay $0x3  }
0x36: {  	p1 =	seq.s32 s10, $0x1;
	s10 =	sld [smem:$0x3FBA];
	_ =	sdelay $0x3  }
0x37: {  	[smem:$0x3FBA] =	sst s10  }
0x38: {  	s10 =	sld [smem:$0x3FBB]  }
0x39: {  	_ = 	snop;
	(pc) =	sbr.ind lr, $3  }
0x3a: {  	_ = 	snop  }
0x3b: {  	_ = 	snop  }
0x3c: {  	p2 =	seq.s32 s10, $0x1;
	s10 =	sld [smem:$0x3FBA]  }
0x3d: {  	_ =	shalt  }
0x3e: {  	_ =	shalt  }
0x3f: {  	_ =	shalt  }
0x40: {  	_ =	shalt  }
0x41: {  	_ =	shalt  }
0x42: {  	_ =	shalt  }
0x43: {  	_ =	shalt  }
0x44: {  	_ =	shalt  }
0x45: {  	_ =	shalt  }
0x46: {  	_ =	shalt  }
0x47: {  	_ =	shalt  }
0x48: {  	_ =	shalt  }
0x49: {  	_ =	shalt  }
0x4a: {  	_ =	shalt  }
0x4b: {  	_ =	shalt  }
0x4c: {  	_ =	shalt  }
0x4d: {  	_ =	shalt  }
0x4e: {  	_ =	shalt  }
0x4f: {  	_ =	shalt  }
0x50: {  	_ =	shalt  }
0x51: {  	_ =	shalt  }
0x52: {  	_ =	shalt  }
0x53: {  	_ =	shalt  }
0x54: {  	_ =	shalt  }
0x55: {  	_ =	shalt  }
0x56: {  	_ =	shalt  }
0x57: {  	_ =	shalt  }
0x58: {  	_ =	shalt  }
0x59: {  	_ =	shalt  }
0x5a: {  	_ =	shalt  }
0x5b: {  	_ =	shalt  }
0x5c: {  	_ =	shalt  }
0x5d: {  	_ =	shalt  }
0x5e: {  	_ =	shalt  }
0x5f: {  	_ =	shalt  }
0x60: {  	_ =	shalt  }
0x61: {  	_ =	shalt  }
0x62: {  	_ =	shalt  }
0x63: {  	_ =	shalt  }
0x64: {  	_ =	shalt  }
0x65: {  	_ =	shalt  }
0x66: {  	_ =	shalt  }
0x67: {  	_ =	shalt  }
0x68: {  	_ =	shalt  }
0x69: {  	_ =	shalt  }
0x6a: {  	_ =	shalt  }
0x6b: {  	_ =	shalt  }
0x6c: {  	_ =	shalt  }
0x6d: {  	_ =	shalt  }
0x6e: {  	_ =	shalt  }
0x6f: {  	_ =	shalt  }
0x70: {  	_ =	shalt  }
0x71: {  	_ =	shalt  }
0x72: {  	_ =	shalt  }
0x73: {  	_ =	shalt  }
0x74: {  	_ =	shalt  }
0x75: {  	_ =	shalt  }
0x76: {  	_ =	shalt  }
0x77: {  	_ =	shalt  }
0x78: {  	_ =	shalt  }
0x79: {  	_ =	shalt  }
0x7a: {  	_ =	shalt  }
0x7b: {  	_ =	shalt  }
0x7c: {  	_ =	shalt  }
0x7d: {  	_ =	shalt  }
0x7e: {  	_ =	shalt  }
0x7f: {  	_ =	shalt  }
0x80: {  	_ =	shalt  }
0x81: {  	_ =	shalt  }
0x82: {  	_ =	shalt  }
0x83: {  	_ =	shalt  }
0x84: {  	_ =	shalt  }
0x85: {  	_ =	shalt  }
0x86: {  	_ =	shalt  }
0x87: {  	_ =	shalt  }
.Lfunc_end0:
.L_simem_size_0:
called_computation_lowered:
.L_overlay_start_0:
0x88: {  	s2 =	sld [smem:$0x3FD9]  }
0x89: {  	s3 =	sld [smem:$0x3FFE];
	_ =	sdelay $0x1  }
0x8a: {  	s1 =	srdreg.scid  }
0x8b: {  	s0 =	sand.u32 $0x1, s1  }
0x8c: {  	s17 =	sshll.u32 s0, $0xA;
	s2 =	sadd.s32 s3, s2  }
0x8d: {  	s2 =	sadd.s32 s2, s17  }
0x8e: {  	[smem:$0x3FC6] =	sst s2  }
0x8f: {  	_ = 	snop  }
0x90: {  	s2 =	sld [smem:$0x3FC8]  }
0x91: {  	s18 =	sld [smem:$0x3FD0];
	(tm) =	ssettm $0x1  }
0x92: {  	s4 =	sld [smem:$0x3FFB];
	_ =	sdelay $0x3  }
0x93: {  	_ =	strace s4  }
0x94: {  	s4 =	sld [smem:$0x3FFC];
	_ =	sdelay $0x3  }
0x95: {  	_ =	strace s4  }
0x96: {  	s4 =	sld [smem:$0x3FFD];
	_ =	sdelay $0x3  }
0x97: {  	_ =	strace s4  }
0x98: {  	_ =	strace $0x8FFFFFFF  }
0x99: {  	s19 =	sld [smem:$0x3FDB];
	_ =	sdelay $0x1  }
0x9a: {  	s5 =	simm.s32 $_scs_section_size  }
0x9b: {  	s6 =	simm.s32 $_size__tile_overlayer_lowered;
	s7 =	simm.s32 $_tile_overlayer_lowered  }
0x9c: {  	s22 =	simm.s32 $0x1BFF;
	s21 =	sshll.u32 s7, $0x1;
	s4 =	sadd.s32 s5, s19  }
0x9d: {  	s8 =	simm.s32 $0x0;
	s20 =	sshll.u32 s6, $0x1;
	s6 =	sadd.s32 s21, s4  }
0x9e: {  	[timem:s8], [sflag:s22] =	dma.local [hbm:s6], s20  }
0x9f: {  	_ =	swait.ge [sflag:s22], s20  }
0xa0: {  	s5 =	ssub.s32 $0x0, s20;
	[sflag:s22] =	ssyncset.done $0x0  }
0xa1: {  	[sflag:s22] =	ssyncadd.s32 s5;
	_ =	sdelay $0x1  }
0xa2: {  	s23 =	simm.s32 $0x1B8B  }
0xa3: {  	_ =	swait.ge [sflag:s23], $0x1  }
0xa4: {  	[sflag:s23] =	ssyncset.done $0x0  }
0xa5: {  	s25 =	simm.s32 $0x1B8E;
	s24 =	sld [smem:$0x3FFE];
	[sflag:s23] =	ssyncadd.s32 $0xFFFFFFFF  }
0xa6: {  	s26 =	simm.s32 $execute0_lowered;
	[smem:$0x3FD2] =	sst s25  }
0xa7: {  	s6 =	sshll.u32 s26, $0x1;
	_ =	strace $0x80000046;
	[dreg:$0x1] =	wrdreg $0xFFFFFFFF  }
0xa8: {  	s28 =	simm.s32 $_size_execute0_lowered;
	s4 =	sadd.s32 s4, s6;
	[dreg:$0x0] =	wrdreg $0x0  }
0xa9: {  	s6 =	sshll.u32 s28, $0x1;
	[dreg:$0x2] =	wrdreg s4  }
0xaa: {  	[dreg:$0x3] =	wrdreg s6  }
0xab: {  	[dreg:$0x4] =	wrdreg $0xC0  }
0xac: {  	_ =	task [dreg:s8], $0x5FFFF  }
0xad: {  	[dreg:$0x1] =	wrdreg $0xFFFFFFFF  }
0xae: {  	[dreg:$0x0] =	wrdreg $0x60  }
0xaf: {  	[dreg:$0x2] =	wrdreg s2  }
0xb0: {  	[dreg:$0x3] =	wrdreg s24  }
0xb1: {  	[dreg:$0x4] =	wrdreg s18  }
0xb2: {  	[dreg:$0x5] =	wrdreg $0x9  }
0xb3: {  	_ =	task.clear_ibuf [dreg:s8], $0x6FFFF;
	_ =	strace $0x90000046  }
0xb4: {  	s29 =	simm.s32 $0x9;
	_ =	strace $0x80000048  }
0xb5: {  	_ =	swait.ge [sflag:s29], $0x1  }
0xb6: {  	[sflag:s29] =	ssyncadd.s32 $0xFFFFFFFF  }
0xb7: {  	_ =	strace $0x90000048  }
0xb8: {  	_ =	sfence  }
0xb9: {  	s30 =	sld [smem:$0x0];
	_ =	sdelay $0x2  }
0xba: {  	s31 =	sshll.u32 s1, $0xD;
	s1 =	sshrl.u32 s1, $0x2  }
0xbb: {  	s3 =	sand.u32 $0x4000, s31;
	s1 =	sadd.s32 s1, s30  }
0xbc: {  	s0 =	sor.u32 s3, s0;
	s1 =	sshll.u32 s1, $0x11  }
0xbd: {  	s0 =	sor.u32 s1, s0  }
0xbe: {  	s0 =	sadd.s32 $0x8F2B, s0  }
0xbf: {  	[sflag:s0] =	ssyncadd.remote.s32 $0x1  }
0xc0: {  	_ =	sfence.sel $0xFFFF  }
0xc1: {  	[dreg:$0x0] =	wrdreg $0xFFFFFFFF;
	(pc) =	sbr.abs _section_cstart, $3  }
0xc2: {  	[dreg:$0x1] =	wrdreg $0xFFFFFFFF  }
0xc3: {  	_ =	task.clear_ibuf [dreg:s8], $0x2FFFF;
	_ =	strace $0x9FFFFFFF  }
0xc4: {  	(tm) =	ssettm $0x7FFFFFFF  }
0xc5: {  	_ =	shalt  }
tec
execute0_lowered:
.L_overlay_start_1:
0x0: {  	(tag) =	ssettag $0x1  }
0x1: {  	s1 =	rddreg [dreg:$0x0]  }
0x2: {  	s2 =	rddreg [dreg:$0x1];
	s0 =	srdreg.scid  }
0x3: {  	s4 =	rddreg [dreg:$0x2];
	s5 =	stileid.u32;
	s0 =	sand.u32 $0x1, s0  }
0x4: {  	s3 =	simm.s32 $0x0;
	s5 =	sshll.u32 s5, $0xB;
	s6 =	sshll.u32 s0, $0xA  }
0x5: {  	[smem:$0x7FF] =	sst s3;
	s5 =	sor.u32 s6, s5  }
0x6: {  	s2 =	sadd.s32 $0x400, s2;
	s6 =	sshrl.u32 s5, $0x3;
	s7 =	sor.u32 $0x200, s5  }
0x7: {  	_ =	strace $0x80000047;
	s6 =	sadd.s32 s2, s6;
	s8 =	sshrl.u32 s7, $0x3  }
0x8: {  	s12 =	sshll.u32 s7, $0x7;
	[dreg:$0x4] =	wrdreg s6;
	s2 =	sadd.s32 s2, s8  }
0x9: {  	s5 =	sshll.u32 s5, $0x7;
	s13 =	sadd.s32 s4, s12;
	[dreg:$0x5] =	wrdreg s2  }
0xa: {  	s8 =	sadd.s32 s4, s5;
	[dreg:$0x15] =	wrdreg s13  }
0xb: {  	s21 =	sadd.s32 $0x1000, s8;
	[smem:$0x7FB] =	sst s8  }
0xc: {  	s22 =	sadd.s32 $0x2000, s8;
	[dreg:$0x6] =	wrdreg s21  }
0xd: {  	s23 =	sadd.s32 $0x3000, s8;
	[dreg:$0x7] =	wrdreg s22  }
0xe: {  	s24 =	sadd.s32 $0x4000, s8;
	[dreg:$0x8] =	wrdreg s23  }
0xf: {  	s25 =	sadd.s32 $0x5000, s8;
	[dreg:$0x9] =	wrdreg s24  }
0x10: {  	s26 =	sadd.s32 $0x6000, s8;
	[dreg:$0xa] =	wrdreg s25  }
0x11: {  	s28 =	sadd.s32 $0x7000, s8;
	[dreg:$0xb] =	wrdreg s26  }
0x12: {  	s29 =	sadd.s32 $0x8000, s8;
	[dreg:$0xc] =	wrdreg s28  }
0x13: {  	s30 =	sadd.s32 $0x9000, s8;
	[dreg:$0xd] =	wrdreg s29  }
0x14: {  	s31 =	sadd.s32 $0xA000, s8;
	[dreg:$0xe] =	wrdreg s30  }
0x15: {  	s5 =	sadd.s32 $0xB000, s8;
	[dreg:$0xf] =	wrdreg s31  }
0x16: {  	s6 =	sadd.s32 $0xC000, s8;
	[dreg:$0x10] =	wrdreg s5  }
0x17: {  	s9 =	sadd.s32 $0xD000, s8;
	[dreg:$0x11] =	wrdreg s6  }
0x18: {  	s10 =	sadd.s32 $0xE000, s8;
	[dreg:$0x12] =	wrdreg s9  }
0x19: {  	s11 =	sadd.s32 $0xF000, s8;
	[dreg:$0x13] =	wrdreg s10  }
0x1a: {  	s14 =	sadd.s32 $0x11000, s8;
	[dreg:$0x14] =	wrdreg s11  }
0x1b: {  	s15 =	sadd.s32 $0x12000, s8;
	[dreg:$0x16] =	wrdreg s14  }
0x1c: {  	s16 =	sadd.s32 $0x13000, s8;
	[dreg:$0x17] =	wrdreg s15  }
0x1d: {  	s17 =	sadd.s32 $0x14000, s8;
	[dreg:$0x18] =	wrdreg s16  }
0x1e: {  	s18 =	sadd.s32 $0x15000, s8;
	[dreg:$0x19] =	wrdreg s17  }
0x1f: {  	s19 =	sadd.s32 $0x16000, s8;
	[dreg:$0x1a] =	wrdreg s18  }
0x20: {  	s20 =	sadd.s32 $0x17000, s8;
	[dreg:$0x1b] =	wrdreg s19  }
0x21: {  	[dreg:$0x1c] =	wrdreg s20;
	s21 =	sadd.s32 $0x18000, s8  }
0x22: {  	s0 =	ssub.s32 $0x2, s0;
	s22 =	sadd.s32 $0x19000, s8;
	[dreg:$0x1d] =	wrdreg s21  }
0x23: {  	s7 =	sadd.s32 $0x300, s1;
	s23 =	sadd.s32 $0x1A000, s8;
	[dreg:$0x1e] =	wrdreg s22  }
0x24: {  	s24 =	sshrl.u32 s0, $0x1;
	s25 =	sadd.s32 $0x1B000, s8;
	[dreg:$0x1f] =	wrdreg s23  }
0x25: {  	s26 =	sadd.s32 $0x1C000, s8;
	s5 =	sadd.s32 $0x100, s1;
	[smem:$0x7F7] =	sst s25  }
0x26: {  	s28 =	sadd.s32 $0x1D000, s8;
	s6 =	sadd.s32 $0x200, s1;
	[smem:$0x7F8] =	sst s26  }
0x27: {  	s29 =	sadd.s32 $0x1E000, s8;
	s30 =	sadd.s32 $0x1F000, s8;
	[smem:$0x7F9] =	sst s28  }
0x28: {  	s31 =	simm.s32 $0x200;
	s19 =	simm.s32 $0x1;
	[smem:$0x7FA] =	sst s29  }
0x29: {  	v2 =	vlaneseq.u32;
	s20 =	simm.s32 $0x4;
	s0 =	ssub.s32 s0, s24;
	[smem:$0x7FC] =	sst s30  }
0x2a: {  	vm0 =	vmmov $0xffff;
	v1 =	vshrl.u32 v2, $0x3;
	[smem:$0x7FD] =	sst s31;
	s21 =	simm.s32 $0x2;
	s22 =	simm.s32 $0x5  }
0x2b: {  	v0 =	vand.u32 $0x7, v2;
	v2 =	vor.u32 $0x8, v2;
	v1 =	vmul.u32 $0x8, v1;
	s23 =	simm.s32 $0x3;
	s24 =	simm.s32 $0x6;
	s2 =	smax.u32 s0, $0x1  }
.LBB2_1:
0x2c: {  	[smem:$0x7F6] =	sst s2  }
0x2d: {  	s25 =	rddreg [dreg:$0x4]  }
0x2e: {  	s29 =	sld [smem:$0x7FD]  }
0x2f: {  	[tilespmem:s3], [sflag:$0x7] =	stream.linear.gather [hbm4b:s25+s3], $0x200, $0x38;
	[tilespmem:$0x18400] =	vst v63  }
0x30: {  	s28 =	rddreg [dreg:$0x5];
	s2 =	simm.s32 $0x7  }
0x31: {  	[tilespmem:s29], [sflag:$0x8] =	stream.linear.gather [hbm4b:s28+s3], $0x200, $0x38;
	[tilespmem:$0x18400] =	vst v63  }
0x32: {  	_ =	swait.ge [sflag:s2], $0x200  }
0x33: {  	[sflag:s2] =	ssyncset.done $0x0  }
0x34: {  	[sflag:s2] =	ssyncadd.s32 $0xFFFFFE00  }
0x35: {  	v3 =	vld [tilespmem:$0x0];
	_ =	sdelay $0x4  }
0x36: {  	v4 =	vshll.u32 v3, $0x3  }
0x37: {  	v3 =	vand.u32 $0x7, v3;
	v4 =	vand.u32 $0xFFFFFFC0, v4  }
0x38: {  	v3 =	vor.u32 v3, v4  }
0x39: {  	v4 =	vperm.xlane v3, v0;
	_ =	sdelay $0x1  }
0x3a: {  	v4 =	vadd.s32 v1, v4;
	_ =	sdelay $0x3  }
0x3b: {  	s0 =	simm.s32 $0x400  }
0x3c: {  	[tilespmem:s0], [sflag:$0x1] =	stream.indirect_vreg.gather [hbm4b:s1+s3], $0x80, v4, vm0, $0xb8;
	[tilespmem:$0x18400] =	vst v63  }
0x3d: {  	s4 =	simm.s32 $0xC00;
	v3 =	vperm.xlane v3, v2  }
0x3e: {  	[tilespmem:s4], [sflag:$0x1] =	stream.indirect_vreg.gather [hbm4b:s5+s3], $0x80, v4, vm0, $0xb8;
	[tilespmem:$0x18400] =	vst v63  }
0x3f: {  	s8 =	simm.s32 $0x1400;
	v3 =	vadd.s32 v1, v3  }
0x40: {  	[tilespmem:s8], [sflag:$0x1] =	stream.indirect_vreg.gather [hbm4b:s6+s3], $0x80, v4, vm0, $0xb8;
	[tilespmem:$0x18400] =	vst v63  }
0x41: {  	s9 =	simm.s32 $0x1C00  }
0x42: {  	[tilespmem:s9], [sflag:$0x1] =	stream.indirect_vreg.gather [hbm4b:s7+s3], $0x80, v4, vm0, $0xb8;
	[tilespmem:$0x18400] =	vst v63  }
0x43: {  	s10 =	simm.s32 $0x2400  }
0x44: {  	[tilespmem:s10], [sflag:$0x1] =	stream.indirect_vreg.gather [hbm4b:s1+s3], $0x80, v3, vm0, $0xb8;
	[tilespmem:$0x18400] =	vst v63  }
0x45: {  	s11 =	simm.s32 $0x2C00  }
0x46: {  	[tilespmem:s11], [sflag:$0x1] =	stream.indirect_vreg.gather [hbm4b:s5+s3], $0x80, v3, vm0, $0xb8;
	[tilespmem:$0x18400] =	vst v63  }
0x47: {  	s12 =	simm.s32 $0x3400  }
0x48: {  	[tilespmem:s12], [sflag:$0x1] =	stream.indirect_vreg.gather [hbm4b:s6+s3], $0x80, v3, vm0, $0xb8;
	[tilespmem:$0x18400] =	vst v63  }
0x49: {  	s13 =	simm.s32 $0x3C00  }
0x4a: {  	[tilespmem:s13], [sflag:$0x1] =	stream.indirect_vreg.gather [hbm4b:s7+s3], $0x80, v3, vm0, $0xb8;
	[tilespmem:$0x18400] =	vst v63  }
0x4b: {  	v3 =	vld [tilespmem:$0x10];
	_ =	sdelay $0x4  }
0x4c: {  	v57 =	vshll.u32 v3, $0x3  }
0x4d: {  	v3 =	vand.u32 $0x7, v3;
	v4 =	vand.u32 $0xFFFFFFC0, v57  }
0x4e: {  	v3 =	vor.u32 v3, v4  }
0x4f: {  	v4 =	vperm.xlane v3, v0;
	_ =	sdelay $0x1  }
0x50: {  	v4 =	vadd.s32 v1, v4;
	_ =	sdelay $0x3  }
0x51: {  	s14 =	simm.s32 $0x4400  }
0x52: {  	[tilespmem:s14], [sflag:$0x1] =	stream.indirect_vreg.gather [hbm4b:s1+s3], $0x80, v4, vm0, $0xb8;
	[tilespmem:$0x18400] =	vst v63  }
0x53: {  	s15 =	simm.s32 $0x4C00;
	v3 =	vperm.xlane v3, v2  }
0x54: {  	[tilespmem:s15], [sflag:$0x1] =	stream.indirect_vreg.gather [hbm4b:s5+s3], $0x80, v4, vm0, $0xb8;
	[tilespmem:$0x18400] =	vst v63  }
0x55: {  	s16 =	simm.s32 $0x5400;
	v3 =	vadd.s32 v1, v3  }
0x56: {  	[tilespmem:s16], [sflag:$0x1] =	stream.indirect_vreg.gather [hbm4b:s6+s3], $0x80, v4, vm0, $0xb8;
	[tilespmem:$0x18400] =	vst v63  }
0x57: {  	s17 =	simm.s32 $0x5C00  }
0x58: {  	[tilespmem:s17], [sflag:$0x1] =	stream.indirect_vreg.gather [hbm4b:s7+s3], $0x80, v4, vm0, $0xb8;
	[tilespmem:$0x18400] =	vst v63  }
0x59: {  	s18 =	simm.s32 $0x6400  }
0x5a: {  	[tilespmem:s18], [sflag:$0x1] =	stream.indirect_vreg.gather [hbm4b:s1+s3], $0x80, v3, vm0, $0xb8;
	[tilespmem:$0x18400] =	vst v63  }
0x5b: {  	s25 =	simm.s32 $0x6C00  }
0x5c: {  	[tilespmem:s25], [sflag:$0x1] =	stream.indirect_vreg.gather [hbm4b:s5+s3], $0x80, v3, vm0, $0xb8;
	[tilespmem:$0x18400] =	vst v63  }
0x5d: {  	s26 =	simm.s32 $0x7400  }
0x5e: {  	[tilespmem:s26], [sflag:$0x1] =	stream.indirect_vreg.gather [hbm4b:s6+s3], $0x80, v3, vm0, $0xb8;
	[tilespmem:$0x18400] =	vst v63  }
0x5f: {  	s28 =	simm.s32 $0x7C00  }
0x60: {  	[tilespmem:s28], [sflag:$0x1] =	stream.indirect_vreg.gather [hbm4b:s7+s3], $0x80, v3, vm0, $0xb8;
	[tilespmem:$0x18400] =	vst v63  }
0x61: {  	v3 =	vld [tilespmem:$0x20];
	_ =	sdelay $0x4  }
0x62: {  	v58 =	vshll.u32 v3, $0x3  }
0x63: {  	v3 =	vand.u32 $0x7, v3;
	v4 =	vand.u32 $0xFFFFFFC0, v58  }
0x64: {  	v3 =	vor.u32 v3, v4  }
0x65: {  	v4 =	vperm.xlane v3, v0;
	_ =	sdelay $0x1  }
0x66: {  	v4 =	vadd.s32 v1, v4;
	_ =	sdelay $0x3  }
0x67: {  	s29 =	simm.s32 $0x8400  }
0x68: {  	[tilespmem:s29], [sflag:$0x2] =	stream.indirect_vreg.gather [hbm4b:s1+s3], $0x80, v4, vm0, $0xb8;
	[tilespmem:$0x18400] =	vst v63  }
0x69: {  	s30 =	simm.s32 $0x8C00;
	v3 =	vperm.xlane v3, v2  }
0x6a: {  	[tilespmem:s30], [sflag:$0x2] =	stream.indirect_vreg.gather [hbm4b:s5+s3], $0x80, v4, vm0, $0xb8;
	[tilespmem:$0x18400] =	vst v63  }
0x6b: {  	s31 =	simm.s32 $0x9400;
	v3 =	vadd.s32 v1, v3  }
0x6c: {  	[tilespmem:s31], [sflag:$0x2] =	stream.indirect_vreg.gather [hbm4b:s6+s3], $0x80, v4, vm0, $0xb8;
	[tilespmem:$0x18400] =	vst v63  }
0x6d: {  	s8 =	simm.s32 $0x9C00  }
0x6e: {  	[tilespmem:s8], [sflag:$0x2] =	stream.indirect_vreg.gather [hbm4b:s7+s3], $0x80, v4, vm0, $0xb8;
	[tilespmem:$0x18400] =	vst v63  }
0x6f: {  	s9 =	simm.s32 $0xA400  }
0x70: {  	[tilespmem:s9], [sflag:$0x2] =	stream.indirect_vreg.gather [hbm4b:s1+s3], $0x80, v3, vm0, $0xb8;
	[tilespmem:$0x18400] =	vst v63  }
0x71: {  	s11 =	simm.s32 $0xAC00  }
0x72: {  	[tilespmem:s11], [sflag:$0x2] =	stream.indirect_vreg.gather [hbm4b:s5+s3], $0x80, v3, vm0, $0xb8;
	[tilespmem:$0x18400] =	vst v63  }
0x73: {  	s15 =	simm.s32 $0xB400  }
0x74: {  	[tilespmem:s15], [sflag:$0x2] =	stream.indirect_vreg.gather [hbm4b:s6+s3], $0x80, v3, vm0, $0xb8;
	[tilespmem:$0x18400] =	vst v63  }
0x75: {  	s16 =	simm.s32 $0xBC00  }
0x76: {  	[tilespmem:s16], [sflag:$0x2] =	stream.indirect_vreg.gather [hbm4b:s7+s3], $0x80, v3, vm0, $0xb8;
	[tilespmem:$0x18400] =	vst v63  }
0x77: {  	v3 =	vld [tilespmem:$0x30];
	_ =	sdelay $0x4  }
0x78: {  	v59 =	vshll.u32 v3, $0x3  }
0x79: {  	v3 =	vand.u32 $0x7, v3;
	v4 =	vand.u32 $0xFFFFFFC0, v59  }
0x7a: {  	v3 =	vor.u32 v3, v4  }
0x7b: {  	v4 =	vperm.xlane v3, v0;
	_ =	sdelay $0x1  }
0x7c: {  	v4 =	vadd.s32 v1, v4;
	_ =	sdelay $0x3  }
0x7d: {  	s17 =	simm.s32 $0xC400  }
0x7e: {  	[tilespmem:s17], [sflag:$0x2] =	stream.indirect_vreg.gather [hbm4b:s1+s3], $0x80, v4, vm0, $0xb8;
	[tilespmem:$0x18400] =	vst v63  }
0x7f: {  	s18 =	simm.s32 $0xCC00;
	v3 =	vperm.xlane v3, v2  }
0x80: {  	[tilespmem:s18], [sflag:$0x2] =	stream.indirect_vreg.gather [hbm4b:s5+s3], $0x80, v4, vm0, $0xb8;
	[tilespmem:$0x18400] =	vst v63  }
0x81: {  	s25 =	simm.s32 $0xD400;
	v3 =	vadd.s32 v1, v3  }
0x82: {  	[tilespmem:s25], [sflag:$0x2] =	stream.indirect_vreg.gather [hbm4b:s6+s3], $0x80, v4, vm0, $0xb8;
	[tilespmem:$0x18400] =	vst v63  }
0x83: {  	s28 =	simm.s32 $0xDC00  }
0x84: {  	[tilespmem:s28], [sflag:$0x2] =	stream.indirect_vreg.gather [hbm4b:s7+s3], $0x80, v4, vm0, $0xb8;
	[tilespmem:$0x18400] =	vst v63  }
0x85: {  	s29 =	simm.s32 $0xE400  }
0x86: {  	[tilespmem:s29], [sflag:$0x2] =	stream.indirect_vreg.gather [hbm4b:s1+s3], $0x80, v3, vm0, $0xb8;
	[tilespmem:$0x18400] =	vst v63  }
0x87: {  	s31 =	simm.s32 $0xEC00  }
0x88: {  	[tilespmem:s31], [sflag:$0x2] =	stream.indirect_vreg.gather [hbm4b:s5+s3], $0x80, v3, vm0, $0xb8;
	[tilespmem:$0x18400] =	vst v63  }
0x89: {  	s8 =	simm.s32 $0xF400  }
0x8a: {  	[tilespmem:s8], [sflag:$0x2] =	stream.indirect_vreg.gather [hbm4b:s6+s3], $0x80, v3, vm0, $0xb8;
	[tilespmem:$0x18400] =	vst v63  }
0x8b: {  	s9 =	simm.s32 $0xFC00  }
0x8c: {  	[tilespmem:s9], [sflag:$0x2] =	stream.indirect_vreg.gather [hbm4b:s7+s3], $0x80, v3, vm0, $0xb8;
	[tilespmem:$0x18400] =	vst v63  }
0x8d: {  	v3 =	vld [tilespmem:$0x40];
	_ =	sdelay $0x4  }
0x8e: {  	v60 =	vshll.u32 v3, $0x3  }
0x8f: {  	v3 =	vand.u32 $0x7, v3;
	v4 =	vand.u32 $0xFFFFFFC0, v60  }
0x90: {  	v3 =	vor.u32 v3, v4  }
0x91: {  	v4 =	vperm.xlane v3, v0;
	_ =	sdelay $0x1  }
0x92: {  	v4 =	vadd.s32 v1, v4;
	_ =	sdelay $0x3  }
0x93: {  	s11 =	simm.s32 $0x10400  }
0x94: {  	[tilespmem:s11], [sflag:$0x3] =	stream.indirect_vreg.gather [hbm4b:s1+s3], $0x80, v4, vm0, $0xb8;
	[tilespmem:$0x18400] =	vst v63  }
0x95: {  	s15 =	simm.s32 $0x10C00;
	v3 =	vperm.xlane v3, v2  }
0x96: {  	[tilespmem:s15], [sflag:$0x3] =	stream.indirect_vreg.gather [hbm4b:s5+s3], $0x80, v4, vm0, $0xb8;
	[tilespmem:$0x18400] =	vst v63  }
0x97: {  	s18 =	simm.s32 $0x11400;
	v3 =	vadd.s32 v1, v3  }
0x98: {  	[tilespmem:s18], [sflag:$0x3] =	stream.indirect_vreg.gather [hbm4b:s6+s3], $0x80, v4, vm0, $0xb8;
	[tilespmem:$0x18400] =	vst v63  }
0x99: {  	s25 =	simm.s32 $0x11C00  }
0x9a: {  	[tilespmem:s25], [sflag:$0x3] =	stream.indirect_vreg.gather [hbm4b:s7+s3], $0x80, v4, vm0, $0xb8;
	[tilespmem:$0x18400] =	vst v63  }
0x9b: {  	s29 =	simm.s32 $0x12400  }
0x9c: {  	[tilespmem:s29], [sflag:$0x3] =	stream.indirect_vreg.gather [hbm4b:s1+s3], $0x80, v3, vm0, $0xb8;
	[tilespmem:$0x18400] =	vst v63  }
0x9d: {  	s8 =	simm.s32 $0x12C00  }
0x9e: {  	[tilespmem:s8], [sflag:$0x3] =	stream.indirect_vreg.gather [hbm4b:s5+s3], $0x80, v3, vm0, $0xb8;
	[tilespmem:$0x18400] =	vst v63  }
0x9f: {  	s9 =	simm.s32 $0x13400  }
0xa0: {  	[tilespmem:s9], [sflag:$0x3] =	stream.indirect_vreg.gather [hbm4b:s6+s3], $0x80, v3, vm0, $0xb8;
	[tilespmem:$0x18400] =	vst v63  }
0xa1: {  	s11 =	simm.s32 $0x13C00  }
0xa2: {  	[tilespmem:s11], [sflag:$0x3] =	stream.indirect_vreg.gather [hbm4b:s7+s3], $0x80, v3, vm0, $0xb8;
	[tilespmem:$0x18400] =	vst v63  }
0xa3: {  	v3 =	vld [tilespmem:$0x50];
	_ =	sdelay $0x4  }
0xa4: {  	v61 =	vshll.u32 v3, $0x3  }
0xa5: {  	v3 =	vand.u32 $0x7, v3;
	v4 =	vand.u32 $0xFFFFFFC0, v61  }
0xa6: {  	v3 =	vor.u32 v3, v4  }
0xa7: {  	v4 =	vperm.xlane v3, v0;
	_ =	sdelay $0x1  }
0xa8: {  	v4 =	vadd.s32 v1, v4;
	_ =	sdelay $0x3  }
0xa9: {  	s15 =	simm.s32 $0x14400  }
0xaa: {  	[tilespmem:s15], [sflag:$0x3] =	stream.indirect_vreg.gather [hbm4b:s1+s3], $0x80, v4, vm0, $0xb8;
	[tilespmem:$0x18400] =	vst v63  }
0xab: {  	s18 =	simm.s32 $0x14C00;
	v3 =	vperm.xlane v3, v2  }
0xac: {  	[tilespmem:s18], [sflag:$0x3] =	stream.indirect_vreg.gather [hbm4b:s5+s3], $0x80, v4, vm0, $0xb8;
	[tilespmem:$0x18400] =	vst v63  }
0xad: {  	s25 =	simm.s32 $0x15400;
	v3 =	vadd.s32 v1, v3  }
0xae: {  	[tilespmem:s25], [sflag:$0x3] =	stream.indirect_vreg.gather [hbm4b:s6+s3], $0x80, v4, vm0, $0xb8;
	[tilespmem:$0x18400] =	vst v63  }
0xaf: {  	s29 =	simm.s32 $0x15C00  }
0xb0: {  	[tilespmem:s29], [sflag:$0x3] =	stream.indirect_vreg.gather [hbm4b:s7+s3], $0x80, v4, vm0, $0xb8;
	[tilespmem:$0x18400] =	vst v63  }
0xb1: {  	s8 =	simm.s32 $0x16400  }
0xb2: {  	[tilespmem:s8], [sflag:$0x3] =	stream.indirect_vreg.gather [hbm4b:s1+s3], $0x80, v3, vm0, $0xb8;
	[tilespmem:$0x18400] =	vst v63  }
0xb3: {  	s9 =	simm.s32 $0x16C00  }
0xb4: {  	[tilespmem:s9], [sflag:$0x3] =	stream.indirect_vreg.gather [hbm4b:s5+s3], $0x80, v3, vm0, $0xb8;
	[tilespmem:$0x18400] =	vst v63  }
0xb5: {  	s11 =	simm.s32 $0x17400  }
0xb6: {  	[tilespmem:s11], [sflag:$0x3] =	stream.indirect_vreg.gather [hbm4b:s6+s3], $0x80, v3, vm0, $0xb8;
	[tilespmem:$0x18400] =	vst v63  }
0xb7: {  	s15 =	simm.s32 $0x17C00  }
0xb8: {  	[tilespmem:s15], [sflag:$0x3] =	stream.indirect_vreg.gather [hbm4b:s7+s3], $0x80, v3, vm0, $0xb8;
	[tilespmem:$0x18400] =	vst v63  }
0xb9: {  	_ =	swait.ge [sflag:s19], $0x8000  }
0xba: {  	s18 =	sld [smem:$0x7FB]  }
0xbb: {  	[sflag:s19] =	ssyncset.done $0x0  }
0xbc: {  	s29 =	simm.s32 $0x400;
	[sflag:s19] =	ssyncadd.s32 $0xFFFF8000  }
0xbd: {  	[hbm4b:s18+s3] =	stream.linear.scatter [tilespmem:s29], [sflag:$0x4], $0x8000, $0x38;
	[tilespmem:$0x18400] =	vst v63  }
0xbe: {  	_ =	swait.ge [sflag:s20], $0x8000  }
0xbf: {  	[sflag:s20] =	ssyncset.done $0x0  }
0xc0: {  	[sflag:s20] =	ssyncadd.s32 $0xFFFF8000  }
0xc1: {  	v3 =	vld [tilespmem:$0x60];
	_ =	sdelay $0x4  }
0xc2: {  	v62 =	vshll.u32 v3, $0x3  }
0xc3: {  	v3 =	vand.u32 $0x7, v3;
	v4 =	vand.u32 $0xFFFFFFC0, v62  }
0xc4: {  	v3 =	vor.u32 v3, v4  }
0xc5: {  	v4 =	vperm.xlane v3, v0;
	_ =	sdelay $0x1  }
0xc6: {  	v4 =	vadd.s32 v1, v4;
	_ =	sdelay $0x4  }
0xc7: {  	[tilespmem:s29], [sflag:$0x1] =	stream.indirect_vreg.gather [hbm4b:s1+s3], $0x80, v4, vm0, $0xb8;
	[tilespmem:$0x18400] =	vst v63  }
0xc8: {  	s4 =	simm.s32 $0xC00;
	v3 =	vperm.xlane v3, v2  }
0xc9: {  	[tilespmem:s4], [sflag:$0x1] =	stream.indirect_vreg.gather [hbm4b:s5+s3], $0x80, v4, vm0, $0xb8;
	[tilespmem:$0x18400] =	vst v63  }
0xca: {  	s2 =	simm.s32 $0x1400;
	v3 =	vadd.s32 v1, v3  }
0xcb: {  	[tilespmem:s2], [sflag:$0x1] =	stream.indirect_vreg.gather [hbm4b:s6+s3], $0x80, v4, vm0, $0xb8;
	[tilespmem:$0x18400] =	vst v63  }
0xcc: {  	s2 =	simm.s32 $0x1C00  }
0xcd: {  	[tilespmem:s2], [sflag:$0x1] =	stream.indirect_vreg.gather [hbm4b:s7+s3], $0x80, v4, vm0, $0xb8;
	[tilespmem:$0x18400] =	vst v63  }
0xce: {  	s4 =	simm.s32 $0x2400  }
0xcf: {  	[tilespmem:s4], [sflag:$0x1] =	stream.indirect_vreg.gather [hbm4b:s1+s3], $0x80, v3, vm0, $0xb8;
	[tilespmem:$0x18400] =	vst v63  }
0xd0: {  	s8 =	simm.s32 $0x2C00  }
0xd1: {  	[tilespmem:s8], [sflag:$0x1] =	stream.indirect_vreg.gather [hbm4b:s5+s3], $0x80, v3, vm0, $0xb8;
	[tilespmem:$0x18400] =	vst v63  }
0xd2: {  	s9 =	simm.s32 $0x3400  }
0xd3: {  	[tilespmem:s9], [sflag:$0x1] =	stream.indirect_vreg.gather [hbm4b:s6+s3], $0x80, v3, vm0, $0xb8;
	[tilespmem:$0x18400] =	vst v63  }
0xd4: {  	s12 =	simm.s32 $0x3C00  }
0xd5: {  	[tilespmem:s12], [sflag:$0x1] =	stream.indirect_vreg.gather [hbm4b:s7+s3], $0x80, v3, vm0, $0xb8;
	[tilespmem:$0x18400] =	vst v63  }
0xd6: {  	v3 =	vld [tilespmem:$0x70];
	_ =	sdelay $0x4  }
0xd7: {  	v63 =	vshll.u32 v3, $0x3  }
0xd8: {  	v3 =	vand.u32 $0x7, v3;
	v4 =	vand.u32 $0xFFFFFFC0, v63  }
0xd9: {  	v3 =	vor.u32 v3, v4  }
0xda: {  	v4 =	vperm.xlane v3, v0;
	_ =	sdelay $0x1  }
0xdb: {  	v4 =	vadd.s32 v1, v4;
	_ =	sdelay $0x3  }
0xdc: {  	s13 =	simm.s32 $0x4400  }
0xdd: {  	[tilespmem:s13], [sflag:$0x1] =	stream.indirect_vreg.gather [hbm4b:s1+s3], $0x80, v4, vm0, $0xb8;
	[tilespmem:$0x18400] =	vst v63  }
0xde: {  	s14 =	simm.s32 $0x4C00;
	v3 =	vperm.xlane v3, v2  }
0xdf: {  	[tilespmem:s14], [sflag:$0x1] =	stream.indirect_vreg.gather [hbm4b:s5+s3], $0x80, v4, vm0, $0xb8;
	[tilespmem:$0x18400] =	vst v63  }
0xe0: {  	s18 =	simm.s32 $0x5400;
	v3 =	vadd.s32 v1, v3  }
0xe1: {  	[tilespmem:s18], [sflag:$0x1] =	stream.indirect_vreg.gather [hbm4b:s6+s3], $0x80, v4, vm0, $0xb8;
	[tilespmem:$0x18400] =	vst v63  }
0xe2: {  	s12 =	simm.s32 $0x5C00  }
0xe3: {  	[tilespmem:s12], [sflag:$0x1] =	stream.indirect_vreg.gather [hbm4b:s7+s3], $0x80, v4, vm0, $0xb8;
	[tilespmem:$0x18400] =	vst v63  }
0xe4: {  	s13 =	simm.s32 $0x6400  }
0xe5: {  	[tilespmem:s13], [sflag:$0x1] =	stream.indirect_vreg.gather [hbm4b:s1+s3], $0x80, v3, vm0, $0xb8;
	[tilespmem:$0x18400] =	vst v63  }
0xe6: {  	s14 =	simm.s32 $0x6C00  }
0xe7: {  	[tilespmem:s14], [sflag:$0x1] =	stream.indirect_vreg.gather [hbm4b:s5+s3], $0x80, v3, vm0, $0xb8;
	[tilespmem:$0x18400] =	vst v63  }
0xe8: {  	s15 =	simm.s32 $0x7400  }
0xe9: {  	[tilespmem:s15], [sflag:$0x1] =	stream.indirect_vreg.gather [hbm4b:s6+s3], $0x80, v3, vm0, $0xb8;
	[tilespmem:$0x18400] =	vst v63  }
0xea: {  	s11 =	simm.s32 $0x7C00  }
0xeb: {  	[tilespmem:s11], [sflag:$0x1] =	stream.indirect_vreg.gather [hbm4b:s7+s3], $0x80, v3, vm0, $0xb8;
	[tilespmem:$0x18400] =	vst v63  }
0xec: {  	_ =	swait.ge [sflag:s21], $0x8000  }
0xed: {  	[sflag:s21] =	ssyncset.done $0x0  }
0xee: {  	s26 =	simm.s32 $0x8400;
	s0 =	rddreg [dreg:$0x6];
	[sflag:s21] =	ssyncadd.s32 $0xFFFF8000  }
0xef: {  	[hbm4b:s0+s3] =	stream.linear.scatter [tilespmem:s26], [sflag:$0x5], $0x8000, $0x38;
	[tilespmem:$0x18400] =	vst v63  }
0xf0: {  	_ =	swait.ge [sflag:s22], $0x8000  }
0xf1: {  	[sflag:s22] =	ssyncset.done $0x0  }
0xf2: {  	[sflag:s22] =	ssyncadd.s32 $0xFFFF8000  }
0xf3: {  	v3 =	vld [tilespmem:$0x80];
	_ =	sdelay $0x4  }
0xf4: {  	v8 =	vshll.u32 v3, $0x3  }
0xf5: {  	v3 =	vand.u32 $0x7, v3;
	v4 =	vand.u32 $0xFFFFFFC0, v8  }
0xf6: {  	v3 =	vor.u32 v3, v4  }
0xf7: {  	v4 =	vperm.xlane v3, v0;
	_ =	sdelay $0x1  }
0xf8: {  	v4 =	vadd.s32 v1, v4;
	_ =	sdelay $0x4  }
0xf9: {  	[tilespmem:s26], [sflag:$0x2] =	stream.indirect_vreg.gather [hbm4b:s1+s3], $0x80, v4, vm0, $0xb8;
	[tilespmem:$0x18400] =	vst v63  }
0xfa: {  	s10 =	simm.s32 $0x8C00;
	v3 =	vperm.xlane v3, v2  }
0xfb: {  	[tilespmem:s10], [sflag:$0x2] =	stream.indirect_vreg.gather [hbm4b:s5+s3], $0x80, v4, vm0, $0xb8;
	[tilespmem:$0x18400] =	vst v63  }
0xfc: {  	s29 =	simm.s32 $0x9400;
	v3 =	vadd.s32 v1, v3  }
0xfd: {  	[tilespmem:s29], [sflag:$0x2] =	stream.indirect_vreg.gather [hbm4b:s6+s3], $0x80, v4, vm0, $0xb8;
	[tilespmem:$0x18400] =	vst v63  }
0xfe: {  	s10 =	simm.s32 $0x9C00  }
0xff: {  	[tilespmem:s10], [sflag:$0x2] =	stream.indirect_vreg.gather [hbm4b:s7+s3], $0x80, v4, vm0, $0xb8;
	[tilespmem:$0x18400] =	vst v63  }
0x100: {  	s25 =	simm.s32 $0xA400  }
0x101: {  	[tilespmem:s25], [sflag:$0x2] =	stream.indirect_vreg.gather [hbm4b:s1+s3], $0x80, v3, vm0, $0xb8;
	[tilespmem:$0x18400] =	vst v63  }
0x102: {  	s26 =	simm.s32 $0xAC00  }
0x103: {  	[tilespmem:s26], [sflag:$0x2] =	stream.indirect_vreg.gather [hbm4b:s5+s3], $0x80, v3, vm0, $0xb8;
	[tilespmem:$0x18400] =	vst v63  }
0x104: {  	s10 =	simm.s32 $0xB400  }
0x105: {  	[tilespmem:s10], [sflag:$0x2] =	stream.indirect_vreg.gather [hbm4b:s6+s3], $0x80, v3, vm0, $0xb8;
	[tilespmem:$0x18400] =	vst v63  }
0x106: {  	s16 =	simm.s32 $0xBC00  }
0x107: {  	[tilespmem:s16], [sflag:$0x2] =	stream.indirect_vreg.gather [hbm4b:s7+s3], $0x80, v3, vm0, $0xb8;
	[tilespmem:$0x18400] =	vst v63  }
0x108: {  	v3 =	vld [tilespmem:$0x90];
	_ =	sdelay $0x4  }
0x109: {  	v9 =	vshll.u32 v3, $0x3  }
0x10a: {  	v3 =	vand.u32 $0x7, v3;
	v4 =	vand.u32 $0xFFFFFFC0, v9  }
0x10b: {  	v3 =	vor.u32 v3, v4  }
0x10c: {  	v4 =	vperm.xlane v3, v0;
	_ =	sdelay $0x1  }
0x10d: {  	v4 =	vadd.s32 v1, v4;
	_ =	sdelay $0x3  }
0x10e: {  	s17 =	simm.s32 $0xC400  }
0x10f: {  	[tilespmem:s17], [sflag:$0x2] =	stream.indirect_vreg.gather [hbm4b:s1+s3], $0x80, v4, vm0, $0xb8;
	[tilespmem:$0x18400] =	vst v63  }
0x110: {  	s30 =	simm.s32 $0xCC00;
	v3 =	vperm.xlane v3, v2  }
0x111: {  	[tilespmem:s30], [sflag:$0x2] =	stream.indirect_vreg.gather [hbm4b:s5+s3], $0x80, v4, vm0, $0xb8;
	[tilespmem:$0x18400] =	vst v63  }
0x112: {  	v3 =	vadd.s32 v1, v3;
	s17 =	simm.s32 $0xD400  }
0x113: {  	[tilespmem:s17], [sflag:$0x2] =	stream.indirect_vreg.gather [hbm4b:s6+s3], $0x80, v4, vm0, $0xb8;
	[tilespmem:$0x18400] =	vst v63  }
0x114: {  	s25 =	simm.s32 $0xDC00  }
0x115: {  	[tilespmem:s25], [sflag:$0x2] =	stream.indirect_vreg.gather [hbm4b:s7+s3], $0x80, v4, vm0, $0xb8;
	[tilespmem:$0x18400] =	vst v63  }
0x116: {  	s26 =	simm.s32 $0xE400  }
0x117: {  	[tilespmem:s26], [sflag:$0x2] =	stream.indirect_vreg.gather [hbm4b:s1+s3], $0x80, v3, vm0, $0xb8;
	[tilespmem:$0x18400] =	vst v63  }
0x118: {  	s30 =	simm.s32 $0xEC00  }
0x119: {  	[tilespmem:s30], [sflag:$0x2] =	stream.indirect_vreg.gather [hbm4b:s5+s3], $0x80, v3, vm0, $0xb8;
	[tilespmem:$0x18400] =	vst v63  }
0x11a: {  	s10 =	simm.s32 $0xF400  }
0x11b: {  	[tilespmem:s10], [sflag:$0x2] =	stream.indirect_vreg.gather [hbm4b:s6+s3], $0x80, v3, vm0, $0xb8;
	[tilespmem:$0x18400] =	vst v63  }
0x11c: {  	s31 =	simm.s32 $0xFC00  }
0x11d: {  	[tilespmem:s31], [sflag:$0x2] =	stream.indirect_vreg.gather [hbm4b:s7+s3], $0x80, v3, vm0, $0xb8;
	[tilespmem:$0x18400] =	vst v63  }
0x11e: {  	_ =	swait.ge [sflag:s23], $0x8000  }
0x11f: {  	[sflag:s23] =	ssyncset.done $0x0  }
0x120: {  	s17 =	simm.s32 $0x10400;
	s16 =	rddreg [dreg:$0x7];
	[sflag:s23] =	ssyncadd.s32 $0xFFFF8000  }
0x121: {  	[hbm4b:s16+s3] =	stream.linear.scatter [tilespmem:s17], [sflag:$0x6], $0x8000, $0x38;
	[tilespmem:$0x18400] =	vst v63  }
0x122: {  	_ =	swait.ge [sflag:s24], $0x8000  }
0x123: {  	[sflag:s24] =	ssyncset.done $0x0  }
0x124: {  	[sflag:s24] =	ssyncadd.s32 $0xFFFF8000  }
0x125: {  	v3 =	vld [tilespmem:$0xA0];
	_ =	sdelay $0x4  }
0x126: {  	v10 =	vshll.u32 v3, $0x3  }
0x127: {  	v3 =	vand.u32 $0x7, v3;
	v4 =	vand.u32 $0xFFFFFFC0, v10  }
0x128: {  	v3 =	vor.u32 v3, v4  }
0x129: {  	v4 =	vperm.xlane v3, v0;
	_ =	sdelay $0x1  }
0x12a: {  	v4 =	vadd.s32 v1, v4;
	_ =	sdelay $0x4  }
0x12b: {  	[tilespmem:s17], [sflag:$0x3] =	stream.indirect_vreg.gather [hbm4b:s1+s3], $0x80, v4, vm0, $0xb8;
	[tilespmem:$0x18400] =	vst v63  }
0x12c: {  	s28 =	simm.s32 $0x10C00;
	v3 =	vperm.xlane v3, v2  }
0x12d: {  	[tilespmem:s28], [sflag:$0x3] =	stream.indirect_vreg.gather [hbm4b:s5+s3], $0x80, v4, vm0, $0xb8;
	[tilespmem:$0x18400] =	vst v63  }
0x12e: {  	s16 =	simm.s32 $0x11400;
	v3 =	vadd.s32 v1, v3  }
0x12f: {  	[tilespmem:s16], [sflag:$0x3] =	stream.indirect_vreg.gather [hbm4b:s6+s3], $0x80, v4, vm0, $0xb8;
	[tilespmem:$0x18400] =	vst v63  }
0x130: {  	s17 =	simm.s32 $0x11C00  }
0x131: {  	[tilespmem:s17], [sflag:$0x3] =	stream.indirect_vreg.gather [hbm4b:s7+s3], $0x80, v4, vm0, $0xb8;
	[tilespmem:$0x18400] =	vst v63  }
0x132: {  	s30 =	simm.s32 $0x12400  }
0x133: {  	[tilespmem:s30], [sflag:$0x3] =	stream.indirect_vreg.gather [hbm4b:s1+s3], $0x80, v3, vm0, $0xb8;
	[tilespmem:$0x18400] =	vst v63  }
0x134: {  	s31 =	simm.s32 $0x12C00  }
0x135: {  	[tilespmem:s31], [sflag:$0x3] =	stream.indirect_vreg.gather [hbm4b:s5+s3], $0x80, v3, vm0, $0xb8;
	[tilespmem:$0x18400] =	vst v63  }
0x136: {  	s10 =	simm.s32 $0x13400  }
0x137: {  	[tilespmem:s10], [sflag:$0x3] =	stream.indirect_vreg.gather [hbm4b:s6+s3], $0x80, v3, vm0, $0xb8;
	[tilespmem:$0x18400] =	vst v63  }
0x138: {  	s25 =	simm.s32 $0x13C00  }
0x139: {  	[tilespmem:s25], [sflag:$0x3] =	stream.indirect_vreg.gather [hbm4b:s7+s3], $0x80, v3, vm0, $0xb8;
	[tilespmem:$0x18400] =	vst v63  }
0x13a: {  	v3 =	vld [tilespmem:$0xB0];
	_ =	sdelay $0x4  }
0x13b: {  	v11 =	vshll.u32 v3, $0x3  }
0x13c: {  	v3 =	vand.u32 $0x7, v3;
	v4 =	vand.u32 $0xFFFFFFC0, v11  }
0x13d: {  	v3 =	vor.u32 v3, v4  }
0x13e: {  	v4 =	vperm.xlane v3, v0;
	_ =	sdelay $0x1  }
0x13f: {  	v4 =	vadd.s32 v1, v4;
	_ =	sdelay $0x3  }
0x140: {  	s26 =	simm.s32 $0x14400  }
0x141: {  	[tilespmem:s26], [sflag:$0x3] =	stream.indirect_vreg.gather [hbm4b:s1+s3], $0x80, v4, vm0, $0xb8;
	[tilespmem:$0x18400] =	vst v63  }
0x142: {  	s28 =	simm.s32 $0x14C00;
	v3 =	vperm.xlane v3, v2  }
0x143: {  	[tilespmem:s28], [sflag:$0x3] =	stream.indirect_vreg.gather [hbm4b:s5+s3], $0x80, v4, vm0, $0xb8;
	[tilespmem:$0x18400] =	vst v63  }
0x144: {  	v3 =	vadd.s32 v1, v3;
	s26 =	simm.s32 $0x15400  }
0x145: {  	[tilespmem:s26], [sflag:$0x3] =	stream.indirect_vreg.gather [hbm4b:s6+s3], $0x80, v4, vm0, $0xb8;
	[tilespmem:$0x18400] =	vst v63  }
0x146: {  	s28 =	simm.s32 $0x15C00  }
0x147: {  	[tilespmem:s28], [sflag:$0x3] =	stream.indirect_vreg.gather [hbm4b:s7+s3], $0x80, v4, vm0, $0xb8;
	[tilespmem:$0x18400] =	vst v63  }
0x148: {  	s25 =	simm.s32 $0x16400  }
0x149: {  	[tilespmem:s25], [sflag:$0x3] =	stream.indirect_vreg.gather [hbm4b:s1+s3], $0x80, v3, vm0, $0xb8;
	[tilespmem:$0x18400] =	vst v63  }
0x14a: {  	s25 =	simm.s32 $0x16C00  }
0x14b: {  	[tilespmem:s25], [sflag:$0x3] =	stream.indirect_vreg.gather [hbm4b:s5+s3], $0x80, v3, vm0, $0xb8;
	[tilespmem:$0x18400] =	vst v63  }
0x14c: {  	s25 =	simm.s32 $0x17400  }
0x14d: {  	[tilespmem:s25], [sflag:$0x3] =	stream.indirect_vreg.gather [hbm4b:s6+s3], $0x80, v3, vm0, $0xb8;
	[tilespmem:$0x18400] =	vst v63  }
0x14e: {  	s25 =	simm.s32 $0x17C00  }
0x14f: {  	[tilespmem:s25], [sflag:$0x3] =	stream.indirect_vreg.gather [hbm4b:s7+s3], $0x80, v3, vm0, $0xb8;
	[tilespmem:$0x18400] =	vst v63  }
0x150: {  	_ =	swait.ge [sflag:s19], $0x8000  }
0x151: {  	[sflag:s19] =	ssyncset.done $0x0  }
0x152: {  	s0 =	simm.s32 $0x400;
	s25 =	rddreg [dreg:$0x8];
	[sflag:s19] =	ssyncadd.s32 $0xFFFF8000  }
0x153: {  	[hbm4b:s25+s3] =	stream.linear.scatter [tilespmem:s0], [sflag:$0x4], $0x8000, $0x38;
	[tilespmem:$0x18400] =	vst v63  }
0x154: {  	_ =	swait.ge [sflag:s20], $0x8000  }
0x155: {  	[sflag:s20] =	ssyncset.done $0x0  }
0x156: {  	[sflag:s20] =	ssyncadd.s32 $0xFFFF8000  }
0x157: {  	v3 =	vld [tilespmem:$0xC0];
	_ =	sdelay $0x4  }
0x158: {  	v12 =	vshll.u32 v3, $0x3  }
0x159: {  	v3 =	vand.u32 $0x7, v3;
	v4 =	vand.u32 $0xFFFFFFC0, v12  }
0x15a: {  	v3 =	vor.u32 v3, v4  }
0x15b: {  	v4 =	vperm.xlane v3, v0;
	_ =	sdelay $0x1  }
0x15c: {  	v4 =	vadd.s32 v1, v4;
	_ =	sdelay $0x4  }
0x15d: {  	[tilespmem:s0], [sflag:$0x1] =	stream.indirect_vreg.gather [hbm4b:s1+s3], $0x80, v4, vm0, $0xb8;
	[tilespmem:$0x18400] =	vst v63  }
0x15e: {  	s25 =	simm.s32 $0xC00;
	v3 =	vperm.xlane v3, v2  }
0x15f: {  	[tilespmem:s25], [sflag:$0x1] =	stream.indirect_vreg.gather [hbm4b:s5+s3], $0x80, v4, vm0, $0xb8;
	[tilespmem:$0x18400] =	vst v63  }
0x160: {  	v3 =	vadd.s32 v1, v3;
	s25 =	simm.s32 $0x1400  }
0x161: {  	[tilespmem:s25], [sflag:$0x1] =	stream.indirect_vreg.gather [hbm4b:s6+s3], $0x80, v4, vm0, $0xb8;
	[tilespmem:$0x18400] =	vst v63  }
0x162: {  	_ = 	snop  }
0x163: {  	[tilespmem:s2], [sflag:$0x1] =	stream.indirect_vreg.gather [hbm4b:s7+s3], $0x80, v4, vm0, $0xb8;
	[tilespmem:$0x18400] =	vst v63  }
0x164: {  	_ = 	snop  }
0x165: {  	[tilespmem:s4], [sflag:$0x1] =	stream.indirect_vreg.gather [hbm4b:s1+s3], $0x80, v3, vm0, $0xb8;
	[tilespmem:$0x18400] =	vst v63  }
0x166: {  	_ = 	snop  }
0x167: {  	[tilespmem:s8], [sflag:$0x1] =	stream.indirect_vreg.gather [hbm4b:s5+s3], $0x80, v3, vm0, $0xb8;
	[tilespmem:$0x18400] =	vst v63  }
0x168: {  	_ = 	snop  }
0x169: {  	[tilespmem:s9], [sflag:$0x1] =	stream.indirect_vreg.gather [hbm4b:s6+s3], $0x80, v3, vm0, $0xb8;
	[tilespmem:$0x18400] =	vst v63  }
0x16a: {  	s4 =	simm.s32 $0x3C00  }
0x16b: {  	[tilespmem:s4], [sflag:$0x1] =	stream.indirect_vreg.gather [hbm4b:s7+s3], $0x80, v3, vm0, $0xb8;
	[tilespmem:$0x18400] =	vst v63  }
0x16c: {  	v3 =	vld [tilespmem:$0xD0];
	_ =	sdelay $0x4  }
0x16d: {  	v13 =	vshll.u32 v3, $0x3  }
0x16e: {  	v3 =	vand.u32 $0x7, v3;
	v4 =	vand.u32 $0xFFFFFFC0, v13  }
0x16f: {  	v3 =	vor.u32 v3, v4  }
0x170: {  	v4 =	vperm.xlane v3, v0;
	_ =	sdelay $0x1  }
0x171: {  	v4 =	vadd.s32 v1, v4;
	_ =	sdelay $0x3  }
0x172: {  	s8 =	simm.s32 $0x4400  }
0x173: {  	[tilespmem:s8], [sflag:$0x1] =	stream.indirect_vreg.gather [hbm4b:s1+s3], $0x80, v4, vm0, $0xb8;
	[tilespmem:$0x18400] =	vst v63  }
0x174: {  	s9 =	simm.s32 $0x4C00;
	v3 =	vperm.xlane v3, v2  }
0x175: {  	[tilespmem:s9], [sflag:$0x1] =	stream.indirect_vreg.gather [hbm4b:s5+s3], $0x80, v4, vm0, $0xb8;
	[tilespmem:$0x18400] =	vst v63  }
0x176: {  	v3 =	vadd.s32 v1, v3  }
0x177: {  	[tilespmem:s18], [sflag:$0x1] =	stream.indirect_vreg.gather [hbm4b:s6+s3], $0x80, v4, vm0, $0xb8;
	[tilespmem:$0x18400] =	vst v63  }
0x178: {  	_ = 	snop  }
0x179: {  	[tilespmem:s12], [sflag:$0x1] =	stream.indirect_vreg.gather [hbm4b:s7+s3], $0x80, v4, vm0, $0xb8;
	[tilespmem:$0x18400] =	vst v63  }
0x17a: {  	_ = 	snop  }
0x17b: {  	[tilespmem:s13], [sflag:$0x1] =	stream.indirect_vreg.gather [hbm4b:s1+s3], $0x80, v3, vm0, $0xb8;
	[tilespmem:$0x18400] =	vst v63  }
0x17c: {  	_ = 	snop  }
0x17d: {  	[tilespmem:s14], [sflag:$0x1] =	stream.indirect_vreg.gather [hbm4b:s5+s3], $0x80, v3, vm0, $0xb8;
	[tilespmem:$0x18400] =	vst v63  }
0x17e: {  	_ = 	snop  }
0x17f: {  	[tilespmem:s15], [sflag:$0x1] =	stream.indirect_vreg.gather [hbm4b:s6+s3], $0x80, v3, vm0, $0xb8;
	[tilespmem:$0x18400] =	vst v63  }
0x180: {  	_ = 	snop  }
0x181: {  	[tilespmem:s11], [sflag:$0x1] =	stream.indirect_vreg.gather [hbm4b:s7+s3], $0x80, v3, vm0, $0xb8;
	[tilespmem:$0x18400] =	vst v63  }
0x182: {  	_ =	swait.ge [sflag:s21], $0x8000  }
0x183: {  	[sflag:s21] =	ssyncset.done $0x0  }
0x184: {  	s14 =	simm.s32 $0x8400;
	s13 =	rddreg [dreg:$0x9];
	[sflag:s21] =	ssyncadd.s32 $0xFFFF8000  }
0x185: {  	[hbm4b:s13+s3] =	stream.linear.scatter [tilespmem:s14], [sflag:$0x5], $0x8000, $0x38;
	[tilespmem:$0x18400] =	vst v63  }
0x186: {  	_ =	swait.ge [sflag:s22], $0x8000  }
0x187: {  	[sflag:s22] =	ssyncset.done $0x0  }
0x188: {  	[sflag:s22] =	ssyncadd.s32 $0xFFFF8000  }
0x189: {  	v3 =	vld [tilespmem:$0xE0];
	_ =	sdelay $0x4  }
0x18a: {  	v14 =	vshll.u32 v3, $0x3  }
0x18b: {  	v3 =	vand.u32 $0x7, v3;
	v4 =	vand.u32 $0xFFFFFFC0, v14  }
0x18c: {  	v3 =	vor.u32 v3, v4  }
0x18d: {  	v4 =	vperm.xlane v3, v0;
	_ =	sdelay $0x1  }
0x18e: {  	v4 =	vadd.s32 v1, v4;
	_ =	sdelay $0x4  }
0x18f: {  	[tilespmem:s14], [sflag:$0x2] =	stream.indirect_vreg.gather [hbm4b:s1+s3], $0x80, v4, vm0, $0xb8;
	[tilespmem:$0x18400] =	vst v63  }
0x190: {  	s15 =	simm.s32 $0x8C00;
	v3 =	vperm.xlane v3, v2  }
0x191: {  	[tilespmem:s15], [sflag:$0x2] =	stream.indirect_vreg.gather [hbm4b:s5+s3], $0x80, v4, vm0, $0xb8;
	[tilespmem:$0x18400] =	vst v63  }
0x192: {  	v3 =	vadd.s32 v1, v3  }
0x193: {  	[tilespmem:s29], [sflag:$0x2] =	stream.indirect_vreg.gather [hbm4b:s6+s3], $0x80, v4, vm0, $0xb8;
	[tilespmem:$0x18400] =	vst v63  }
0x194: {  	s18 =	simm.s32 $0x9C00  }
0x195: {  	[tilespmem:s18], [sflag:$0x2] =	stream.indirect_vreg.gather [hbm4b:s7+s3], $0x80, v4, vm0, $0xb8;
	[tilespmem:$0x18400] =	vst v63  }
0x196: {  	s25 =	simm.s32 $0xA400  }
0x197: {  	[tilespmem:s25], [sflag:$0x2] =	stream.indirect_vreg.gather [hbm4b:s1+s3], $0x80, v3, vm0, $0xb8;
	[tilespmem:$0x18400] =	vst v63  }
0x198: {  	s29 =	simm.s32 $0xAC00  }
0x199: {  	[tilespmem:s29], [sflag:$0x2] =	stream.indirect_vreg.gather [hbm4b:s5+s3], $0x80, v3, vm0, $0xb8;
	[tilespmem:$0x18400] =	vst v63  }
0x19a: {  	s4 =	simm.s32 $0xB400  }
0x19b: {  	[tilespmem:s4], [sflag:$0x2] =	stream.indirect_vreg.gather [hbm4b:s6+s3], $0x80, v3, vm0, $0xb8;
	[tilespmem:$0x18400] =	vst v63  }
0x19c: {  	s8 =	simm.s32 $0xBC00  }
0x19d: {  	[tilespmem:s8], [sflag:$0x2] =	stream.indirect_vreg.gather [hbm4b:s7+s3], $0x80, v3, vm0, $0xb8;
	[tilespmem:$0x18400] =	vst v63  }
0x19e: {  	v3 =	vld [tilespmem:$0xF0];
	_ =	sdelay $0x4  }
0x19f: {  	v15 =	vshll.u32 v3, $0x3  }
0x1a0: {  	v3 =	vand.u32 $0x7, v3;
	v4 =	vand.u32 $0xFFFFFFC0, v15  }
0x1a1: {  	v3 =	vor.u32 v3, v4  }
0x1a2: {  	v4 =	vperm.xlane v3, v0;
	_ =	sdelay $0x1  }
0x1a3: {  	v4 =	vadd.s32 v1, v4;
	_ =	sdelay $0x3  }
0x1a4: {  	s9 =	simm.s32 $0xC400  }
0x1a5: {  	[tilespmem:s9], [sflag:$0x2] =	stream.indirect_vreg.gather [hbm4b:s1+s3], $0x80, v4, vm0, $0xb8;
	[tilespmem:$0x18400] =	vst v63  }
0x1a6: {  	s12 =	simm.s32 $0xCC00;
	v3 =	vperm.xlane v3, v2  }
0x1a7: {  	[tilespmem:s12], [sflag:$0x2] =	stream.indirect_vreg.gather [hbm4b:s5+s3], $0x80, v4, vm0, $0xb8;
	[tilespmem:$0x18400] =	vst v63  }
0x1a8: {  	s13 =	simm.s32 $0xD400;
	v3 =	vadd.s32 v1, v3  }
0x1a9: {  	[tilespmem:s13], [sflag:$0x2] =	stream.indirect_vreg.gather [hbm4b:s6+s3], $0x80, v4, vm0, $0xb8;
	[tilespmem:$0x18400] =	vst v63  }
0x1aa: {  	s14 =	simm.s32 $0xDC00  }
0x1ab: {  	[tilespmem:s14], [sflag:$0x2] =	stream.indirect_vreg.gather [hbm4b:s7+s3], $0x80, v4, vm0, $0xb8;
	[tilespmem:$0x18400] =	vst v63  }
0x1ac: {  	s15 =	simm.s32 $0xE400  }
0x1ad: {  	[tilespmem:s15], [sflag:$0x2] =	stream.indirect_vreg.gather [hbm4b:s1+s3], $0x80, v3, vm0, $0xb8;
	[tilespmem:$0x18400] =	vst v63  }
0x1ae: {  	s18 =	simm.s32 $0xEC00  }
0x1af: {  	[tilespmem:s18], [sflag:$0x2] =	stream.indirect_vreg.gather [hbm4b:s5+s3], $0x80, v3, vm0, $0xb8;
	[tilespmem:$0x18400] =	vst v63  }
0x1b0: {  	s25 =	simm.s32 $0xF400  }
0x1b1: {  	[tilespmem:s25], [sflag:$0x2] =	stream.indirect_vreg.gather [hbm4b:s6+s3], $0x80, v3, vm0, $0xb8;
	[tilespmem:$0x18400] =	vst v63  }
0x1b2: {  	s29 =	simm.s32 $0xFC00  }
0x1b3: {  	[tilespmem:s29], [sflag:$0x2] =	stream.indirect_vreg.gather [hbm4b:s7+s3], $0x80, v3, vm0, $0xb8;
	[tilespmem:$0x18400] =	vst v63  }
0x1b4: {  	_ =	swait.ge [sflag:s23], $0x8000  }
0x1b5: {  	[sflag:s23] =	ssyncset.done $0x0  }
0x1b6: {  	s4 =	simm.s32 $0x10400;
	s0 =	rddreg [dreg:$0xa];
	[sflag:s23] =	ssyncadd.s32 $0xFFFF8000  }
0x1b7: {  	[hbm4b:s0+s3] =	stream.linear.scatter [tilespmem:s4], [sflag:$0x6], $0x8000, $0x38;
	[tilespmem:$0x18400] =	vst v63  }
0x1b8: {  	_ =	swait.ge [sflag:s24], $0x8000  }
0x1b9: {  	[sflag:s24] =	ssyncset.done $0x0  }
0x1ba: {  	[sflag:s24] =	ssyncadd.s32 $0xFFFF8000  }
0x1bb: {  	v3 =	vld [tilespmem:$0x100];
	_ =	sdelay $0x4  }
0x1bc: {  	v16 =	vshll.u32 v3, $0x3  }
0x1bd: {  	v3 =	vand.u32 $0x7, v3;
	v4 =	vand.u32 $0xFFFFFFC0, v16  }
0x1be: {  	v3 =	vor.u32 v3, v4  }
0x1bf: {  	v4 =	vperm.xlane v3, v0;
	_ =	sdelay $0x1  }
0x1c0: {  	v4 =	vadd.s32 v1, v4;
	_ =	sdelay $0x4  }
0x1c1: {  	[tilespmem:s4], [sflag:$0x3] =	stream.indirect_vreg.gather [hbm4b:s1+s3], $0x80, v4, vm0, $0xb8;
	[tilespmem:$0x18400] =	vst v63  }
0x1c2: {  	s9 =	simm.s32 $0x10C00;
	v3 =	vperm.xlane v3, v2  }
0x1c3: {  	[tilespmem:s9], [sflag:$0x3] =	stream.indirect_vreg.gather [hbm4b:s5+s3], $0x80, v4, vm0, $0xb8;
	[tilespmem:$0x18400] =	vst v63  }
0x1c4: {  	v3 =	vadd.s32 v1, v3  }
0x1c5: {  	[tilespmem:s16], [sflag:$0x3] =	stream.indirect_vreg.gather [hbm4b:s6+s3], $0x80, v4, vm0, $0xb8;
	[tilespmem:$0x18400] =	vst v63  }
0x1c6: {  	_ = 	snop  }
0x1c7: {  	[tilespmem:s17], [sflag:$0x3] =	stream.indirect_vreg.gather [hbm4b:s7+s3], $0x80, v4, vm0, $0xb8;
	[tilespmem:$0x18400] =	vst v63  }
0x1c8: {  	_ = 	snop  }
0x1c9: {  	[tilespmem:s30], [sflag:$0x3] =	stream.indirect_vreg.gather [hbm4b:s1+s3], $0x80, v3, vm0, $0xb8;
	[tilespmem:$0x18400] =	vst v63  }
0x1ca: {  	_ = 	snop  }
0x1cb: {  	[tilespmem:s31], [sflag:$0x3] =	stream.indirect_vreg.gather [hbm4b:s5+s3], $0x80, v3, vm0, $0xb8;
	[tilespmem:$0x18400] =	vst v63  }
0x1cc: {  	_ = 	snop  }
0x1cd: {  	[tilespmem:s10], [sflag:$0x3] =	stream.indirect_vreg.gather [hbm4b:s6+s3], $0x80, v3, vm0, $0xb8;
	[tilespmem:$0x18400] =	vst v63  }
0x1ce: {  	s10 =	simm.s32 $0x13C00  }
0x1cf: {  	[tilespmem:s10], [sflag:$0x3] =	stream.indirect_vreg.gather [hbm4b:s7+s3], $0x80, v3, vm0, $0xb8;
	[tilespmem:$0x18400] =	vst v63  }
0x1d0: {  	v3 =	vld [tilespmem:$0x110];
	_ =	sdelay $0x4  }
0x1d1: {  	v17 =	vshll.u32 v3, $0x3  }
0x1d2: {  	v3 =	vand.u32 $0x7, v3;
	v4 =	vand.u32 $0xFFFFFFC0, v17  }
0x1d3: {  	v3 =	vor.u32 v3, v4  }
0x1d4: {  	v4 =	vperm.xlane v3, v0;
	_ =	sdelay $0x1  }
0x1d5: {  	v4 =	vadd.s32 v1, v4;
	_ =	sdelay $0x3  }
0x1d6: {  	s12 =	simm.s32 $0x14400  }
0x1d7: {  	[tilespmem:s12], [sflag:$0x3] =	stream.indirect_vreg.gather [hbm4b:s1+s3], $0x80, v4, vm0, $0xb8;
	[tilespmem:$0x18400] =	vst v63  }
0x1d8: {  	s13 =	simm.s32 $0x14C00;
	v3 =	vperm.xlane v3, v2  }
0x1d9: {  	[tilespmem:s13], [sflag:$0x3] =	stream.indirect_vreg.gather [hbm4b:s5+s3], $0x80, v4, vm0, $0xb8;
	[tilespmem:$0x18400] =	vst v63  }
0x1da: {  	v3 =	vadd.s32 v1, v3  }
0x1db: {  	[tilespmem:s26], [sflag:$0x3] =	stream.indirect_vreg.gather [hbm4b:s6+s3], $0x80, v4, vm0, $0xb8;
	[tilespmem:$0x18400] =	vst v63  }
0x1dc: {  	_ = 	snop  }
0x1dd: {  	[tilespmem:s28], [sflag:$0x3] =	stream.indirect_vreg.gather [hbm4b:s7+s3], $0x80, v4, vm0, $0xb8;
	[tilespmem:$0x18400] =	vst v63  }
0x1de: {  	s28 =	simm.s32 $0x16400  }
0x1df: {  	[tilespmem:s28], [sflag:$0x3] =	stream.indirect_vreg.gather [hbm4b:s1+s3], $0x80, v3, vm0, $0xb8;
	[tilespmem:$0x18400] =	vst v63  }
0x1e0: {  	s14 =	simm.s32 $0x16C00  }
0x1e1: {  	[tilespmem:s14], [sflag:$0x3] =	stream.indirect_vreg.gather [hbm4b:s5+s3], $0x80, v3, vm0, $0xb8;
	[tilespmem:$0x18400] =	vst v63  }
0x1e2: {  	s15 =	simm.s32 $0x17400  }
0x1e3: {  	[tilespmem:s15], [sflag:$0x3] =	stream.indirect_vreg.gather [hbm4b:s6+s3], $0x80, v3, vm0, $0xb8;
	[tilespmem:$0x18400] =	vst v63  }
0x1e4: {  	s16 =	simm.s32 $0x17C00  }
0x1e5: {  	[tilespmem:s16], [sflag:$0x3] =	stream.indirect_vreg.gather [hbm4b:s7+s3], $0x80, v3, vm0, $0xb8;
	[tilespmem:$0x18400] =	vst v63  }
0x1e6: {  	_ =	swait.ge [sflag:s19], $0x8000  }
0x1e7: {  	[sflag:s19] =	ssyncset.done $0x0  }
0x1e8: {  	s18 =	simm.s32 $0x400;
	s17 =	rddreg [dreg:$0xb];
	[sflag:s19] =	ssyncadd.s32 $0xFFFF8000  }
0x1e9: {  	[hbm4b:s17+s3] =	stream.linear.scatter [tilespmem:s18], [sflag:$0x4], $0x8000, $0x38;
	[tilespmem:$0x18400] =	vst v63  }
0x1ea: {  	_ =	swait.ge [sflag:s20], $0x8000  }
0x1eb: {  	[sflag:s20] =	ssyncset.done $0x0  }
0x1ec: {  	[sflag:s20] =	ssyncadd.s32 $0xFFFF8000  }
0x1ed: {  	v3 =	vld [tilespmem:$0x120];
	_ =	sdelay $0x4  }
0x1ee: {  	v18 =	vshll.u32 v3, $0x3  }
0x1ef: {  	v3 =	vand.u32 $0x7, v3;
	v4 =	vand.u32 $0xFFFFFFC0, v18  }
0x1f0: {  	v3 =	vor.u32 v3, v4  }
0x1f1: {  	v4 =	vperm.xlane v3, v0;
	_ =	sdelay $0x1  }
0x1f2: {  	v4 =	vadd.s32 v1, v4;
	_ =	sdelay $0x4  }
0x1f3: {  	[tilespmem:s18], [sflag:$0x1] =	stream.indirect_vreg.gather [hbm4b:s1+s3], $0x80, v4, vm0, $0xb8;
	[tilespmem:$0x18400] =	vst v63  }
0x1f4: {  	s25 =	simm.s32 $0xC00;
	v3 =	vperm.xlane v3, v2  }
0x1f5: {  	[tilespmem:s25], [sflag:$0x1] =	stream.indirect_vreg.gather [hbm4b:s5+s3], $0x80, v4, vm0, $0xb8;
	[tilespmem:$0x18400] =	vst v63  }
0x1f6: {  	s4 =	simm.s32 $0x1400;
	v3 =	vadd.s32 v1, v3  }
0x1f7: {  	[tilespmem:s4], [sflag:$0x1] =	stream.indirect_vreg.gather [hbm4b:s6+s3], $0x80, v4, vm0, $0xb8;
	[tilespmem:$0x18400] =	vst v63  }
0x1f8: {  	s2 =	simm.s32 $0x1C00  }
0x1f9: {  	[tilespmem:s2], [sflag:$0x1] =	stream.indirect_vreg.gather [hbm4b:s7+s3], $0x80, v4, vm0, $0xb8;
	[tilespmem:$0x18400] =	vst v63  }
0x1fa: {  	s9 =	simm.s32 $0x2400  }
0x1fb: {  	[tilespmem:s9], [sflag:$0x1] =	stream.indirect_vreg.gather [hbm4b:s1+s3], $0x80, v3, vm0, $0xb8;
	[tilespmem:$0x18400] =	vst v63  }
0x1fc: {  	s10 =	simm.s32 $0x2C00  }
0x1fd: {  	[tilespmem:s10], [sflag:$0x1] =	stream.indirect_vreg.gather [hbm4b:s5+s3], $0x80, v3, vm0, $0xb8;
	[tilespmem:$0x18400] =	vst v63  }
0x1fe: {  	s12 =	simm.s32 $0x3400  }
0x1ff: {  	[tilespmem:s12], [sflag:$0x1] =	stream.indirect_vreg.gather [hbm4b:s6+s3], $0x80, v3, vm0, $0xb8;
	[tilespmem:$0x18400] =	vst v63  }
0x200: {  	s26 =	simm.s32 $0x3C00  }
0x201: {  	[tilespmem:s26], [sflag:$0x1] =	stream.indirect_vreg.gather [hbm4b:s7+s3], $0x80, v3, vm0, $0xb8;
	[tilespmem:$0x18400] =	vst v63  }
0x202: {  	v3 =	vld [tilespmem:$0x130];
	_ =	sdelay $0x4  }
0x203: {  	v19 =	vshll.u32 v3, $0x3  }
0x204: {  	v3 =	vand.u32 $0x7, v3;
	v4 =	vand.u32 $0xFFFFFFC0, v19  }
0x205: {  	v3 =	vor.u32 v3, v4  }
0x206: {  	v4 =	vperm.xlane v3, v0;
	_ =	sdelay $0x1  }
0x207: {  	v4 =	vadd.s32 v1, v4;
	_ =	sdelay $0x3  }
0x208: {  	s29 =	simm.s32 $0x4400  }
0x209: {  	[tilespmem:s29], [sflag:$0x1] =	stream.indirect_vreg.gather [hbm4b:s1+s3], $0x80, v4, vm0, $0xb8;
	[tilespmem:$0x18400] =	vst v63  }
0x20a: {  	s30 =	simm.s32 $0x4C00;
	v3 =	vperm.xlane v3, v2  }
0x20b: {  	[tilespmem:s30], [sflag:$0x1] =	stream.indirect_vreg.gather [hbm4b:s5+s3], $0x80, v4, vm0, $0xb8;
	[tilespmem:$0x18400] =	vst v63  }
0x20c: {  	s13 =	simm.s32 $0x5400;
	v3 =	vadd.s32 v1, v3  }
0x20d: {  	[tilespmem:s13], [sflag:$0x1] =	stream.indirect_vreg.gather [hbm4b:s6+s3], $0x80, v4, vm0, $0xb8;
	[tilespmem:$0x18400] =	vst v63  }
0x20e: {  	s14 =	simm.s32 $0x5C00  }
0x20f: {  	[tilespmem:s14], [sflag:$0x1] =	stream.indirect_vreg.gather [hbm4b:s7+s3], $0x80, v4, vm0, $0xb8;
	[tilespmem:$0x18400] =	vst v63  }
0x210: {  	s15 =	simm.s32 $0x6400  }
0x211: {  	[tilespmem:s15], [sflag:$0x1] =	stream.indirect_vreg.gather [hbm4b:s1+s3], $0x80, v3, vm0, $0xb8;
	[tilespmem:$0x18400] =	vst v63  }
0x212: {  	s16 =	simm.s32 $0x6C00  }
0x213: {  	[tilespmem:s16], [sflag:$0x1] =	stream.indirect_vreg.gather [hbm4b:s5+s3], $0x80, v3, vm0, $0xb8;
	[tilespmem:$0x18400] =	vst v63  }
0x214: {  	s17 =	simm.s32 $0x7400  }
0x215: {  	[tilespmem:s17], [sflag:$0x1] =	stream.indirect_vreg.gather [hbm4b:s6+s3], $0x80, v3, vm0, $0xb8;
	[tilespmem:$0x18400] =	vst v63  }
0x216: {  	s18 =	simm.s32 $0x7C00  }
0x217: {  	[tilespmem:s18], [sflag:$0x1] =	stream.indirect_vreg.gather [hbm4b:s7+s3], $0x80, v3, vm0, $0xb8;
	[tilespmem:$0x18400] =	vst v63  }
0x218: {  	_ =	swait.ge [sflag:s21], $0x8000  }
0x219: {  	[sflag:s21] =	ssyncset.done $0x0  }
0x21a: {  	s0 =	simm.s32 $0x8400;
	s31 =	rddreg [dreg:$0xc];
	[sflag:s21] =	ssyncadd.s32 $0xFFFF8000  }
0x21b: {  	[hbm4b:s31+s3] =	stream.linear.scatter [tilespmem:s0], [sflag:$0x5], $0x8000, $0x38;
	[tilespmem:$0x18400] =	vst v63  }
0x21c: {  	_ =	swait.ge [sflag:s22], $0x8000  }
0x21d: {  	[sflag:s22] =	ssyncset.done $0x0  }
0x21e: {  	[sflag:s22] =	ssyncadd.s32 $0xFFFF8000  }
0x21f: {  	v3 =	vld [tilespmem:$0x140];
	_ =	sdelay $0x4  }
0x220: {  	v20 =	vshll.u32 v3, $0x3  }
0x221: {  	v3 =	vand.u32 $0x7, v3;
	v4 =	vand.u32 $0xFFFFFFC0, v20  }
0x222: {  	v3 =	vor.u32 v3, v4  }
0x223: {  	v4 =	vperm.xlane v3, v0;
	_ =	sdelay $0x1  }
0x224: {  	v4 =	vadd.s32 v1, v4;
	_ =	sdelay $0x4  }
0x225: {  	[tilespmem:s0], [sflag:$0x2] =	stream.indirect_vreg.gather [hbm4b:s1+s3], $0x80, v4, vm0, $0xb8;
	[tilespmem:$0x18400] =	vst v63  }
0x226: {  	s11 =	simm.s32 $0x8C00;
	v3 =	vperm.xlane v3, v2  }
0x227: {  	[tilespmem:s11], [sflag:$0x2] =	stream.indirect_vreg.gather [hbm4b:s5+s3], $0x80, v4, vm0, $0xb8;
	[tilespmem:$0x18400] =	vst v63  }
0x228: {  	v3 =	vadd.s32 v1, v3;
	s11 =	simm.s32 $0x9400  }
0x229: {  	[tilespmem:s11], [sflag:$0x2] =	stream.indirect_vreg.gather [hbm4b:s6+s3], $0x80, v4, vm0, $0xb8;
	[tilespmem:$0x18400] =	vst v63  }
0x22a: {  	s26 =	simm.s32 $0x9C00  }
0x22b: {  	[tilespmem:s26], [sflag:$0x2] =	stream.indirect_vreg.gather [hbm4b:s7+s3], $0x80, v4, vm0, $0xb8;
	[tilespmem:$0x18400] =	vst v63  }
0x22c: {  	s29 =	simm.s32 $0xA400  }
0x22d: {  	[tilespmem:s29], [sflag:$0x2] =	stream.indirect_vreg.gather [hbm4b:s1+s3], $0x80, v3, vm0, $0xb8;
	[tilespmem:$0x18400] =	vst v63  }
0x22e: {  	s30 =	simm.s32 $0xAC00  }
0x22f: {  	[tilespmem:s30], [sflag:$0x2] =	stream.indirect_vreg.gather [hbm4b:s5+s3], $0x80, v3, vm0, $0xb8;
	[tilespmem:$0x18400] =	vst v63  }
0x230: {  	s31 =	simm.s32 $0xB400  }
0x231: {  	[tilespmem:s31], [sflag:$0x2] =	stream.indirect_vreg.gather [hbm4b:s6+s3], $0x80, v3, vm0, $0xb8;
	[tilespmem:$0x18400] =	vst v63  }
0x232: {  	s25 =	simm.s32 $0xBC00  }
0x233: {  	[tilespmem:s25], [sflag:$0x2] =	stream.indirect_vreg.gather [hbm4b:s7+s3], $0x80, v3, vm0, $0xb8;
	[tilespmem:$0x18400] =	vst v63  }
0x234: {  	v3 =	vld [tilespmem:$0x150];
	_ =	sdelay $0x4  }
0x235: {  	v21 =	vshll.u32 v3, $0x3  }
0x236: {  	v3 =	vand.u32 $0x7, v3;
	v4 =	vand.u32 $0xFFFFFFC0, v21  }
0x237: {  	v3 =	vor.u32 v3, v4  }
0x238: {  	v4 =	vperm.xlane v3, v0;
	_ =	sdelay $0x1  }
0x239: {  	v4 =	vadd.s32 v1, v4;
	_ =	sdelay $0x3  }
0x23a: {  	s2 =	simm.s32 $0xC400  }
0x23b: {  	[tilespmem:s2], [sflag:$0x2] =	stream.indirect_vreg.gather [hbm4b:s1+s3], $0x80, v4, vm0, $0xb8;
	[tilespmem:$0x18400] =	vst v63  }
0x23c: {  	s11 =	simm.s32 $0xCC00;
	v3 =	vperm.xlane v3, v2  }
0x23d: {  	[tilespmem:s11], [sflag:$0x2] =	stream.indirect_vreg.gather [hbm4b:s5+s3], $0x80, v4, vm0, $0xb8;
	[tilespmem:$0x18400] =	vst v63  }
0x23e: {  	s8 =	simm.s32 $0xD400;
	v3 =	vadd.s32 v1, v3  }
0x23f: {  	[tilespmem:s8], [sflag:$0x2] =	stream.indirect_vreg.gather [hbm4b:s6+s3], $0x80, v4, vm0, $0xb8;
	[tilespmem:$0x18400] =	vst v63  }
0x240: {  	s25 =	simm.s32 $0xDC00  }
0x241: {  	[tilespmem:s25], [sflag:$0x2] =	stream.indirect_vreg.gather [hbm4b:s7+s3], $0x80, v4, vm0, $0xb8;
	[tilespmem:$0x18400] =	vst v63  }
0x242: {  	s8 =	simm.s32 $0xE400  }
0x243: {  	[tilespmem:s8], [sflag:$0x2] =	stream.indirect_vreg.gather [hbm4b:s1+s3], $0x80, v3, vm0, $0xb8;
	[tilespmem:$0x18400] =	vst v63  }
0x244: {  	s11 =	simm.s32 $0xEC00  }
0x245: {  	[tilespmem:s11], [sflag:$0x2] =	stream.indirect_vreg.gather [hbm4b:s5+s3], $0x80, v3, vm0, $0xb8;
	[tilespmem:$0x18400] =	vst v63  }
0x246: {  	s2 =	simm.s32 $0xF400  }
0x247: {  	[tilespmem:s2], [sflag:$0x2] =	stream.indirect_vreg.gather [hbm4b:s6+s3], $0x80, v3, vm0, $0xb8;
	[tilespmem:$0x18400] =	vst v63  }
0x248: {  	s25 =	simm.s32 $0xFC00  }
0x249: {  	[tilespmem:s25], [sflag:$0x2] =	stream.indirect_vreg.gather [hbm4b:s7+s3], $0x80, v3, vm0, $0xb8;
	[tilespmem:$0x18400] =	vst v63  }
0x24a: {  	_ =	swait.ge [sflag:s23], $0x8000  }
0x24b: {  	[sflag:s23] =	ssyncset.done $0x0  }
0x24c: {  	s2 =	simm.s32 $0x10400;
	s0 =	rddreg [dreg:$0xd];
	[sflag:s23] =	ssyncadd.s32 $0xFFFF8000  }
0x24d: {  	[hbm4b:s0+s3] =	stream.linear.scatter [tilespmem:s2], [sflag:$0x6], $0x8000, $0x38;
	[tilespmem:$0x18400] =	vst v63  }
0x24e: {  	_ =	swait.ge [sflag:s24], $0x8000  }
0x24f: {  	[sflag:s24] =	ssyncset.done $0x0  }
0x250: {  	[sflag:s24] =	ssyncadd.s32 $0xFFFF8000  }
0x251: {  	v3 =	vld [tilespmem:$0x160];
	_ =	sdelay $0x4  }
0x252: {  	v22 =	vshll.u32 v3, $0x3  }
0x253: {  	v3 =	vand.u32 $0x7, v3;
	v4 =	vand.u32 $0xFFFFFFC0, v22  }
0x254: {  	v3 =	vor.u32 v3, v4  }
0x255: {  	v4 =	vperm.xlane v3, v0;
	_ =	sdelay $0x1  }
0x256: {  	v4 =	vadd.s32 v1, v4;
	_ =	sdelay $0x4  }
0x257: {  	[tilespmem:s2], [sflag:$0x3] =	stream.indirect_vreg.gather [hbm4b:s1+s3], $0x80, v4, vm0, $0xb8;
	[tilespmem:$0x18400] =	vst v63  }
0x258: {  	s25 =	simm.s32 $0x10C00;
	v3 =	vperm.xlane v3, v2  }
0x259: {  	[tilespmem:s25], [sflag:$0x3] =	stream.indirect_vreg.gather [hbm4b:s5+s3], $0x80, v4, vm0, $0xb8;
	[tilespmem:$0x18400] =	vst v63  }
0x25a: {  	v3 =	vadd.s32 v1, v3;
	s2 =	simm.s32 $0x11400  }
0x25b: {  	[tilespmem:s2], [sflag:$0x3] =	stream.indirect_vreg.gather [hbm4b:s6+s3], $0x80, v4, vm0, $0xb8;
	[tilespmem:$0x18400] =	vst v63  }
0x25c: {  	s25 =	simm.s32 $0x11C00  }
0x25d: {  	[tilespmem:s25], [sflag:$0x3] =	stream.indirect_vreg.gather [hbm4b:s7+s3], $0x80, v4, vm0, $0xb8;
	[tilespmem:$0x18400] =	vst v63  }
0x25e: {  	s2 =	simm.s32 $0x12400  }
0x25f: {  	[tilespmem:s2], [sflag:$0x3] =	stream.indirect_vreg.gather [hbm4b:s1+s3], $0x80, v3, vm0, $0xb8;
	[tilespmem:$0x18400] =	vst v63  }
0x260: {  	s25 =	simm.s32 $0x12C00  }
0x261: {  	[tilespmem:s25], [sflag:$0x3] =	stream.indirect_vreg.gather [hbm4b:s5+s3], $0x80, v3, vm0, $0xb8;
	[tilespmem:$0x18400] =	vst v63  }
0x262: {  	s2 =	simm.s32 $0x13400  }
0x263: {  	[tilespmem:s2], [sflag:$0x3] =	stream.indirect_vreg.gather [hbm4b:s6+s3], $0x80, v3, vm0, $0xb8;
	[tilespmem:$0x18400] =	vst v63  }
0x264: {  	s25 =	simm.s32 $0x13C00  }
0x265: {  	[tilespmem:s25], [sflag:$0x3] =	stream.indirect_vreg.gather [hbm4b:s7+s3], $0x80, v3, vm0, $0xb8;
	[tilespmem:$0x18400] =	vst v63  }
0x266: {  	v3 =	vld [tilespmem:$0x170];
	_ =	sdelay $0x4  }
0x267: {  	v23 =	vshll.u32 v3, $0x3  }
0x268: {  	v3 =	vand.u32 $0x7, v3;
	v4 =	vand.u32 $0xFFFFFFC0, v23  }
0x269: {  	v3 =	vor.u32 v3, v4  }
0x26a: {  	v4 =	vperm.xlane v3, v0;
	_ =	sdelay $0x1  }
0x26b: {  	v4 =	vadd.s32 v1, v4;
	_ =	sdelay $0x3  }
0x26c: {  	s2 =	simm.s32 $0x14400  }
0x26d: {  	[tilespmem:s2], [sflag:$0x3] =	stream.indirect_vreg.gather [hbm4b:s1+s3], $0x80, v4, vm0, $0xb8;
	[tilespmem:$0x18400] =	vst v63  }
0x26e: {  	s25 =	simm.s32 $0x14C00;
	v3 =	vperm.xlane v3, v2  }
0x26f: {  	[tilespmem:s25], [sflag:$0x3] =	stream.indirect_vreg.gather [hbm4b:s5+s3], $0x80, v4, vm0, $0xb8;
	[tilespmem:$0x18400] =	vst v63  }
0x270: {  	v3 =	vadd.s32 v1, v3;
	s2 =	simm.s32 $0x15400  }
0x271: {  	[tilespmem:s2], [sflag:$0x3] =	stream.indirect_vreg.gather [hbm4b:s6+s3], $0x80, v4, vm0, $0xb8;
	[tilespmem:$0x18400] =	vst v63  }
0x272: {  	s25 =	simm.s32 $0x15C00  }
0x273: {  	[tilespmem:s25], [sflag:$0x3] =	stream.indirect_vreg.gather [hbm4b:s7+s3], $0x80, v4, vm0, $0xb8;
	[tilespmem:$0x18400] =	vst v63  }
0x274: {  	_ = 	snop  }
0x275: {  	[tilespmem:s28], [sflag:$0x3] =	stream.indirect_vreg.gather [hbm4b:s1+s3], $0x80, v3, vm0, $0xb8;
	[tilespmem:$0x18400] =	vst v63  }
0x276: {  	s2 =	simm.s32 $0x16C00  }
0x277: {  	[tilespmem:s2], [sflag:$0x3] =	stream.indirect_vreg.gather [hbm4b:s5+s3], $0x80, v3, vm0, $0xb8;
	[tilespmem:$0x18400] =	vst v63  }
0x278: {  	s2 =	simm.s32 $0x17400  }
0x279: {  	[tilespmem:s2], [sflag:$0x3] =	stream.indirect_vreg.gather [hbm4b:s6+s3], $0x80, v3, vm0, $0xb8;
	[tilespmem:$0x18400] =	vst v63  }
0x27a: {  	s28 =	simm.s32 $0x17C00  }
0x27b: {  	[tilespmem:s28], [sflag:$0x3] =	stream.indirect_vreg.gather [hbm4b:s7+s3], $0x80, v3, vm0, $0xb8;
	[tilespmem:$0x18400] =	vst v63  }
0x27c: {  	_ =	swait.ge [sflag:s19], $0x8000  }
0x27d: {  	[sflag:s19] =	ssyncset.done $0x0  }
0x27e: {  	s0 =	simm.s32 $0x400;
	s25 =	rddreg [dreg:$0xe];
	[sflag:s19] =	ssyncadd.s32 $0xFFFF8000  }
0x27f: {  	[hbm4b:s25+s3] =	stream.linear.scatter [tilespmem:s0], [sflag:$0x4], $0x8000, $0x38;
	[tilespmem:$0x18400] =	vst v63  }
0x280: {  	_ =	swait.ge [sflag:s20], $0x8000  }
0x281: {  	[sflag:s20] =	ssyncset.done $0x0  }
0x282: {  	[sflag:s20] =	ssyncadd.s32 $0xFFFF8000  }
0x283: {  	v3 =	vld [tilespmem:$0x180];
	_ =	sdelay $0x4  }
0x284: {  	v24 =	vshll.u32 v3, $0x3  }
0x285: {  	v3 =	vand.u32 $0x7, v3;
	v4 =	vand.u32 $0xFFFFFFC0, v24  }
0x286: {  	v3 =	vor.u32 v3, v4  }
0x287: {  	v4 =	vperm.xlane v3, v0;
	_ =	sdelay $0x1  }
0x288: {  	v4 =	vadd.s32 v1, v4;
	_ =	sdelay $0x4  }
0x289: {  	[tilespmem:s0], [sflag:$0x1] =	stream.indirect_vreg.gather [hbm4b:s1+s3], $0x80, v4, vm0, $0xb8;
	[tilespmem:$0x18400] =	vst v63  }
0x28a: {  	s25 =	simm.s32 $0xC00;
	v3 =	vperm.xlane v3, v2  }
0x28b: {  	[tilespmem:s25], [sflag:$0x1] =	stream.indirect_vreg.gather [hbm4b:s5+s3], $0x80, v4, vm0, $0xb8;
	[tilespmem:$0x18400] =	vst v63  }
0x28c: {  	v3 =	vadd.s32 v1, v3  }
0x28d: {  	[tilespmem:s4], [sflag:$0x1] =	stream.indirect_vreg.gather [hbm4b:s6+s3], $0x80, v4, vm0, $0xb8;
	[tilespmem:$0x18400] =	vst v63  }
0x28e: {  	s4 =	simm.s32 $0x1C00  }
0x28f: {  	[tilespmem:s4], [sflag:$0x1] =	stream.indirect_vreg.gather [hbm4b:s7+s3], $0x80, v4, vm0, $0xb8;
	[tilespmem:$0x18400] =	vst v63  }
0x290: {  	_ = 	snop  }
0x291: {  	[tilespmem:s9], [sflag:$0x1] =	stream.indirect_vreg.gather [hbm4b:s1+s3], $0x80, v3, vm0, $0xb8;
	[tilespmem:$0x18400] =	vst v63  }
0x292: {  	_ = 	snop  }
0x293: {  	[tilespmem:s10], [sflag:$0x1] =	stream.indirect_vreg.gather [hbm4b:s5+s3], $0x80, v3, vm0, $0xb8;
	[tilespmem:$0x18400] =	vst v63  }
0x294: {  	_ = 	snop  }
0x295: {  	[tilespmem:s12], [sflag:$0x1] =	stream.indirect_vreg.gather [hbm4b:s6+s3], $0x80, v3, vm0, $0xb8;
	[tilespmem:$0x18400] =	vst v63  }
0x296: {  	s12 =	simm.s32 $0x3C00  }
0x297: {  	[tilespmem:s12], [sflag:$0x1] =	stream.indirect_vreg.gather [hbm4b:s7+s3], $0x80, v3, vm0, $0xb8;
	[tilespmem:$0x18400] =	vst v63  }
0x298: {  	v3 =	vld [tilespmem:$0x190];
	_ =	sdelay $0x4  }
0x299: {  	v25 =	vshll.u32 v3, $0x3  }
0x29a: {  	v3 =	vand.u32 $0x7, v3;
	v4 =	vand.u32 $0xFFFFFFC0, v25  }
0x29b: {  	v3 =	vor.u32 v3, v4  }
0x29c: {  	v4 =	vperm.xlane v3, v0;
	_ =	sdelay $0x1  }
0x29d: {  	v4 =	vadd.s32 v1, v4;
	_ =	sdelay $0x3  }
0x29e: {  	s25 =	simm.s32 $0x4400  }
0x29f: {  	[tilespmem:s25], [sflag:$0x1] =	stream.indirect_vreg.gather [hbm4b:s1+s3], $0x80, v4, vm0, $0xb8;
	[tilespmem:$0x18400] =	vst v63  }
0x2a0: {  	s9 =	simm.s32 $0x4C00;
	v3 =	vperm.xlane v3, v2  }
0x2a1: {  	[tilespmem:s9], [sflag:$0x1] =	stream.indirect_vreg.gather [hbm4b:s5+s3], $0x80, v4, vm0, $0xb8;
	[tilespmem:$0x18400] =	vst v63  }
0x2a2: {  	v3 =	vadd.s32 v1, v3  }
0x2a3: {  	[tilespmem:s13], [sflag:$0x1] =	stream.indirect_vreg.gather [hbm4b:s6+s3], $0x80, v4, vm0, $0xb8;
	[tilespmem:$0x18400] =	vst v63  }
0x2a4: {  	_ = 	snop  }
0x2a5: {  	[tilespmem:s14], [sflag:$0x1] =	stream.indirect_vreg.gather [hbm4b:s7+s3], $0x80, v4, vm0, $0xb8;
	[tilespmem:$0x18400] =	vst v63  }
0x2a6: {  	_ = 	snop  }
0x2a7: {  	[tilespmem:s15], [sflag:$0x1] =	stream.indirect_vreg.gather [hbm4b:s1+s3], $0x80, v3, vm0, $0xb8;
	[tilespmem:$0x18400] =	vst v63  }
0x2a8: {  	_ = 	snop  }
0x2a9: {  	[tilespmem:s16], [sflag:$0x1] =	stream.indirect_vreg.gather [hbm4b:s5+s3], $0x80, v3, vm0, $0xb8;
	[tilespmem:$0x18400] =	vst v63  }
0x2aa: {  	_ = 	snop  }
0x2ab: {  	[tilespmem:s17], [sflag:$0x1] =	stream.indirect_vreg.gather [hbm4b:s6+s3], $0x80, v3, vm0, $0xb8;
	[tilespmem:$0x18400] =	vst v63  }
0x2ac: {  	_ = 	snop  }
0x2ad: {  	[tilespmem:s18], [sflag:$0x1] =	stream.indirect_vreg.gather [hbm4b:s7+s3], $0x80, v3, vm0, $0xb8;
	[tilespmem:$0x18400] =	vst v63  }
0x2ae: {  	_ =	swait.ge [sflag:s21], $0x8000  }
0x2af: {  	[sflag:s21] =	ssyncset.done $0x0  }
0x2b0: {  	s16 =	simm.s32 $0x8400;
	s15 =	rddreg [dreg:$0xf];
	[sflag:s21] =	ssyncadd.s32 $0xFFFF8000  }
0x2b1: {  	[hbm4b:s15+s3] =	stream.linear.scatter [tilespmem:s16], [sflag:$0x5], $0x8000, $0x38;
	[tilespmem:$0x18400] =	vst v63  }
0x2b2: {  	_ =	swait.ge [sflag:s22], $0x8000  }
0x2b3: {  	[sflag:s22] =	ssyncset.done $0x0  }
0x2b4: {  	[sflag:s22] =	ssyncadd.s32 $0xFFFF8000  }
0x2b5: {  	v3 =	vld [tilespmem:$0x1A0];
	_ =	sdelay $0x4  }
0x2b6: {  	v26 =	vshll.u32 v3, $0x3  }
0x2b7: {  	v3 =	vand.u32 $0x7, v3;
	v4 =	vand.u32 $0xFFFFFFC0, v26  }
0x2b8: {  	v3 =	vor.u32 v3, v4  }
0x2b9: {  	v4 =	vperm.xlane v3, v0;
	_ =	sdelay $0x1  }
0x2ba: {  	v4 =	vadd.s32 v1, v4;
	_ =	sdelay $0x4  }
0x2bb: {  	[tilespmem:s16], [sflag:$0x2] =	stream.indirect_vreg.gather [hbm4b:s1+s3], $0x80, v4, vm0, $0xb8;
	[tilespmem:$0x18400] =	vst v63  }
0x2bc: {  	s9 =	simm.s32 $0x8C00;
	v3 =	vperm.xlane v3, v2  }
0x2bd: {  	[tilespmem:s9], [sflag:$0x2] =	stream.indirect_vreg.gather [hbm4b:s5+s3], $0x80, v4, vm0, $0xb8;
	[tilespmem:$0x18400] =	vst v63  }
0x2be: {  	s17 =	simm.s32 $0x9400;
	v3 =	vadd.s32 v1, v3  }
0x2bf: {  	[tilespmem:s17], [sflag:$0x2] =	stream.indirect_vreg.gather [hbm4b:s6+s3], $0x80, v4, vm0, $0xb8;
	[tilespmem:$0x18400] =	vst v63  }
0x2c0: {  	_ = 	snop  }
0x2c1: {  	[tilespmem:s26], [sflag:$0x2] =	stream.indirect_vreg.gather [hbm4b:s7+s3], $0x80, v4, vm0, $0xb8;
	[tilespmem:$0x18400] =	vst v63  }
0x2c2: {  	_ = 	snop  }
0x2c3: {  	[tilespmem:s29], [sflag:$0x2] =	stream.indirect_vreg.gather [hbm4b:s1+s3], $0x80, v3, vm0, $0xb8;
	[tilespmem:$0x18400] =	vst v63  }
0x2c4: {  	_ = 	snop  }
0x2c5: {  	[tilespmem:s30], [sflag:$0x2] =	stream.indirect_vreg.gather [hbm4b:s5+s3], $0x80, v3, vm0, $0xb8;
	[tilespmem:$0x18400] =	vst v63  }
0x2c6: {  	_ = 	snop  }
0x2c7: {  	[tilespmem:s31], [sflag:$0x2] =	stream.indirect_vreg.gather [hbm4b:s6+s3], $0x80, v3, vm0, $0xb8;
	[tilespmem:$0x18400] =	vst v63  }
0x2c8: {  	s18 =	simm.s32 $0xBC00  }
0x2c9: {  	[tilespmem:s18], [sflag:$0x2] =	stream.indirect_vreg.gather [hbm4b:s7+s3], $0x80, v3, vm0, $0xb8;
	[tilespmem:$0x18400] =	vst v63  }
0x2ca: {  	v3 =	vld [tilespmem:$0x1B0];
	_ =	sdelay $0x4  }
0x2cb: {  	v27 =	vshll.u32 v3, $0x3  }
0x2cc: {  	v3 =	vand.u32 $0x7, v3;
	v4 =	vand.u32 $0xFFFFFFC0, v27  }
0x2cd: {  	v3 =	vor.u32 v3, v4  }
0x2ce: {  	v4 =	vperm.xlane v3, v0;
	_ =	sdelay $0x1  }
0x2cf: {  	v4 =	vadd.s32 v1, v4;
	_ =	sdelay $0x3  }
0x2d0: {  	s25 =	simm.s32 $0xC400  }
0x2d1: {  	[tilespmem:s25], [sflag:$0x2] =	stream.indirect_vreg.gather [hbm4b:s1+s3], $0x80, v4, vm0, $0xb8;
	[tilespmem:$0x18400] =	vst v63  }
0x2d2: {  	s26 =	simm.s32 $0xCC00;
	v3 =	vperm.xlane v3, v2  }
0x2d3: {  	[tilespmem:s26], [sflag:$0x2] =	stream.indirect_vreg.gather [hbm4b:s5+s3], $0x80, v4, vm0, $0xb8;
	[tilespmem:$0x18400] =	vst v63  }
0x2d4: {  	s0 =	simm.s32 $0xD400;
	v3 =	vadd.s32 v1, v3  }
0x2d5: {  	[tilespmem:s0], [sflag:$0x2] =	stream.indirect_vreg.gather [hbm4b:s6+s3], $0x80, v4, vm0, $0xb8;
	[tilespmem:$0x18400] =	vst v63  }
0x2d6: {  	s30 =	simm.s32 $0xDC00  }
0x2d7: {  	[tilespmem:s30], [sflag:$0x2] =	stream.indirect_vreg.gather [hbm4b:s7+s3], $0x80, v4, vm0, $0xb8;
	[tilespmem:$0x18400] =	vst v63  }
0x2d8: {  	_ = 	snop  }
0x2d9: {  	[tilespmem:s8], [sflag:$0x2] =	stream.indirect_vreg.gather [hbm4b:s1+s3], $0x80, v3, vm0, $0xb8;
	[tilespmem:$0x18400] =	vst v63  }
0x2da: {  	_ = 	snop  }
0x2db: {  	[tilespmem:s11], [sflag:$0x2] =	stream.indirect_vreg.gather [hbm4b:s5+s3], $0x80, v3, vm0, $0xb8;
	[tilespmem:$0x18400] =	vst v63  }
0x2dc: {  	s15 =	simm.s32 $0xF400  }
0x2dd: {  	[tilespmem:s15], [sflag:$0x2] =	stream.indirect_vreg.gather [hbm4b:s6+s3], $0x80, v3, vm0, $0xb8;
	[tilespmem:$0x18400] =	vst v63  }
0x2de: {  	s16 =	simm.s32 $0xFC00  }
0x2df: {  	[tilespmem:s16], [sflag:$0x2] =	stream.indirect_vreg.gather [hbm4b:s7+s3], $0x80, v3, vm0, $0xb8;
	[tilespmem:$0x18400] =	vst v63  }
0x2e0: {  	_ =	swait.ge [sflag:s23], $0x8000  }
0x2e1: {  	[sflag:s23] =	ssyncset.done $0x0  }
0x2e2: {  	s18 =	simm.s32 $0x10400;
	s17 =	rddreg [dreg:$0x10];
	[sflag:s23] =	ssyncadd.s32 $0xFFFF8000  }
0x2e3: {  	[hbm4b:s17+s3] =	stream.linear.scatter [tilespmem:s18], [sflag:$0x6], $0x8000, $0x38;
	[tilespmem:$0x18400] =	vst v63  }
0x2e4: {  	_ =	swait.ge [sflag:s24], $0x8000  }
0x2e5: {  	[sflag:s24] =	ssyncset.done $0x0  }
0x2e6: {  	[sflag:s24] =	ssyncadd.s32 $0xFFFF8000  }
0x2e7: {  	v3 =	vld [tilespmem:$0x1C0];
	_ =	sdelay $0x4  }
0x2e8: {  	v28 =	vshll.u32 v3, $0x3  }
0x2e9: {  	v3 =	vand.u32 $0x7, v3;
	v4 =	vand.u32 $0xFFFFFFC0, v28  }
0x2ea: {  	v3 =	vor.u32 v3, v4  }
0x2eb: {  	v4 =	vperm.xlane v3, v0;
	_ =	sdelay $0x1  }
0x2ec: {  	v4 =	vadd.s32 v1, v4;
	_ =	sdelay $0x4  }
0x2ed: {  	[tilespmem:s18], [sflag:$0x3] =	stream.indirect_vreg.gather [hbm4b:s1+s3], $0x80, v4, vm0, $0xb8;
	[tilespmem:$0x18400] =	vst v63  }
0x2ee: {  	s25 =	simm.s32 $0x10C00;
	v3 =	vperm.xlane v3, v2  }
0x2ef: {  	[tilespmem:s25], [sflag:$0x3] =	stream.indirect_vreg.gather [hbm4b:s5+s3], $0x80, v4, vm0, $0xb8;
	[tilespmem:$0x18400] =	vst v63  }
0x2f0: {  	s26 =	simm.s32 $0x11400;
	v3 =	vadd.s32 v1, v3  }
0x2f1: {  	[tilespmem:s26], [sflag:$0x3] =	stream.indirect_vreg.gather [hbm4b:s6+s3], $0x80, v4, vm0, $0xb8;
	[tilespmem:$0x18400] =	vst v63  }
0x2f2: {  	s30 =	simm.s32 $0x11C00  }
0x2f3: {  	[tilespmem:s30], [sflag:$0x3] =	stream.indirect_vreg.gather [hbm4b:s7+s3], $0x80, v4, vm0, $0xb8;
	[tilespmem:$0x18400] =	vst v63  }
0x2f4: {  	s11 =	simm.s32 $0x12400  }
0x2f5: {  	[tilespmem:s11], [sflag:$0x3] =	stream.indirect_vreg.gather [hbm4b:s1+s3], $0x80, v3, vm0, $0xb8;
	[tilespmem:$0x18400] =	vst v63  }
0x2f6: {  	s15 =	simm.s32 $0x12C00  }
0x2f7: {  	[tilespmem:s15], [sflag:$0x3] =	stream.indirect_vreg.gather [hbm4b:s5+s3], $0x80, v3, vm0, $0xb8;
	[tilespmem:$0x18400] =	vst v63  }
0x2f8: {  	s17 =	simm.s32 $0x13400  }
0x2f9: {  	[tilespmem:s17], [sflag:$0x3] =	stream.indirect_vreg.gather [hbm4b:s6+s3], $0x80, v3, vm0, $0xb8;
	[tilespmem:$0x18400] =	vst v63  }
0x2fa: {  	s18 =	simm.s32 $0x13C00  }
0x2fb: {  	[tilespmem:s18], [sflag:$0x3] =	stream.indirect_vreg.gather [hbm4b:s7+s3], $0x80, v3, vm0, $0xb8;
	[tilespmem:$0x18400] =	vst v63  }
0x2fc: {  	v3 =	vld [tilespmem:$0x1D0];
	_ =	sdelay $0x4  }
0x2fd: {  	v29 =	vshll.u32 v3, $0x3  }
0x2fe: {  	v3 =	vand.u32 $0x7, v3;
	v4 =	vand.u32 $0xFFFFFFC0, v29  }
0x2ff: {  	v3 =	vor.u32 v3, v4  }
0x300: {  	v4 =	vperm.xlane v3, v0;
	_ =	sdelay $0x1  }
0x301: {  	v4 =	vadd.s32 v1, v4;
	_ =	sdelay $0x3  }
0x302: {  	s25 =	simm.s32 $0x14400  }
0x303: {  	[tilespmem:s25], [sflag:$0x3] =	stream.indirect_vreg.gather [hbm4b:s1+s3], $0x80, v4, vm0, $0xb8;
	[tilespmem:$0x18400] =	vst v63  }
0x304: {  	s26 =	simm.s32 $0x14C00;
	v3 =	vperm.xlane v3, v2  }
0x305: {  	[tilespmem:s26], [sflag:$0x3] =	stream.indirect_vreg.gather [hbm4b:s5+s3], $0x80, v4, vm0, $0xb8;
	[tilespmem:$0x18400] =	vst v63  }
0x306: {  	s30 =	simm.s32 $0x15400;
	v3 =	vadd.s32 v1, v3  }
0x307: {  	[tilespmem:s30], [sflag:$0x3] =	stream.indirect_vreg.gather [hbm4b:s6+s3], $0x80, v4, vm0, $0xb8;
	[tilespmem:$0x18400] =	vst v63  }
0x308: {  	s11 =	simm.s32 $0x15C00  }
0x309: {  	[tilespmem:s11], [sflag:$0x3] =	stream.indirect_vreg.gather [hbm4b:s7+s3], $0x80, v4, vm0, $0xb8;
	[tilespmem:$0x18400] =	vst v63  }
0x30a: {  	s15 =	simm.s32 $0x16400  }
0x30b: {  	[tilespmem:s15], [sflag:$0x3] =	stream.indirect_vreg.gather [hbm4b:s1+s3], $0x80, v3, vm0, $0xb8;
	[tilespmem:$0x18400] =	vst v63  }
0x30c: {  	s17 =	simm.s32 $0x16C00  }
0x30d: {  	[tilespmem:s17], [sflag:$0x3] =	stream.indirect_vreg.gather [hbm4b:s5+s3], $0x80, v3, vm0, $0xb8;
	[tilespmem:$0x18400] =	vst v63  }
0x30e: {  	_ = 	snop  }
0x30f: {  	[tilespmem:s2], [sflag:$0x3] =	stream.indirect_vreg.gather [hbm4b:s6+s3], $0x80, v3, vm0, $0xb8;
	[tilespmem:$0x18400] =	vst v63  }
0x310: {  	_ = 	snop  }
0x311: {  	[tilespmem:s28], [sflag:$0x3] =	stream.indirect_vreg.gather [hbm4b:s7+s3], $0x80, v3, vm0, $0xb8;
	[tilespmem:$0x18400] =	vst v63  }
0x312: {  	_ =	swait.ge [sflag:s19], $0x8000  }
0x313: {  	[sflag:s19] =	ssyncset.done $0x0  }
0x314: {  	s26 =	simm.s32 $0x400;
	s18 =	rddreg [dreg:$0x11];
	[sflag:s19] =	ssyncadd.s32 $0xFFFF8000  }
0x315: {  	[hbm4b:s18+s3] =	stream.linear.scatter [tilespmem:s26], [sflag:$0x4], $0x8000, $0x38;
	[tilespmem:$0x18400] =	vst v63  }
0x316: {  	_ =	swait.ge [sflag:s20], $0x8000  }
0x317: {  	[sflag:s20] =	ssyncset.done $0x0  }
0x318: {  	[sflag:s20] =	ssyncadd.s32 $0xFFFF8000  }
0x319: {  	v3 =	vld [tilespmem:$0x1E0];
	_ =	sdelay $0x4  }
0x31a: {  	v30 =	vshll.u32 v3, $0x3  }
0x31b: {  	v3 =	vand.u32 $0x7, v3;
	v4 =	vand.u32 $0xFFFFFFC0, v30  }
0x31c: {  	v3 =	vor.u32 v3, v4  }
0x31d: {  	v4 =	vperm.xlane v3, v0;
	_ =	sdelay $0x1  }
0x31e: {  	v4 =	vadd.s32 v1, v4;
	_ =	sdelay $0x4  }
0x31f: {  	[tilespmem:s26], [sflag:$0x1] =	stream.indirect_vreg.gather [hbm4b:s1+s3], $0x80, v4, vm0, $0xb8;
	[tilespmem:$0x18400] =	vst v63  }
0x320: {  	s28 =	simm.s32 $0xC00;
	v3 =	vperm.xlane v3, v2  }
0x321: {  	[tilespmem:s28], [sflag:$0x1] =	stream.indirect_vreg.gather [hbm4b:s5+s3], $0x80, v4, vm0, $0xb8;
	[tilespmem:$0x18400] =	vst v63  }
0x322: {  	s30 =	simm.s32 $0x1400;
	v3 =	vadd.s32 v1, v3  }
0x323: {  	[tilespmem:s30], [sflag:$0x1] =	stream.indirect_vreg.gather [hbm4b:s6+s3], $0x80, v4, vm0, $0xb8;
	[tilespmem:$0x18400] =	vst v63  }
0x324: {  	_ = 	snop  }
0x325: {  	[tilespmem:s4], [sflag:$0x1] =	stream.indirect_vreg.gather [hbm4b:s7+s3], $0x80, v4, vm0, $0xb8;
	[tilespmem:$0x18400] =	vst v63  }
0x326: {  	s15 =	simm.s32 $0x2400  }
0x327: {  	[tilespmem:s15], [sflag:$0x1] =	stream.indirect_vreg.gather [hbm4b:s1+s3], $0x80, v3, vm0, $0xb8;
	[tilespmem:$0x18400] =	vst v63  }
0x328: {  	s8 =	simm.s32 $0x2C00  }
0x329: {  	[tilespmem:s8], [sflag:$0x1] =	stream.indirect_vreg.gather [hbm4b:s5+s3], $0x80, v3, vm0, $0xb8;
	[tilespmem:$0x18400] =	vst v63  }
0x32a: {  	s11 =	simm.s32 $0x3400  }
0x32b: {  	[tilespmem:s11], [sflag:$0x1] =	stream.indirect_vreg.gather [hbm4b:s6+s3], $0x80, v3, vm0, $0xb8;
	[tilespmem:$0x18400] =	vst v63  }
0x32c: {  	s12 =	simm.s32 $0x3C00  }
0x32d: {  	[tilespmem:s12], [sflag:$0x1] =	stream.indirect_vreg.gather [hbm4b:s7+s3], $0x80, v3, vm0, $0xb8;
	[tilespmem:$0x18400] =	vst v63  }
0x32e: {  	v3 =	vld [tilespmem:$0x1F0];
	_ =	sdelay $0x4  }
0x32f: {  	v31 =	vshll.u32 v3, $0x3  }
0x330: {  	v3 =	vand.u32 $0x7, v3;
	v4 =	vand.u32 $0xFFFFFFC0, v31  }
0x331: {  	v3 =	vor.u32 v3, v4  }
0x332: {  	v4 =	vperm.xlane v3, v0;
	_ =	sdelay $0x1  }
0x333: {  	v4 =	vadd.s32 v1, v4;
	_ =	sdelay $0x3  }
0x334: {  	s10 =	simm.s32 $0x4400  }
0x335: {  	[tilespmem:s10], [sflag:$0x1] =	stream.indirect_vreg.gather [hbm4b:s1+s3], $0x80, v4, vm0, $0xb8;
	[tilespmem:$0x18400] =	vst v63  }
0x336: {  	s12 =	simm.s32 $0x4C00;
	v3 =	vperm.xlane v3, v2  }
0x337: {  	[tilespmem:s12], [sflag:$0x1] =	stream.indirect_vreg.gather [hbm4b:s5+s3], $0x80, v4, vm0, $0xb8;
	[tilespmem:$0x18400] =	vst v63  }
0x338: {  	s17 =	simm.s32 $0x5400;
	v3 =	vadd.s32 v1, v3  }
0x339: {  	[tilespmem:s17], [sflag:$0x1] =	stream.indirect_vreg.gather [hbm4b:s6+s3], $0x80, v4, vm0, $0xb8;
	[tilespmem:$0x18400] =	vst v63  }
0x33a: {  	s18 =	simm.s32 $0x5C00  }
0x33b: {  	[tilespmem:s18], [sflag:$0x1] =	stream.indirect_vreg.gather [hbm4b:s7+s3], $0x80, v4, vm0, $0xb8;
	[tilespmem:$0x18400] =	vst v63  }
0x33c: {  	s25 =	simm.s32 $0x6400  }
0x33d: {  	[tilespmem:s25], [sflag:$0x1] =	stream.indirect_vreg.gather [hbm4b:s1+s3], $0x80, v3, vm0, $0xb8;
	[tilespmem:$0x18400] =	vst v63  }
0x33e: {  	s17 =	simm.s32 $0x6C00  }
0x33f: {  	[tilespmem:s17], [sflag:$0x1] =	stream.indirect_vreg.gather [hbm4b:s5+s3], $0x80, v3, vm0, $0xb8;
	[tilespmem:$0x18400] =	vst v63  }
0x340: {  	s4 =	simm.s32 $0x7400  }
0x341: {  	[tilespmem:s4], [sflag:$0x1] =	stream.indirect_vreg.gather [hbm4b:s6+s3], $0x80, v3, vm0, $0xb8;
	[tilespmem:$0x18400] =	vst v63  }
0x342: {  	s8 =	simm.s32 $0x7C00  }
0x343: {  	[tilespmem:s8], [sflag:$0x1] =	stream.indirect_vreg.gather [hbm4b:s7+s3], $0x80, v3, vm0, $0xb8;
	[tilespmem:$0x18400] =	vst v63  }
0x344: {  	_ =	swait.ge [sflag:s21], $0x8000  }
0x345: {  	s28 =	simm.s32 $0x8400;
	[sflag:s21] =	ssyncset.done $0x0  }
0x346: {  	s30 =	simm.s32 $0x8;
	s26 =	rddreg [dreg:$0x12];
	[sflag:s21] =	ssyncadd.s32 $0xFFFF8000  }
0x347: {  	[hbm4b:s26+s3] =	stream.linear.scatter [tilespmem:s28], [sflag:$0x5], $0x8000, $0x38;
	[tilespmem:$0x18400] =	vst v63  }
0x348: {  	_ =	swait.ge [sflag:s30], $0x200  }
0x349: {  	[sflag:s30] =	ssyncset.done $0x0  }
0x34a: {  	[sflag:s30] =	ssyncadd.s32 $0xFFFFFE00  }
0x34b: {  	_ =	swait.ge [sflag:s22], $0x8000  }
0x34c: {  	[sflag:s22] =	ssyncset.done $0x0  }
0x34d: {  	[sflag:s22] =	ssyncadd.s32 $0xFFFF8000  }
0x34e: {  	v3 =	vld [tilespmem:$0x200];
	_ =	sdelay $0x4  }
0x34f: {  	v32 =	vshll.u32 v3, $0x3  }
0x350: {  	v3 =	vand.u32 $0x7, v3;
	v4 =	vand.u32 $0xFFFFFFC0, v32  }
0x351: {  	v3 =	vor.u32 v3, v4  }
0x352: {  	v4 =	vperm.xlane v3, v0;
	_ =	sdelay $0x1  }
0x353: {  	v4 =	vadd.s32 v1, v4;
	_ =	sdelay $0x4  }
0x354: {  	[tilespmem:s28], [sflag:$0x2] =	stream.indirect_vreg.gather [hbm4b:s1+s3], $0x80, v4, vm0, $0xb8;
	[tilespmem:$0x18400] =	vst v63  }
0x355: {  	v3 =	vperm.xlane v3, v2  }
0x356: {  	[tilespmem:s9], [sflag:$0x2] =	stream.indirect_vreg.gather [hbm4b:s5+s3], $0x80, v4, vm0, $0xb8;
	[tilespmem:$0x18400] =	vst v63  }
0x357: {  	s2 =	simm.s32 $0x9400;
	v3 =	vadd.s32 v1, v3  }
0x358: {  	[tilespmem:s2], [sflag:$0x2] =	stream.indirect_vreg.gather [hbm4b:s6+s3], $0x80, v4, vm0, $0xb8;
	[tilespmem:$0x18400] =	vst v63  }
0x359: {  	s28 =	simm.s32 $0x9C00  }
0x35a: {  	[tilespmem:s28], [sflag:$0x2] =	stream.indirect_vreg.gather [hbm4b:s7+s3], $0x80, v4, vm0, $0xb8;
	[tilespmem:$0x18400] =	vst v63  }
0x35b: {  	s29 =	simm.s32 $0xA400  }
0x35c: {  	[tilespmem:s29], [sflag:$0x2] =	stream.indirect_vreg.gather [hbm4b:s1+s3], $0x80, v3, vm0, $0xb8;
	[tilespmem:$0x18400] =	vst v63  }
0x35d: {  	s29 =	simm.s32 $0xAC00  }
0x35e: {  	[tilespmem:s29], [sflag:$0x2] =	stream.indirect_vreg.gather [hbm4b:s5+s3], $0x80, v3, vm0, $0xb8;
	[tilespmem:$0x18400] =	vst v63  }
0x35f: {  	s30 =	simm.s32 $0xB400  }
0x360: {  	[tilespmem:s30], [sflag:$0x2] =	stream.indirect_vreg.gather [hbm4b:s6+s3], $0x80, v3, vm0, $0xb8;
	[tilespmem:$0x18400] =	vst v63  }
0x361: {  	s13 =	simm.s32 $0xBC00  }
0x362: {  	[tilespmem:s13], [sflag:$0x2] =	stream.indirect_vreg.gather [hbm4b:s7+s3], $0x80, v3, vm0, $0xb8;
	[tilespmem:$0x18400] =	vst v63  }
0x363: {  	v3 =	vld [tilespmem:$0x210];
	_ =	sdelay $0x4  }
0x364: {  	v33 =	vshll.u32 v3, $0x3  }
0x365: {  	v3 =	vand.u32 $0x7, v3;
	v4 =	vand.u32 $0xFFFFFFC0, v33  }
0x366: {  	v3 =	vor.u32 v3, v4  }
0x367: {  	v4 =	vperm.xlane v3, v0;
	_ =	sdelay $0x1  }
0x368: {  	v4 =	vadd.s32 v1, v4;
	_ =	sdelay $0x3  }
0x369: {  	s31 =	simm.s32 $0xC400  }
0x36a: {  	[tilespmem:s31], [sflag:$0x2] =	stream.indirect_vreg.gather [hbm4b:s1+s3], $0x80, v4, vm0, $0xb8;
	[tilespmem:$0x18400] =	vst v63  }
0x36b: {  	s11 =	simm.s32 $0xCC00;
	v3 =	vperm.xlane v3, v2  }
0x36c: {  	[tilespmem:s11], [sflag:$0x2] =	stream.indirect_vreg.gather [hbm4b:s5+s3], $0x80, v4, vm0, $0xb8;
	[tilespmem:$0x18400] =	vst v63  }
0x36d: {  	v3 =	vadd.s32 v1, v3  }
0x36e: {  	[tilespmem:s0], [sflag:$0x2] =	stream.indirect_vreg.gather [hbm4b:s6+s3], $0x80, v4, vm0, $0xb8;
	[tilespmem:$0x18400] =	vst v63  }
0x36f: {  	s31 =	simm.s32 $0xDC00  }
0x370: {  	[tilespmem:s31], [sflag:$0x2] =	stream.indirect_vreg.gather [hbm4b:s7+s3], $0x80, v4, vm0, $0xb8;
	[tilespmem:$0x18400] =	vst v63  }
0x371: {  	s18 =	simm.s32 $0xE400  }
0x372: {  	[tilespmem:s18], [sflag:$0x2] =	stream.indirect_vreg.gather [hbm4b:s1+s3], $0x80, v3, vm0, $0xb8;
	[tilespmem:$0x18400] =	vst v63  }
0x373: {  	s26 =	simm.s32 $0xEC00  }
0x374: {  	[tilespmem:s26], [sflag:$0x2] =	stream.indirect_vreg.gather [hbm4b:s5+s3], $0x80, v3, vm0, $0xb8;
	[tilespmem:$0x18400] =	vst v63  }
0x375: {  	s10 =	simm.s32 $0xF400  }
0x376: {  	[tilespmem:s10], [sflag:$0x2] =	stream.indirect_vreg.gather [hbm4b:s6+s3], $0x80, v3, vm0, $0xb8;
	[tilespmem:$0x18400] =	vst v63  }
0x377: {  	s12 =	simm.s32 $0xFC00  }
0x378: {  	[tilespmem:s12], [sflag:$0x2] =	stream.indirect_vreg.gather [hbm4b:s7+s3], $0x80, v3, vm0, $0xb8;
	[tilespmem:$0x18400] =	vst v63  }
0x379: {  	_ =	swait.ge [sflag:s23], $0x8000  }
0x37a: {  	[sflag:s23] =	ssyncset.done $0x0  }
0x37b: {  	s13 =	simm.s32 $0x10400;
	s9 =	rddreg [dreg:$0x13];
	[sflag:s23] =	ssyncadd.s32 $0xFFFF8000  }
0x37c: {  	[hbm4b:s9+s3] =	stream.linear.scatter [tilespmem:s13], [sflag:$0x6], $0x8000, $0x38;
	[tilespmem:$0x18400] =	vst v63  }
0x37d: {  	_ =	swait.ge [sflag:s24], $0x8000  }
0x37e: {  	[sflag:s24] =	ssyncset.done $0x0  }
0x37f: {  	[sflag:s24] =	ssyncadd.s32 $0xFFFF8000  }
0x380: {  	v3 =	vld [tilespmem:$0x220];
	_ =	sdelay $0x4  }
0x381: {  	v34 =	vshll.u32 v3, $0x3  }
0x382: {  	v3 =	vand.u32 $0x7, v3;
	v4 =	vand.u32 $0xFFFFFFC0, v34  }
0x383: {  	v3 =	vor.u32 v3, v4  }
0x384: {  	v4 =	vperm.xlane v3, v0;
	_ =	sdelay $0x1  }
0x385: {  	v4 =	vadd.s32 v1, v4;
	_ =	sdelay $0x4  }
0x386: {  	[tilespmem:s13], [sflag:$0x3] =	stream.indirect_vreg.gather [hbm4b:s1+s3], $0x80, v4, vm0, $0xb8;
	[tilespmem:$0x18400] =	vst v63  }
0x387: {  	s14 =	simm.s32 $0x10C00;
	v3 =	vperm.xlane v3, v2  }
0x388: {  	[tilespmem:s14], [sflag:$0x3] =	stream.indirect_vreg.gather [hbm4b:s5+s3], $0x80, v4, vm0, $0xb8;
	[tilespmem:$0x18400] =	vst v63  }
0x389: {  	s16 =	simm.s32 $0x11400;
	v3 =	vadd.s32 v1, v3  }
0x38a: {  	[tilespmem:s16], [sflag:$0x3] =	stream.indirect_vreg.gather [hbm4b:s6+s3], $0x80, v4, vm0, $0xb8;
	[tilespmem:$0x18400] =	vst v63  }
0x38b: {  	s25 =	simm.s32 $0x11C00  }
0x38c: {  	[tilespmem:s25], [sflag:$0x3] =	stream.indirect_vreg.gather [hbm4b:s7+s3], $0x80, v4, vm0, $0xb8;
	[tilespmem:$0x18400] =	vst v63  }
0x38d: {  	s9 =	simm.s32 $0x12400  }
0x38e: {  	[tilespmem:s9], [sflag:$0x3] =	stream.indirect_vreg.gather [hbm4b:s1+s3], $0x80, v3, vm0, $0xb8;
	[tilespmem:$0x18400] =	vst v63  }
0x38f: {  	s13 =	simm.s32 $0x12C00  }
0x390: {  	[tilespmem:s13], [sflag:$0x3] =	stream.indirect_vreg.gather [hbm4b:s5+s3], $0x80, v3, vm0, $0xb8;
	[tilespmem:$0x18400] =	vst v63  }
0x391: {  	s14 =	simm.s32 $0x13400  }
0x392: {  	[tilespmem:s14], [sflag:$0x3] =	stream.indirect_vreg.gather [hbm4b:s6+s3], $0x80, v3, vm0, $0xb8;
	[tilespmem:$0x18400] =	vst v63  }
0x393: {  	s16 =	simm.s32 $0x13C00  }
0x394: {  	[tilespmem:s16], [sflag:$0x3] =	stream.indirect_vreg.gather [hbm4b:s7+s3], $0x80, v3, vm0, $0xb8;
	[tilespmem:$0x18400] =	vst v63  }
0x395: {  	v3 =	vld [tilespmem:$0x230];
	_ =	sdelay $0x4  }
0x396: {  	v35 =	vshll.u32 v3, $0x3  }
0x397: {  	v3 =	vand.u32 $0x7, v3;
	v4 =	vand.u32 $0xFFFFFFC0, v35  }
0x398: {  	v3 =	vor.u32 v3, v4  }
0x399: {  	v4 =	vperm.xlane v3, v0;
	_ =	sdelay $0x1  }
0x39a: {  	v4 =	vadd.s32 v1, v4;
	_ =	sdelay $0x3  }
0x39b: {  	s25 =	simm.s32 $0x14400  }
0x39c: {  	[tilespmem:s25], [sflag:$0x3] =	stream.indirect_vreg.gather [hbm4b:s1+s3], $0x80, v4, vm0, $0xb8;
	[tilespmem:$0x18400] =	vst v63  }
0x39d: {  	s9 =	simm.s32 $0x14C00;
	v3 =	vperm.xlane v3, v2  }
0x39e: {  	[tilespmem:s9], [sflag:$0x3] =	stream.indirect_vreg.gather [hbm4b:s5+s3], $0x80, v4, vm0, $0xb8;
	[tilespmem:$0x18400] =	vst v63  }
0x39f: {  	s13 =	simm.s32 $0x15400;
	v3 =	vadd.s32 v1, v3  }
0x3a0: {  	[tilespmem:s13], [sflag:$0x3] =	stream.indirect_vreg.gather [hbm4b:s6+s3], $0x80, v4, vm0, $0xb8;
	[tilespmem:$0x18400] =	vst v63  }
0x3a1: {  	s14 =	simm.s32 $0x15C00  }
0x3a2: {  	[tilespmem:s14], [sflag:$0x3] =	stream.indirect_vreg.gather [hbm4b:s7+s3], $0x80, v4, vm0, $0xb8;
	[tilespmem:$0x18400] =	vst v63  }
0x3a3: {  	s0 =	simm.s32 $0x16400  }
0x3a4: {  	[tilespmem:s0], [sflag:$0x3] =	stream.indirect_vreg.gather [hbm4b:s1+s3], $0x80, v3, vm0, $0xb8;
	[tilespmem:$0x18400] =	vst v63  }
0x3a5: {  	s9 =	simm.s32 $0x16C00  }
0x3a6: {  	[tilespmem:s9], [sflag:$0x3] =	stream.indirect_vreg.gather [hbm4b:s5+s3], $0x80, v3, vm0, $0xb8;
	[tilespmem:$0x18400] =	vst v63  }
0x3a7: {  	s16 =	simm.s32 $0x17400  }
0x3a8: {  	[tilespmem:s16], [sflag:$0x3] =	stream.indirect_vreg.gather [hbm4b:s6+s3], $0x80, v3, vm0, $0xb8;
	[tilespmem:$0x18400] =	vst v63  }
0x3a9: {  	s25 =	simm.s32 $0x17C00  }
0x3aa: {  	[tilespmem:s25], [sflag:$0x3] =	stream.indirect_vreg.gather [hbm4b:s7+s3], $0x80, v3, vm0, $0xb8;
	[tilespmem:$0x18400] =	vst v63  }
0x3ab: {  	_ =	swait.ge [sflag:s19], $0x8000  }
0x3ac: {  	[sflag:s19] =	ssyncset.done $0x0  }
0x3ad: {  	s16 =	simm.s32 $0x400;
	s14 =	rddreg [dreg:$0x14];
	[sflag:s19] =	ssyncadd.s32 $0xFFFF8000  }
0x3ae: {  	[hbm4b:s14+s3] =	stream.linear.scatter [tilespmem:s16], [sflag:$0x4], $0x8000, $0x38;
	[tilespmem:$0x18400] =	vst v63  }
0x3af: {  	_ =	swait.ge [sflag:s20], $0x8000  }
0x3b0: {  	[sflag:s20] =	ssyncset.done $0x0  }
0x3b1: {  	[sflag:s20] =	ssyncadd.s32 $0xFFFF8000  }
0x3b2: {  	v3 =	vld [tilespmem:$0x240];
	_ =	sdelay $0x4  }
0x3b3: {  	v36 =	vshll.u32 v3, $0x3  }
0x3b4: {  	v3 =	vand.u32 $0x7, v3;
	v4 =	vand.u32 $0xFFFFFFC0, v36  }
0x3b5: {  	v3 =	vor.u32 v3, v4  }
0x3b6: {  	v4 =	vperm.xlane v3, v0;
	_ =	sdelay $0x1  }
0x3b7: {  	v4 =	vadd.s32 v1, v4;
	_ =	sdelay $0x4  }
0x3b8: {  	[tilespmem:s16], [sflag:$0x1] =	stream.indirect_vreg.gather [hbm4b:s1+s3], $0x80, v4, vm0, $0xb8;
	[tilespmem:$0x18400] =	vst v63  }
0x3b9: {  	s14 =	simm.s32 $0xC00;
	v3 =	vperm.xlane v3, v2  }
0x3ba: {  	[tilespmem:s14], [sflag:$0x1] =	stream.indirect_vreg.gather [hbm4b:s5+s3], $0x80, v4, vm0, $0xb8;
	[tilespmem:$0x18400] =	vst v63  }
0x3bb: {  	s13 =	simm.s32 $0x1400;
	v3 =	vadd.s32 v1, v3  }
0x3bc: {  	[tilespmem:s13], [sflag:$0x1] =	stream.indirect_vreg.gather [hbm4b:s6+s3], $0x80, v4, vm0, $0xb8;
	[tilespmem:$0x18400] =	vst v63  }
0x3bd: {  	s25 =	simm.s32 $0x1C00  }
0x3be: {  	[tilespmem:s25], [sflag:$0x1] =	stream.indirect_vreg.gather [hbm4b:s7+s3], $0x80, v4, vm0, $0xb8;
	[tilespmem:$0x18400] =	vst v63  }
0x3bf: {  	_ = 	snop  }
0x3c0: {  	[tilespmem:s15], [sflag:$0x1] =	stream.indirect_vreg.gather [hbm4b:s1+s3], $0x80, v3, vm0, $0xb8;
	[tilespmem:$0x18400] =	vst v63  }
0x3c1: {  	s25 =	simm.s32 $0x2C00  }
0x3c2: {  	[tilespmem:s25], [sflag:$0x1] =	stream.indirect_vreg.gather [hbm4b:s5+s3], $0x80, v3, vm0, $0xb8;
	[tilespmem:$0x18400] =	vst v63  }
0x3c3: {  	s16 =	simm.s32 $0x3400  }
0x3c4: {  	[tilespmem:s16], [sflag:$0x1] =	stream.indirect_vreg.gather [hbm4b:s6+s3], $0x80, v3, vm0, $0xb8;
	[tilespmem:$0x18400] =	vst v63  }
0x3c5: {  	s25 =	simm.s32 $0x3C00  }
0x3c6: {  	[tilespmem:s25], [sflag:$0x1] =	stream.indirect_vreg.gather [hbm4b:s7+s3], $0x80, v3, vm0, $0xb8;
	[tilespmem:$0x18400] =	vst v63  }
0x3c7: {  	v3 =	vld [tilespmem:$0x250];
	_ =	sdelay $0x4  }
0x3c8: {  	v37 =	vshll.u32 v3, $0x3  }
0x3c9: {  	v3 =	vand.u32 $0x7, v3;
	v4 =	vand.u32 $0xFFFFFFC0, v37  }
0x3ca: {  	v3 =	vor.u32 v3, v4  }
0x3cb: {  	v4 =	vperm.xlane v3, v0;
	_ =	sdelay $0x1  }
0x3cc: {  	v4 =	vadd.s32 v1, v4;
	_ =	sdelay $0x3  }
0x3cd: {  	s15 =	simm.s32 $0x4400  }
0x3ce: {  	[tilespmem:s15], [sflag:$0x1] =	stream.indirect_vreg.gather [hbm4b:s1+s3], $0x80, v4, vm0, $0xb8;
	[tilespmem:$0x18400] =	vst v63  }
0x3cf: {  	s16 =	simm.s32 $0x4C00;
	v3 =	vperm.xlane v3, v2  }
0x3d0: {  	[tilespmem:s16], [sflag:$0x1] =	stream.indirect_vreg.gather [hbm4b:s5+s3], $0x80, v4, vm0, $0xb8;
	[tilespmem:$0x18400] =	vst v63  }
0x3d1: {  	s25 =	simm.s32 $0x5400;
	v3 =	vadd.s32 v1, v3  }
0x3d2: {  	[tilespmem:s25], [sflag:$0x1] =	stream.indirect_vreg.gather [hbm4b:s6+s3], $0x80, v4, vm0, $0xb8;
	[tilespmem:$0x18400] =	vst v63  }
0x3d3: {  	s25 =	simm.s32 $0x5C00  }
0x3d4: {  	[tilespmem:s25], [sflag:$0x1] =	stream.indirect_vreg.gather [hbm4b:s7+s3], $0x80, v4, vm0, $0xb8;
	[tilespmem:$0x18400] =	vst v63  }
0x3d5: {  	s25 =	simm.s32 $0x6400  }
0x3d6: {  	[tilespmem:s25], [sflag:$0x1] =	stream.indirect_vreg.gather [hbm4b:s1+s3], $0x80, v3, vm0, $0xb8;
	[tilespmem:$0x18400] =	vst v63  }
0x3d7: {  	_ = 	snop  }
0x3d8: {  	[tilespmem:s17], [sflag:$0x1] =	stream.indirect_vreg.gather [hbm4b:s5+s3], $0x80, v3, vm0, $0xb8;
	[tilespmem:$0x18400] =	vst v63  }
0x3d9: {  	_ = 	snop  }
0x3da: {  	[tilespmem:s4], [sflag:$0x1] =	stream.indirect_vreg.gather [hbm4b:s6+s3], $0x80, v3, vm0, $0xb8;
	[tilespmem:$0x18400] =	vst v63  }
0x3db: {  	_ = 	snop  }
0x3dc: {  	[tilespmem:s8], [sflag:$0x1] =	stream.indirect_vreg.gather [hbm4b:s7+s3], $0x80, v3, vm0, $0xb8;
	[tilespmem:$0x18400] =	vst v63  }
0x3dd: {  	_ =	swait.ge [sflag:s21], $0x8000  }
0x3de: {  	[sflag:s21] =	ssyncset.done $0x0  }
0x3df: {  	s8 =	simm.s32 $0x8400;
	s4 =	rddreg [dreg:$0x15];
	[sflag:s21] =	ssyncadd.s32 $0xFFFF8000  }
0x3e0: {  	[hbm4b:s4+s3] =	stream.linear.scatter [tilespmem:s8], [sflag:$0x5], $0x8000, $0x38;
	[tilespmem:$0x18400] =	vst v63  }
0x3e1: {  	_ =	swait.ge [sflag:s22], $0x8000  }
0x3e2: {  	[sflag:s22] =	ssyncset.done $0x0  }
0x3e3: {  	[sflag:s22] =	ssyncadd.s32 $0xFFFF8000  }
0x3e4: {  	v3 =	vld [tilespmem:$0x260];
	_ =	sdelay $0x4  }
0x3e5: {  	v38 =	vshll.u32 v3, $0x3  }
0x3e6: {  	v3 =	vand.u32 $0x7, v3;
	v4 =	vand.u32 $0xFFFFFFC0, v38  }
0x3e7: {  	v3 =	vor.u32 v3, v4  }
0x3e8: {  	v4 =	vperm.xlane v3, v0;
	_ =	sdelay $0x1  }
0x3e9: {  	v4 =	vadd.s32 v1, v4;
	_ =	sdelay $0x4  }
0x3ea: {  	[tilespmem:s8], [sflag:$0x2] =	stream.indirect_vreg.gather [hbm4b:s1+s3], $0x80, v4, vm0, $0xb8;
	[tilespmem:$0x18400] =	vst v63  }
0x3eb: {  	s17 =	simm.s32 $0x8C00;
	v3 =	vperm.xlane v3, v2  }
0x3ec: {  	[tilespmem:s17], [sflag:$0x2] =	stream.indirect_vreg.gather [hbm4b:s5+s3], $0x80, v4, vm0, $0xb8;
	[tilespmem:$0x18400] =	vst v63  }
0x3ed: {  	v3 =	vadd.s32 v1, v3  }
0x3ee: {  	[tilespmem:s2], [sflag:$0x2] =	stream.indirect_vreg.gather [hbm4b:s6+s3], $0x80, v4, vm0, $0xb8;
	[tilespmem:$0x18400] =	vst v63  }
0x3ef: {  	_ = 	snop  }
0x3f0: {  	[tilespmem:s28], [sflag:$0x2] =	stream.indirect_vreg.gather [hbm4b:s7+s3], $0x80, v4, vm0, $0xb8;
	[tilespmem:$0x18400] =	vst v63  }
0x3f1: {  	s4 =	simm.s32 $0xA400  }
0x3f2: {  	[tilespmem:s4], [sflag:$0x2] =	stream.indirect_vreg.gather [hbm4b:s1+s3], $0x80, v3, vm0, $0xb8;
	[tilespmem:$0x18400] =	vst v63  }
0x3f3: {  	_ = 	snop  }
0x3f4: {  	[tilespmem:s29], [sflag:$0x2] =	stream.indirect_vreg.gather [hbm4b:s5+s3], $0x80, v3, vm0, $0xb8;
	[tilespmem:$0x18400] =	vst v63  }
0x3f5: {  	_ = 	snop  }
0x3f6: {  	[tilespmem:s30], [sflag:$0x2] =	stream.indirect_vreg.gather [hbm4b:s6+s3], $0x80, v3, vm0, $0xb8;
	[tilespmem:$0x18400] =	vst v63  }
0x3f7: {  	s8 =	simm.s32 $0xBC00  }
0x3f8: {  	[tilespmem:s8], [sflag:$0x2] =	stream.indirect_vreg.gather [hbm4b:s7+s3], $0x80, v3, vm0, $0xb8;
	[tilespmem:$0x18400] =	vst v63  }
0x3f9: {  	v3 =	vld [tilespmem:$0x270];
	_ =	sdelay $0x4  }
0x3fa: {  	v39 =	vshll.u32 v3, $0x3  }
0x3fb: {  	v3 =	vand.u32 $0x7, v3;
	v4 =	vand.u32 $0xFFFFFFC0, v39  }
0x3fc: {  	v3 =	vor.u32 v3, v4  }
0x3fd: {  	v4 =	vperm.xlane v3, v0;
	_ =	sdelay $0x1  }
0x3fe: {  	v4 =	vadd.s32 v1, v4;
	_ =	sdelay $0x3  }
0x3ff: {  	s25 =	simm.s32 $0xC400  }
0x400: {  	[tilespmem:s25], [sflag:$0x2] =	stream.indirect_vreg.gather [hbm4b:s1+s3], $0x80, v4, vm0, $0xb8;
	[tilespmem:$0x18400] =	vst v63  }
0x401: {  	v3 =	vperm.xlane v3, v2  }
0x402: {  	[tilespmem:s11], [sflag:$0x2] =	stream.indirect_vreg.gather [hbm4b:s5+s3], $0x80, v4, vm0, $0xb8;
	[tilespmem:$0x18400] =	vst v63  }
0x403: {  	s29 =	simm.s32 $0xD400;
	v3 =	vadd.s32 v1, v3  }
0x404: {  	[tilespmem:s29], [sflag:$0x2] =	stream.indirect_vreg.gather [hbm4b:s6+s3], $0x80, v4, vm0, $0xb8;
	[tilespmem:$0x18400] =	vst v63  }
0x405: {  	_ = 	snop  }
0x406: {  	[tilespmem:s31], [sflag:$0x2] =	stream.indirect_vreg.gather [hbm4b:s7+s3], $0x80, v4, vm0, $0xb8;
	[tilespmem:$0x18400] =	vst v63  }
0x407: {  	_ = 	snop  }
0x408: {  	[tilespmem:s18], [sflag:$0x2] =	stream.indirect_vreg.gather [hbm4b:s1+s3], $0x80, v3, vm0, $0xb8;
	[tilespmem:$0x18400] =	vst v63  }
0x409: {  	_ = 	snop  }
0x40a: {  	[tilespmem:s26], [sflag:$0x2] =	stream.indirect_vreg.gather [hbm4b:s5+s3], $0x80, v3, vm0, $0xb8;
	[tilespmem:$0x18400] =	vst v63  }
0x40b: {  	_ = 	snop  }
0x40c: {  	[tilespmem:s10], [sflag:$0x2] =	stream.indirect_vreg.gather [hbm4b:s6+s3], $0x80, v3, vm0, $0xb8;
	[tilespmem:$0x18400] =	vst v63  }
0x40d: {  	_ = 	snop  }
0x40e: {  	[tilespmem:s12], [sflag:$0x2] =	stream.indirect_vreg.gather [hbm4b:s7+s3], $0x80, v3, vm0, $0xb8;
	[tilespmem:$0x18400] =	vst v63  }
0x40f: {  	_ =	swait.ge [sflag:s23], $0x8000  }
0x410: {  	[sflag:s23] =	ssyncset.done $0x0  }
0x411: {  	s30 =	simm.s32 $0x10400;
	s28 =	rddreg [dreg:$0x16];
	[sflag:s23] =	ssyncadd.s32 $0xFFFF8000  }
0x412: {  	[hbm4b:s28+s3] =	stream.linear.scatter [tilespmem:s30], [sflag:$0x6], $0x8000, $0x38;
	[tilespmem:$0x18400] =	vst v63  }
0x413: {  	_ =	swait.ge [sflag:s24], $0x8000  }
0x414: {  	[sflag:s24] =	ssyncset.done $0x0  }
0x415: {  	[sflag:s24] =	ssyncadd.s32 $0xFFFF8000  }
0x416: {  	v3 =	vld [tilespmem:$0x280];
	_ =	sdelay $0x4  }
0x417: {  	v40 =	vshll.u32 v3, $0x3  }
0x418: {  	v3 =	vand.u32 $0x7, v3;
	v4 =	vand.u32 $0xFFFFFFC0, v40  }
0x419: {  	v3 =	vor.u32 v3, v4  }
0x41a: {  	v4 =	vperm.xlane v3, v0;
	_ =	sdelay $0x1  }
0x41b: {  	v4 =	vadd.s32 v1, v4;
	_ =	sdelay $0x4  }
0x41c: {  	[tilespmem:s30], [sflag:$0x3] =	stream.indirect_vreg.gather [hbm4b:s1+s3], $0x80, v4, vm0, $0xb8;
	[tilespmem:$0x18400] =	vst v63  }
0x41d: {  	s31 =	simm.s32 $0x10C00;
	v3 =	vperm.xlane v3, v2  }
0x41e: {  	[tilespmem:s31], [sflag:$0x3] =	stream.indirect_vreg.gather [hbm4b:s5+s3], $0x80, v4, vm0, $0xb8;
	[tilespmem:$0x18400] =	vst v63  }
0x41f: {  	s10 =	simm.s32 $0x11400;
	v3 =	vadd.s32 v1, v3  }
0x420: {  	[tilespmem:s10], [sflag:$0x3] =	stream.indirect_vreg.gather [hbm4b:s6+s3], $0x80, v4, vm0, $0xb8;
	[tilespmem:$0x18400] =	vst v63  }
0x421: {  	s28 =	simm.s32 $0x11C00  }
0x422: {  	[tilespmem:s28], [sflag:$0x3] =	stream.indirect_vreg.gather [hbm4b:s7+s3], $0x80, v4, vm0, $0xb8;
	[tilespmem:$0x18400] =	vst v63  }
0x423: {  	s30 =	simm.s32 $0x12400  }
0x424: {  	[tilespmem:s30], [sflag:$0x3] =	stream.indirect_vreg.gather [hbm4b:s1+s3], $0x80, v3, vm0, $0xb8;
	[tilespmem:$0x18400] =	vst v63  }
0x425: {  	s31 =	simm.s32 $0x12C00  }
0x426: {  	[tilespmem:s31], [sflag:$0x3] =	stream.indirect_vreg.gather [hbm4b:s5+s3], $0x80, v3, vm0, $0xb8;
	[tilespmem:$0x18400] =	vst v63  }
0x427: {  	s10 =	simm.s32 $0x13400  }
0x428: {  	[tilespmem:s10], [sflag:$0x3] =	stream.indirect_vreg.gather [hbm4b:s6+s3], $0x80, v3, vm0, $0xb8;
	[tilespmem:$0x18400] =	vst v63  }
0x429: {  	s17 =	simm.s32 $0x13C00  }
0x42a: {  	[tilespmem:s17], [sflag:$0x3] =	stream.indirect_vreg.gather [hbm4b:s7+s3], $0x80, v3, vm0, $0xb8;
	[tilespmem:$0x18400] =	vst v63  }
0x42b: {  	v3 =	vld [tilespmem:$0x290];
	_ =	sdelay $0x4  }
0x42c: {  	v41 =	vshll.u32 v3, $0x3  }
0x42d: {  	v3 =	vand.u32 $0x7, v3;
	v4 =	vand.u32 $0xFFFFFFC0, v41  }
0x42e: {  	v3 =	vor.u32 v3, v4  }
0x42f: {  	v4 =	vperm.xlane v3, v0;
	_ =	sdelay $0x1  }
0x430: {  	v4 =	vadd.s32 v1, v4;
	_ =	sdelay $0x3  }
0x431: {  	s18 =	simm.s32 $0x14400  }
0x432: {  	[tilespmem:s18], [sflag:$0x3] =	stream.indirect_vreg.gather [hbm4b:s1+s3], $0x80, v4, vm0, $0xb8;
	[tilespmem:$0x18400] =	vst v63  }
0x433: {  	s26 =	simm.s32 $0x14C00;
	v3 =	vperm.xlane v3, v2  }
0x434: {  	[tilespmem:s26], [sflag:$0x3] =	stream.indirect_vreg.gather [hbm4b:s5+s3], $0x80, v4, vm0, $0xb8;
	[tilespmem:$0x18400] =	vst v63  }
0x435: {  	s11 =	simm.s32 $0x15400;
	v3 =	vadd.s32 v1, v3  }
0x436: {  	[tilespmem:s11], [sflag:$0x3] =	stream.indirect_vreg.gather [hbm4b:s6+s3], $0x80, v4, vm0, $0xb8;
	[tilespmem:$0x18400] =	vst v63  }
0x437: {  	s12 =	simm.s32 $0x15C00  }
0x438: {  	[tilespmem:s12], [sflag:$0x3] =	stream.indirect_vreg.gather [hbm4b:s7+s3], $0x80, v4, vm0, $0xb8;
	[tilespmem:$0x18400] =	vst v63  }
0x439: {  	_ = 	snop  }
0x43a: {  	[tilespmem:s0], [sflag:$0x3] =	stream.indirect_vreg.gather [hbm4b:s1+s3], $0x80, v3, vm0, $0xb8;
	[tilespmem:$0x18400] =	vst v63  }
0x43b: {  	_ = 	snop  }
0x43c: {  	[tilespmem:s9], [sflag:$0x3] =	stream.indirect_vreg.gather [hbm4b:s5+s3], $0x80, v3, vm0, $0xb8;
	[tilespmem:$0x18400] =	vst v63  }
0x43d: {  	s9 =	simm.s32 $0x17400  }
0x43e: {  	[tilespmem:s9], [sflag:$0x3] =	stream.indirect_vreg.gather [hbm4b:s6+s3], $0x80, v3, vm0, $0xb8;
	[tilespmem:$0x18400] =	vst v63  }
0x43f: {  	s25 =	simm.s32 $0x17C00  }
0x440: {  	[tilespmem:s25], [sflag:$0x3] =	stream.indirect_vreg.gather [hbm4b:s7+s3], $0x80, v3, vm0, $0xb8;
	[tilespmem:$0x18400] =	vst v63  }
0x441: {  	_ =	swait.ge [sflag:s19], $0x8000  }
0x442: {  	[sflag:s19] =	ssyncset.done $0x0  }
0x443: {  	s11 =	simm.s32 $0x400;
	s2 =	rddreg [dreg:$0x17];
	[sflag:s19] =	ssyncadd.s32 $0xFFFF8000  }
0x444: {  	[hbm4b:s2+s3] =	stream.linear.scatter [tilespmem:s11], [sflag:$0x4], $0x8000, $0x38;
	[tilespmem:$0x18400] =	vst v63  }
0x445: {  	_ =	swait.ge [sflag:s20], $0x8000  }
0x446: {  	[sflag:s20] =	ssyncset.done $0x0  }
0x447: {  	[sflag:s20] =	ssyncadd.s32 $0xFFFF8000  }
0x448: {  	v3 =	vld [tilespmem:$0x2A0];
	_ =	sdelay $0x4  }
0x449: {  	v42 =	vshll.u32 v3, $0x3  }
0x44a: {  	v3 =	vand.u32 $0x7, v3;
	v4 =	vand.u32 $0xFFFFFFC0, v42  }
0x44b: {  	v3 =	vor.u32 v3, v4  }
0x44c: {  	v4 =	vperm.xlane v3, v0;
	_ =	sdelay $0x1  }
0x44d: {  	v4 =	vadd.s32 v1, v4;
	_ =	sdelay $0x4  }
0x44e: {  	[tilespmem:s11], [sflag:$0x1] =	stream.indirect_vreg.gather [hbm4b:s1+s3], $0x80, v4, vm0, $0xb8;
	[tilespmem:$0x18400] =	vst v63  }
0x44f: {  	v3 =	vperm.xlane v3, v2  }
0x450: {  	[tilespmem:s14], [sflag:$0x1] =	stream.indirect_vreg.gather [hbm4b:s5+s3], $0x80, v4, vm0, $0xb8;
	[tilespmem:$0x18400] =	vst v63  }
0x451: {  	v3 =	vadd.s32 v1, v3  }
0x452: {  	[tilespmem:s13], [sflag:$0x1] =	stream.indirect_vreg.gather [hbm4b:s6+s3], $0x80, v4, vm0, $0xb8;
	[tilespmem:$0x18400] =	vst v63  }
0x453: {  	s11 =	simm.s32 $0x1C00  }
0x454: {  	[tilespmem:s11], [sflag:$0x1] =	stream.indirect_vreg.gather [hbm4b:s7+s3], $0x80, v4, vm0, $0xb8;
	[tilespmem:$0x18400] =	vst v63  }
0x455: {  	s12 =	simm.s32 $0x2400  }
0x456: {  	[tilespmem:s12], [sflag:$0x1] =	stream.indirect_vreg.gather [hbm4b:s1+s3], $0x80, v3, vm0, $0xb8;
	[tilespmem:$0x18400] =	vst v63  }
0x457: {  	s13 =	simm.s32 $0x2C00  }
0x458: {  	[tilespmem:s13], [sflag:$0x1] =	stream.indirect_vreg.gather [hbm4b:s5+s3], $0x80, v3, vm0, $0xb8;
	[tilespmem:$0x18400] =	vst v63  }
0x459: {  	s14 =	simm.s32 $0x3400  }
0x45a: {  	[tilespmem:s14], [sflag:$0x1] =	stream.indirect_vreg.gather [hbm4b:s6+s3], $0x80, v3, vm0, $0xb8;
	[tilespmem:$0x18400] =	vst v63  }
0x45b: {  	s13 =	simm.s32 $0x3C00  }
0x45c: {  	[tilespmem:s13], [sflag:$0x1] =	stream.indirect_vreg.gather [hbm4b:s7+s3], $0x80, v3, vm0, $0xb8;
	[tilespmem:$0x18400] =	vst v63  }
0x45d: {  	v3 =	vld [tilespmem:$0x2B0];
	_ =	sdelay $0x4  }
0x45e: {  	v43 =	vshll.u32 v3, $0x3  }
0x45f: {  	v3 =	vand.u32 $0x7, v3;
	v4 =	vand.u32 $0xFFFFFFC0, v43  }
0x460: {  	v3 =	vor.u32 v3, v4  }
0x461: {  	v4 =	vperm.xlane v3, v0;
	_ =	sdelay $0x1  }
0x462: {  	v4 =	vadd.s32 v1, v4;
	_ =	sdelay $0x4  }
0x463: {  	[tilespmem:s15], [sflag:$0x1] =	stream.indirect_vreg.gather [hbm4b:s1+s3], $0x80, v4, vm0, $0xb8;
	[tilespmem:$0x18400] =	vst v63  }
0x464: {  	v3 =	vperm.xlane v3, v2  }
0x465: {  	[tilespmem:s16], [sflag:$0x1] =	stream.indirect_vreg.gather [hbm4b:s5+s3], $0x80, v4, vm0, $0xb8;
	[tilespmem:$0x18400] =	vst v63  }
0x466: {  	v3 =	vadd.s32 v1, v3;
	s16 =	simm.s32 $0x5400  }
0x467: {  	[tilespmem:s16], [sflag:$0x1] =	stream.indirect_vreg.gather [hbm4b:s6+s3], $0x80, v4, vm0, $0xb8;
	[tilespmem:$0x18400] =	vst v63  }
0x468: {  	s25 =	simm.s32 $0x5C00  }
0x469: {  	[tilespmem:s25], [sflag:$0x1] =	stream.indirect_vreg.gather [hbm4b:s7+s3], $0x80, v4, vm0, $0xb8;
	[tilespmem:$0x18400] =	vst v63  }
0x46a: {  	s2 =	simm.s32 $0x6400  }
0x46b: {  	[tilespmem:s2], [sflag:$0x1] =	stream.indirect_vreg.gather [hbm4b:s1+s3], $0x80, v3, vm0, $0xb8;
	[tilespmem:$0x18400] =	vst v63  }
0x46c: {  	s12 =	simm.s32 $0x6C00  }
0x46d: {  	[tilespmem:s12], [sflag:$0x1] =	stream.indirect_vreg.gather [hbm4b:s5+s3], $0x80, v3, vm0, $0xb8;
	[tilespmem:$0x18400] =	vst v63  }
0x46e: {  	s14 =	simm.s32 $0x7400  }
0x46f: {  	[tilespmem:s14], [sflag:$0x1] =	stream.indirect_vreg.gather [hbm4b:s6+s3], $0x80, v3, vm0, $0xb8;
	[tilespmem:$0x18400] =	vst v63  }
0x470: {  	s15 =	simm.s32 $0x7C00  }
0x471: {  	[tilespmem:s15], [sflag:$0x1] =	stream.indirect_vreg.gather [hbm4b:s7+s3], $0x80, v3, vm0, $0xb8;
	[tilespmem:$0x18400] =	vst v63  }
0x472: {  	_ =	swait.ge [sflag:s21], $0x8000  }
0x473: {  	[sflag:s21] =	ssyncset.done $0x0  }
0x474: {  	s0 =	simm.s32 $0x8400;
	s16 =	rddreg [dreg:$0x18];
	[sflag:s21] =	ssyncadd.s32 $0xFFFF8000  }
0x475: {  	[hbm4b:s16+s3] =	stream.linear.scatter [tilespmem:s0], [sflag:$0x5], $0x8000, $0x38;
	[tilespmem:$0x18400] =	vst v63  }
0x476: {  	_ =	swait.ge [sflag:s22], $0x8000  }
0x477: {  	[sflag:s22] =	ssyncset.done $0x0  }
0x478: {  	[sflag:s22] =	ssyncadd.s32 $0xFFFF8000  }
0x479: {  	v3 =	vld [tilespmem:$0x2C0];
	_ =	sdelay $0x4  }
0x47a: {  	v44 =	vshll.u32 v3, $0x3  }
0x47b: {  	v3 =	vand.u32 $0x7, v3;
	v4 =	vand.u32 $0xFFFFFFC0, v44  }
0x47c: {  	v3 =	vor.u32 v3, v4  }
0x47d: {  	v4 =	vperm.xlane v3, v0;
	_ =	sdelay $0x1  }
0x47e: {  	v4 =	vadd.s32 v1, v4;
	_ =	sdelay $0x4  }
0x47f: {  	[tilespmem:s0], [sflag:$0x2] =	stream.indirect_vreg.gather [hbm4b:s1+s3], $0x80, v4, vm0, $0xb8;
	[tilespmem:$0x18400] =	vst v63  }
0x480: {  	s2 =	simm.s32 $0x8C00;
	v3 =	vperm.xlane v3, v2  }
0x481: {  	[tilespmem:s2], [sflag:$0x2] =	stream.indirect_vreg.gather [hbm4b:s5+s3], $0x80, v4, vm0, $0xb8;
	[tilespmem:$0x18400] =	vst v63  }
0x482: {  	s15 =	simm.s32 $0x9400;
	v3 =	vadd.s32 v1, v3  }
0x483: {  	[tilespmem:s15], [sflag:$0x2] =	stream.indirect_vreg.gather [hbm4b:s6+s3], $0x80, v4, vm0, $0xb8;
	[tilespmem:$0x18400] =	vst v63  }
0x484: {  	s14 =	simm.s32 $0x9C00  }
0x485: {  	[tilespmem:s14], [sflag:$0x2] =	stream.indirect_vreg.gather [hbm4b:s7+s3], $0x80, v4, vm0, $0xb8;
	[tilespmem:$0x18400] =	vst v63  }
0x486: {  	_ = 	snop  }
0x487: {  	[tilespmem:s4], [sflag:$0x2] =	stream.indirect_vreg.gather [hbm4b:s1+s3], $0x80, v3, vm0, $0xb8;
	[tilespmem:$0x18400] =	vst v63  }
0x488: {  	s12 =	simm.s32 $0xAC00  }
0x489: {  	[tilespmem:s12], [sflag:$0x2] =	stream.indirect_vreg.gather [hbm4b:s5+s3], $0x80, v3, vm0, $0xb8;
	[tilespmem:$0x18400] =	vst v63  }
0x48a: {  	s16 =	simm.s32 $0xB400  }
0x48b: {  	[tilespmem:s16], [sflag:$0x2] =	stream.indirect_vreg.gather [hbm4b:s6+s3], $0x80, v3, vm0, $0xb8;
	[tilespmem:$0x18400] =	vst v63  }
0x48c: {  	_ = 	snop  }
0x48d: {  	[tilespmem:s8], [sflag:$0x2] =	stream.indirect_vreg.gather [hbm4b:s7+s3], $0x80, v3, vm0, $0xb8;
	[tilespmem:$0x18400] =	vst v63  }
0x48e: {  	v3 =	vld [tilespmem:$0x2D0];
	_ =	sdelay $0x4  }
0x48f: {  	v45 =	vshll.u32 v3, $0x3  }
0x490: {  	v3 =	vand.u32 $0x7, v3;
	v4 =	vand.u32 $0xFFFFFFC0, v45  }
0x491: {  	v3 =	vor.u32 v3, v4  }
0x492: {  	v4 =	vperm.xlane v3, v0;
	_ =	sdelay $0x1  }
0x493: {  	v4 =	vadd.s32 v1, v4;
	_ =	sdelay $0x3  }
0x494: {  	s8 =	simm.s32 $0xC400  }
0x495: {  	[tilespmem:s8], [sflag:$0x2] =	stream.indirect_vreg.gather [hbm4b:s1+s3], $0x80, v4, vm0, $0xb8;
	[tilespmem:$0x18400] =	vst v63  }
0x496: {  	s25 =	simm.s32 $0xCC00;
	v3 =	vperm.xlane v3, v2  }
0x497: {  	[tilespmem:s25], [sflag:$0x2] =	stream.indirect_vreg.gather [hbm4b:s5+s3], $0x80, v4, vm0, $0xb8;
	[tilespmem:$0x18400] =	vst v63  }
0x498: {  	v3 =	vadd.s32 v1, v3  }
0x499: {  	[tilespmem:s29], [sflag:$0x2] =	stream.indirect_vreg.gather [hbm4b:s6+s3], $0x80, v4, vm0, $0xb8;
	[tilespmem:$0x18400] =	vst v63  }
0x49a: {  	s8 =	simm.s32 $0xDC00  }
0x49b: {  	[tilespmem:s8], [sflag:$0x2] =	stream.indirect_vreg.gather [hbm4b:s7+s3], $0x80, v4, vm0, $0xb8;
	[tilespmem:$0x18400] =	vst v63  }
0x49c: {  	s29 =	simm.s32 $0xE400  }
0x49d: {  	[tilespmem:s29], [sflag:$0x2] =	stream.indirect_vreg.gather [hbm4b:s1+s3], $0x80, v3, vm0, $0xb8;
	[tilespmem:$0x18400] =	vst v63  }
0x49e: {  	s2 =	simm.s32 $0xEC00  }
0x49f: {  	[tilespmem:s2], [sflag:$0x2] =	stream.indirect_vreg.gather [hbm4b:s5+s3], $0x80, v3, vm0, $0xb8;
	[tilespmem:$0x18400] =	vst v63  }
0x4a0: {  	s4 =	simm.s32 $0xF400  }
0x4a1: {  	[tilespmem:s4], [sflag:$0x2] =	stream.indirect_vreg.gather [hbm4b:s6+s3], $0x80, v3, vm0, $0xb8;
	[tilespmem:$0x18400] =	vst v63  }
0x4a2: {  	s25 =	simm.s32 $0xFC00  }
0x4a3: {  	[tilespmem:s25], [sflag:$0x2] =	stream.indirect_vreg.gather [hbm4b:s7+s3], $0x80, v3, vm0, $0xb8;
	[tilespmem:$0x18400] =	vst v63  }
0x4a4: {  	_ =	swait.ge [sflag:s23], $0x8000  }
0x4a5: {  	[sflag:s23] =	ssyncset.done $0x0  }
0x4a6: {  	s4 =	simm.s32 $0x10400;
	s2 =	rddreg [dreg:$0x19];
	[sflag:s23] =	ssyncadd.s32 $0xFFFF8000  }
0x4a7: {  	[hbm4b:s2+s3] =	stream.linear.scatter [tilespmem:s4], [sflag:$0x6], $0x8000, $0x38;
	[tilespmem:$0x18400] =	vst v63  }
0x4a8: {  	_ =	swait.ge [sflag:s24], $0x8000  }
0x4a9: {  	[sflag:s24] =	ssyncset.done $0x0  }
0x4aa: {  	[sflag:s24] =	ssyncadd.s32 $0xFFFF8000  }
0x4ab: {  	v3 =	vld [tilespmem:$0x2E0];
	_ =	sdelay $0x4  }
0x4ac: {  	v46 =	vshll.u32 v3, $0x3  }
0x4ad: {  	v3 =	vand.u32 $0x7, v3;
	v4 =	vand.u32 $0xFFFFFFC0, v46  }
0x4ae: {  	v3 =	vor.u32 v3, v4  }
0x4af: {  	v4 =	vperm.xlane v3, v0;
	_ =	sdelay $0x1  }
0x4b0: {  	v4 =	vadd.s32 v1, v4;
	_ =	sdelay $0x4  }
0x4b1: {  	[tilespmem:s4], [sflag:$0x3] =	stream.indirect_vreg.gather [hbm4b:s1+s3], $0x80, v4, vm0, $0xb8;
	[tilespmem:$0x18400] =	vst v63  }
0x4b2: {  	s25 =	simm.s32 $0x10C00;
	v3 =	vperm.xlane v3, v2  }
0x4b3: {  	[tilespmem:s25], [sflag:$0x3] =	stream.indirect_vreg.gather [hbm4b:s5+s3], $0x80, v4, vm0, $0xb8;
	[tilespmem:$0x18400] =	vst v63  }
0x4b4: {  	v3 =	vadd.s32 v1, v3;
	s4 =	simm.s32 $0x11400  }
0x4b5: {  	[tilespmem:s4], [sflag:$0x3] =	stream.indirect_vreg.gather [hbm4b:s6+s3], $0x80, v4, vm0, $0xb8;
	[tilespmem:$0x18400] =	vst v63  }
0x4b6: {  	_ = 	snop  }
0x4b7: {  	[tilespmem:s28], [sflag:$0x3] =	stream.indirect_vreg.gather [hbm4b:s7+s3], $0x80, v4, vm0, $0xb8;
	[tilespmem:$0x18400] =	vst v63  }
0x4b8: {  	_ = 	snop  }
0x4b9: {  	[tilespmem:s30], [sflag:$0x3] =	stream.indirect_vreg.gather [hbm4b:s1+s3], $0x80, v3, vm0, $0xb8;
	[tilespmem:$0x18400] =	vst v63  }
0x4ba: {  	_ = 	snop  }
0x4bb: {  	[tilespmem:s31], [sflag:$0x3] =	stream.indirect_vreg.gather [hbm4b:s5+s3], $0x80, v3, vm0, $0xb8;
	[tilespmem:$0x18400] =	vst v63  }
0x4bc: {  	_ = 	snop  }
0x4bd: {  	[tilespmem:s10], [sflag:$0x3] =	stream.indirect_vreg.gather [hbm4b:s6+s3], $0x80, v3, vm0, $0xb8;
	[tilespmem:$0x18400] =	vst v63  }
0x4be: {  	_ = 	snop  }
0x4bf: {  	[tilespmem:s17], [sflag:$0x3] =	stream.indirect_vreg.gather [hbm4b:s7+s3], $0x80, v3, vm0, $0xb8;
	[tilespmem:$0x18400] =	vst v63  }
0x4c0: {  	v3 =	vld [tilespmem:$0x2F0];
	_ =	sdelay $0x4  }
0x4c1: {  	v47 =	vshll.u32 v3, $0x3  }
0x4c2: {  	v3 =	vand.u32 $0x7, v3;
	v4 =	vand.u32 $0xFFFFFFC0, v47  }
0x4c3: {  	v3 =	vor.u32 v3, v4  }
0x4c4: {  	v4 =	vperm.xlane v3, v0;
	_ =	sdelay $0x1  }
0x4c5: {  	v4 =	vadd.s32 v1, v4;
	_ =	sdelay $0x4  }
0x4c6: {  	[tilespmem:s18], [sflag:$0x3] =	stream.indirect_vreg.gather [hbm4b:s1+s3], $0x80, v4, vm0, $0xb8;
	[tilespmem:$0x18400] =	vst v63  }
0x4c7: {  	v3 =	vperm.xlane v3, v2  }
0x4c8: {  	[tilespmem:s26], [sflag:$0x3] =	stream.indirect_vreg.gather [hbm4b:s5+s3], $0x80, v4, vm0, $0xb8;
	[tilespmem:$0x18400] =	vst v63  }
0x4c9: {  	v3 =	vadd.s32 v1, v3;
	s18 =	simm.s32 $0x15400  }
0x4ca: {  	[tilespmem:s18], [sflag:$0x3] =	stream.indirect_vreg.gather [hbm4b:s6+s3], $0x80, v4, vm0, $0xb8;
	[tilespmem:$0x18400] =	vst v63  }
0x4cb: {  	s25 =	simm.s32 $0x15C00  }
0x4cc: {  	[tilespmem:s25], [sflag:$0x3] =	stream.indirect_vreg.gather [hbm4b:s7+s3], $0x80, v4, vm0, $0xb8;
	[tilespmem:$0x18400] =	vst v63  }
0x4cd: {  	s10 =	simm.s32 $0x16400  }
0x4ce: {  	[tilespmem:s10], [sflag:$0x3] =	stream.indirect_vreg.gather [hbm4b:s1+s3], $0x80, v3, vm0, $0xb8;
	[tilespmem:$0x18400] =	vst v63  }
0x4cf: {  	s18 =	simm.s32 $0x16C00  }
0x4d0: {  	[tilespmem:s18], [sflag:$0x3] =	stream.indirect_vreg.gather [hbm4b:s5+s3], $0x80, v3, vm0, $0xb8;
	[tilespmem:$0x18400] =	vst v63  }
0x4d1: {  	_ = 	snop  }
0x4d2: {  	[tilespmem:s9], [sflag:$0x3] =	stream.indirect_vreg.gather [hbm4b:s6+s3], $0x80, v3, vm0, $0xb8;
	[tilespmem:$0x18400] =	vst v63  }
0x4d3: {  	s26 =	simm.s32 $0x17C00  }
0x4d4: {  	[tilespmem:s26], [sflag:$0x3] =	stream.indirect_vreg.gather [hbm4b:s7+s3], $0x80, v3, vm0, $0xb8;
	[tilespmem:$0x18400] =	vst v63  }
0x4d5: {  	_ =	swait.ge [sflag:s19], $0x8000  }
0x4d6: {  	[sflag:s19] =	ssyncset.done $0x0  }
0x4d7: {  	s30 =	simm.s32 $0x400;
	s28 =	rddreg [dreg:$0x1a];
	[sflag:s19] =	ssyncadd.s32 $0xFFFF8000  }
0x4d8: {  	[hbm4b:s28+s3] =	stream.linear.scatter [tilespmem:s30], [sflag:$0x4], $0x8000, $0x38;
	[tilespmem:$0x18400] =	vst v63  }
0x4d9: {  	_ =	swait.ge [sflag:s20], $0x8000  }
0x4da: {  	[sflag:s20] =	ssyncset.done $0x0  }
0x4db: {  	[sflag:s20] =	ssyncadd.s32 $0xFFFF8000  }
0x4dc: {  	v3 =	vld [tilespmem:$0x300];
	_ =	sdelay $0x4  }
0x4dd: {  	v48 =	vshll.u32 v3, $0x3  }
0x4de: {  	v3 =	vand.u32 $0x7, v3;
	v4 =	vand.u32 $0xFFFFFFC0, v48  }
0x4df: {  	v3 =	vor.u32 v3, v4  }
0x4e0: {  	v4 =	vperm.xlane v3, v0;
	_ =	sdelay $0x1  }
0x4e1: {  	v4 =	vadd.s32 v1, v4;
	_ =	sdelay $0x4  }
0x4e2: {  	[tilespmem:s30], [sflag:$0x1] =	stream.indirect_vreg.gather [hbm4b:s1+s3], $0x80, v4, vm0, $0xb8;
	[tilespmem:$0x18400] =	vst v63  }
0x4e3: {  	s31 =	simm.s32 $0xC00;
	v3 =	vperm.xlane v3, v2  }
0x4e4: {  	[tilespmem:s31], [sflag:$0x1] =	stream.indirect_vreg.gather [hbm4b:s5+s3], $0x80, v4, vm0, $0xb8;
	[tilespmem:$0x18400] =	vst v63  }
0x4e5: {  	s28 =	simm.s32 $0x1400;
	v3 =	vadd.s32 v1, v3  }
0x4e6: {  	[tilespmem:s28], [sflag:$0x1] =	stream.indirect_vreg.gather [hbm4b:s6+s3], $0x80, v4, vm0, $0xb8;
	[tilespmem:$0x18400] =	vst v63  }
0x4e7: {  	_ = 	snop  }
0x4e8: {  	[tilespmem:s11], [sflag:$0x1] =	stream.indirect_vreg.gather [hbm4b:s7+s3], $0x80, v4, vm0, $0xb8;
	[tilespmem:$0x18400] =	vst v63  }
0x4e9: {  	s26 =	simm.s32 $0x2400  }
0x4ea: {  	[tilespmem:s26], [sflag:$0x1] =	stream.indirect_vreg.gather [hbm4b:s1+s3], $0x80, v3, vm0, $0xb8;
	[tilespmem:$0x18400] =	vst v63  }
0x4eb: {  	s30 =	simm.s32 $0x2C00  }
0x4ec: {  	[tilespmem:s30], [sflag:$0x1] =	stream.indirect_vreg.gather [hbm4b:s5+s3], $0x80, v3, vm0, $0xb8;
	[tilespmem:$0x18400] =	vst v63  }
0x4ed: {  	s31 =	simm.s32 $0x3400  }
0x4ee: {  	[tilespmem:s31], [sflag:$0x1] =	stream.indirect_vreg.gather [hbm4b:s6+s3], $0x80, v3, vm0, $0xb8;
	[tilespmem:$0x18400] =	vst v63  }
0x4ef: {  	_ = 	snop  }
0x4f0: {  	[tilespmem:s13], [sflag:$0x1] =	stream.indirect_vreg.gather [hbm4b:s7+s3], $0x80, v3, vm0, $0xb8;
	[tilespmem:$0x18400] =	vst v63  }
0x4f1: {  	v3 =	vld [tilespmem:$0x310];
	_ =	sdelay $0x4  }
0x4f2: {  	v49 =	vshll.u32 v3, $0x3  }
0x4f3: {  	v3 =	vand.u32 $0x7, v3;
	v4 =	vand.u32 $0xFFFFFFC0, v49  }
0x4f4: {  	v3 =	vor.u32 v3, v4  }
0x4f5: {  	v4 =	vperm.xlane v3, v0;
	_ =	sdelay $0x1  }
0x4f6: {  	v4 =	vadd.s32 v1, v4;
	_ =	sdelay $0x3  }
0x4f7: {  	s9 =	simm.s32 $0x4400  }
0x4f8: {  	[tilespmem:s9], [sflag:$0x1] =	stream.indirect_vreg.gather [hbm4b:s1+s3], $0x80, v4, vm0, $0xb8;
	[tilespmem:$0x18400] =	vst v63  }
0x4f9: {  	s11 =	simm.s32 $0x4C00;
	v3 =	vperm.xlane v3, v2  }
0x4fa: {  	[tilespmem:s11], [sflag:$0x1] =	stream.indirect_vreg.gather [hbm4b:s5+s3], $0x80, v4, vm0, $0xb8;
	[tilespmem:$0x18400] =	vst v63  }
0x4fb: {  	s13 =	simm.s32 $0x5400;
	v3 =	vadd.s32 v1, v3  }
0x4fc: {  	[tilespmem:s13], [sflag:$0x1] =	stream.indirect_vreg.gather [hbm4b:s6+s3], $0x80, v4, vm0, $0xb8;
	[tilespmem:$0x18400] =	vst v63  }
0x4fd: {  	s17 =	simm.s32 $0x5C00  }
0x4fe: {  	[tilespmem:s17], [sflag:$0x1] =	stream.indirect_vreg.gather [hbm4b:s7+s3], $0x80, v4, vm0, $0xb8;
	[tilespmem:$0x18400] =	vst v63  }
0x4ff: {  	s11 =	simm.s32 $0x6400  }
0x500: {  	[tilespmem:s11], [sflag:$0x1] =	stream.indirect_vreg.gather [hbm4b:s1+s3], $0x80, v3, vm0, $0xb8;
	[tilespmem:$0x18400] =	vst v63  }
0x501: {  	s25 =	simm.s32 $0x6C00  }
0x502: {  	[tilespmem:s25], [sflag:$0x1] =	stream.indirect_vreg.gather [hbm4b:s5+s3], $0x80, v3, vm0, $0xb8;
	[tilespmem:$0x18400] =	vst v63  }
0x503: {  	s9 =	simm.s32 $0x7400  }
0x504: {  	[tilespmem:s9], [sflag:$0x1] =	stream.indirect_vreg.gather [hbm4b:s6+s3], $0x80, v3, vm0, $0xb8;
	[tilespmem:$0x18400] =	vst v63  }
0x505: {  	s17 =	simm.s32 $0x7C00  }
0x506: {  	[tilespmem:s17], [sflag:$0x1] =	stream.indirect_vreg.gather [hbm4b:s7+s3], $0x80, v3, vm0, $0xb8;
	[tilespmem:$0x18400] =	vst v63  }
0x507: {  	_ =	swait.ge [sflag:s21], $0x8000  }
0x508: {  	[sflag:s21] =	ssyncset.done $0x0  }
0x509: {  	s0 =	simm.s32 $0x8400;
	s13 =	rddreg [dreg:$0x1b];
	[sflag:s21] =	ssyncadd.s32 $0xFFFF8000  }
0x50a: {  	[hbm4b:s13+s3] =	stream.linear.scatter [tilespmem:s0], [sflag:$0x5], $0x8000, $0x38;
	[tilespmem:$0x18400] =	vst v63  }
0x50b: {  	_ =	swait.ge [sflag:s22], $0x8000  }
0x50c: {  	[sflag:s22] =	ssyncset.done $0x0  }
0x50d: {  	[sflag:s22] =	ssyncadd.s32 $0xFFFF8000  }
0x50e: {  	v3 =	vld [tilespmem:$0x320];
	_ =	sdelay $0x4  }
0x50f: {  	v50 =	vshll.u32 v3, $0x3  }
0x510: {  	v3 =	vand.u32 $0x7, v3;
	v4 =	vand.u32 $0xFFFFFFC0, v50  }
0x511: {  	v3 =	vor.u32 v3, v4  }
0x512: {  	v4 =	vperm.xlane v3, v0;
	_ =	sdelay $0x1  }
0x513: {  	v4 =	vadd.s32 v1, v4;
	_ =	sdelay $0x4  }
0x514: {  	[tilespmem:s0], [sflag:$0x2] =	stream.indirect_vreg.gather [hbm4b:s1+s3], $0x80, v4, vm0, $0xb8;
	[tilespmem:$0x18400] =	vst v63  }
0x515: {  	s9 =	simm.s32 $0x8C00;
	v3 =	vperm.xlane v3, v2  }
0x516: {  	[tilespmem:s9], [sflag:$0x2] =	stream.indirect_vreg.gather [hbm4b:s5+s3], $0x80, v4, vm0, $0xb8;
	[tilespmem:$0x18400] =	vst v63  }
0x517: {  	v3 =	vadd.s32 v1, v3  }
0x518: {  	[tilespmem:s15], [sflag:$0x2] =	stream.indirect_vreg.gather [hbm4b:s6+s3], $0x80, v4, vm0, $0xb8;
	[tilespmem:$0x18400] =	vst v63  }
0x519: {  	_ = 	snop  }
0x51a: {  	[tilespmem:s14], [sflag:$0x2] =	stream.indirect_vreg.gather [hbm4b:s7+s3], $0x80, v4, vm0, $0xb8;
	[tilespmem:$0x18400] =	vst v63  }
0x51b: {  	s9 =	simm.s32 $0xA400  }
0x51c: {  	[tilespmem:s9], [sflag:$0x2] =	stream.indirect_vreg.gather [hbm4b:s1+s3], $0x80, v3, vm0, $0xb8;
	[tilespmem:$0x18400] =	vst v63  }
0x51d: {  	_ = 	snop  }
0x51e: {  	[tilespmem:s12], [sflag:$0x2] =	stream.indirect_vreg.gather [hbm4b:s5+s3], $0x80, v3, vm0, $0xb8;
	[tilespmem:$0x18400] =	vst v63  }
0x51f: {  	_ = 	snop  }
0x520: {  	[tilespmem:s16], [sflag:$0x2] =	stream.indirect_vreg.gather [hbm4b:s6+s3], $0x80, v3, vm0, $0xb8;
	[tilespmem:$0x18400] =	vst v63  }
0x521: {  	s15 =	simm.s32 $0xBC00  }
0x522: {  	[tilespmem:s15], [sflag:$0x2] =	stream.indirect_vreg.gather [hbm4b:s7+s3], $0x80, v3, vm0, $0xb8;
	[tilespmem:$0x18400] =	vst v63  }
0x523: {  	v3 =	vld [tilespmem:$0x330];
	_ =	sdelay $0x4  }
0x524: {  	v51 =	vshll.u32 v3, $0x3  }
0x525: {  	v3 =	vand.u32 $0x7, v3;
	v4 =	vand.u32 $0xFFFFFFC0, v51  }
0x526: {  	v3 =	vor.u32 v3, v4  }
0x527: {  	v4 =	vperm.xlane v3, v0;
	_ =	sdelay $0x1  }
0x528: {  	v4 =	vadd.s32 v1, v4;
	_ =	sdelay $0x3  }
0x529: {  	s14 =	simm.s32 $0xC400  }
0x52a: {  	[tilespmem:s14], [sflag:$0x2] =	stream.indirect_vreg.gather [hbm4b:s1+s3], $0x80, v4, vm0, $0xb8;
	[tilespmem:$0x18400] =	vst v63  }
0x52b: {  	s16 =	simm.s32 $0xCC00;
	v3 =	vperm.xlane v3, v2  }
0x52c: {  	[tilespmem:s16], [sflag:$0x2] =	stream.indirect_vreg.gather [hbm4b:s5+s3], $0x80, v4, vm0, $0xb8;
	[tilespmem:$0x18400] =	vst v63  }
0x52d: {  	s13 =	simm.s32 $0xD400;
	v3 =	vadd.s32 v1, v3  }
0x52e: {  	[tilespmem:s13], [sflag:$0x2] =	stream.indirect_vreg.gather [hbm4b:s6+s3], $0x80, v4, vm0, $0xb8;
	[tilespmem:$0x18400] =	vst v63  }
0x52f: {  	_ = 	snop  }
0x530: {  	[tilespmem:s8], [sflag:$0x2] =	stream.indirect_vreg.gather [hbm4b:s7+s3], $0x80, v4, vm0, $0xb8;
	[tilespmem:$0x18400] =	vst v63  }
0x531: {  	_ = 	snop  }
0x532: {  	[tilespmem:s29], [sflag:$0x2] =	stream.indirect_vreg.gather [hbm4b:s1+s3], $0x80, v3, vm0, $0xb8;
	[tilespmem:$0x18400] =	vst v63  }
0x533: {  	s25 =	simm.s32 $0xEC00  }
0x534: {  	[tilespmem:s25], [sflag:$0x2] =	stream.indirect_vreg.gather [hbm4b:s5+s3], $0x80, v3, vm0, $0xb8;
	[tilespmem:$0x18400] =	vst v63  }
0x535: {  	s29 =	simm.s32 $0xF400  }
0x536: {  	[tilespmem:s29], [sflag:$0x2] =	stream.indirect_vreg.gather [hbm4b:s6+s3], $0x80, v3, vm0, $0xb8;
	[tilespmem:$0x18400] =	vst v63  }
0x537: {  	s12 =	simm.s32 $0xFC00  }
0x538: {  	[tilespmem:s12], [sflag:$0x2] =	stream.indirect_vreg.gather [hbm4b:s7+s3], $0x80, v3, vm0, $0xb8;
	[tilespmem:$0x18400] =	vst v63  }
0x539: {  	_ =	swait.ge [sflag:s23], $0x8000  }
0x53a: {  	[sflag:s23] =	ssyncset.done $0x0  }
0x53b: {  	s2 =	simm.s32 $0x10400;
	s16 =	rddreg [dreg:$0x1c];
	[sflag:s23] =	ssyncadd.s32 $0xFFFF8000  }
0x53c: {  	[hbm4b:s16+s3] =	stream.linear.scatter [tilespmem:s2], [sflag:$0x6], $0x8000, $0x38;
	[tilespmem:$0x18400] =	vst v63  }
0x53d: {  	_ =	swait.ge [sflag:s24], $0x8000  }
0x53e: {  	[sflag:s24] =	ssyncset.done $0x0  }
0x53f: {  	[sflag:s24] =	ssyncadd.s32 $0xFFFF8000  }
0x540: {  	v3 =	vld [tilespmem:$0x340];
	_ =	sdelay $0x4  }
0x541: {  	v52 =	vshll.u32 v3, $0x3  }
0x542: {  	v3 =	vand.u32 $0x7, v3;
	v4 =	vand.u32 $0xFFFFFFC0, v52  }
0x543: {  	v3 =	vor.u32 v3, v4  }
0x544: {  	v4 =	vperm.xlane v3, v0;
	_ =	sdelay $0x1  }
0x545: {  	v4 =	vadd.s32 v1, v4;
	_ =	sdelay $0x4  }
0x546: {  	[tilespmem:s2], [sflag:$0x3] =	stream.indirect_vreg.gather [hbm4b:s1+s3], $0x80, v4, vm0, $0xb8;
	[tilespmem:$0x18400] =	vst v63  }
0x547: {  	s25 =	simm.s32 $0x10C00;
	v3 =	vperm.xlane v3, v2  }
0x548: {  	[tilespmem:s25], [sflag:$0x3] =	stream.indirect_vreg.gather [hbm4b:s5+s3], $0x80, v4, vm0, $0xb8;
	[tilespmem:$0x18400] =	vst v63  }
0x549: {  	s29 =	simm.s32 $0x11400;
	v3 =	vadd.s32 v1, v3  }
0x54a: {  	[tilespmem:s29], [sflag:$0x3] =	stream.indirect_vreg.gather [hbm4b:s6+s3], $0x80, v4, vm0, $0xb8;
	[tilespmem:$0x18400] =	vst v63  }
0x54b: {  	s8 =	simm.s32 $0x11C00  }
0x54c: {  	[tilespmem:s8], [sflag:$0x3] =	stream.indirect_vreg.gather [hbm4b:s7+s3], $0x80, v4, vm0, $0xb8;
	[tilespmem:$0x18400] =	vst v63  }
0x54d: {  	s2 =	simm.s32 $0x12400  }
0x54e: {  	[tilespmem:s2], [sflag:$0x3] =	stream.indirect_vreg.gather [hbm4b:s1+s3], $0x80, v3, vm0, $0xb8;
	[tilespmem:$0x18400] =	vst v63  }
0x54f: {  	s12 =	simm.s32 $0x12C00  }
0x550: {  	[tilespmem:s12], [sflag:$0x3] =	stream.indirect_vreg.gather [hbm4b:s5+s3], $0x80, v3, vm0, $0xb8;
	[tilespmem:$0x18400] =	vst v63  }
0x551: {  	s8 =	simm.s32 $0x13400  }
0x552: {  	[tilespmem:s8], [sflag:$0x3] =	stream.indirect_vreg.gather [hbm4b:s6+s3], $0x80, v3, vm0, $0xb8;
	[tilespmem:$0x18400] =	vst v63  }
0x553: {  	s16 =	simm.s32 $0x13C00  }
0x554: {  	[tilespmem:s16], [sflag:$0x3] =	stream.indirect_vreg.gather [hbm4b:s7+s3], $0x80, v3, vm0, $0xb8;
	[tilespmem:$0x18400] =	vst v63  }
0x555: {  	v3 =	vld [tilespmem:$0x350];
	_ =	sdelay $0x4  }
0x556: {  	v53 =	vshll.u32 v3, $0x3  }
0x557: {  	v3 =	vand.u32 $0x7, v3;
	v4 =	vand.u32 $0xFFFFFFC0, v53  }
0x558: {  	v3 =	vor.u32 v3, v4  }
0x559: {  	v4 =	vperm.xlane v3, v0;
	_ =	sdelay $0x1  }
0x55a: {  	v4 =	vadd.s32 v1, v4;
	_ =	sdelay $0x3  }
0x55b: {  	s25 =	simm.s32 $0x14400  }
0x55c: {  	[tilespmem:s25], [sflag:$0x3] =	stream.indirect_vreg.gather [hbm4b:s1+s3], $0x80, v4, vm0, $0xb8;
	[tilespmem:$0x18400] =	vst v63  }
0x55d: {  	s29 =	simm.s32 $0x14C00;
	v3 =	vperm.xlane v3, v2  }
0x55e: {  	[tilespmem:s29], [sflag:$0x3] =	stream.indirect_vreg.gather [hbm4b:s5+s3], $0x80, v4, vm0, $0xb8;
	[tilespmem:$0x18400] =	vst v63  }
0x55f: {  	s16 =	simm.s32 $0x15400;
	v3 =	vadd.s32 v1, v3  }
0x560: {  	[tilespmem:s16], [sflag:$0x3] =	stream.indirect_vreg.gather [hbm4b:s6+s3], $0x80, v4, vm0, $0xb8;
	[tilespmem:$0x18400] =	vst v63  }
0x561: {  	s12 =	simm.s32 $0x15C00  }
0x562: {  	[tilespmem:s12], [sflag:$0x3] =	stream.indirect_vreg.gather [hbm4b:s7+s3], $0x80, v4, vm0, $0xb8;
	[tilespmem:$0x18400] =	vst v63  }
0x563: {  	_ = 	snop  }
0x564: {  	[tilespmem:s10], [sflag:$0x3] =	stream.indirect_vreg.gather [hbm4b:s1+s3], $0x80, v3, vm0, $0xb8;
	[tilespmem:$0x18400] =	vst v63  }
0x565: {  	_ = 	snop  }
0x566: {  	[tilespmem:s18], [sflag:$0x3] =	stream.indirect_vreg.gather [hbm4b:s5+s3], $0x80, v3, vm0, $0xb8;
	[tilespmem:$0x18400] =	vst v63  }
0x567: {  	s25 =	simm.s32 $0x17400  }
0x568: {  	[tilespmem:s25], [sflag:$0x3] =	stream.indirect_vreg.gather [hbm4b:s6+s3], $0x80, v3, vm0, $0xb8;
	[tilespmem:$0x18400] =	vst v63  }
0x569: {  	s10 =	simm.s32 $0x17C00  }
0x56a: {  	[tilespmem:s10], [sflag:$0x3] =	stream.indirect_vreg.gather [hbm4b:s7+s3], $0x80, v3, vm0, $0xb8;
	[tilespmem:$0x18400] =	vst v63  }
0x56b: {  	_ =	swait.ge [sflag:s19], $0x8000  }
0x56c: {  	[sflag:s19] =	ssyncset.done $0x0  }
0x56d: {  	s4 =	simm.s32 $0x400;
	s29 =	rddreg [dreg:$0x1d];
	[sflag:s19] =	ssyncadd.s32 $0xFFFF8000  }
0x56e: {  	[hbm4b:s29+s3] =	stream.linear.scatter [tilespmem:s4], [sflag:$0x4], $0x8000, $0x38;
	[tilespmem:$0x18400] =	vst v63  }
0x56f: {  	_ =	swait.ge [sflag:s20], $0x8000  }
0x570: {  	[sflag:s20] =	ssyncset.done $0x0  }
0x571: {  	[sflag:s20] =	ssyncadd.s32 $0xFFFF8000  }
0x572: {  	v3 =	vld [tilespmem:$0x360];
	_ =	sdelay $0x4  }
0x573: {  	v54 =	vshll.u32 v3, $0x3  }
0x574: {  	v3 =	vand.u32 $0x7, v3;
	v4 =	vand.u32 $0xFFFFFFC0, v54  }
0x575: {  	v3 =	vor.u32 v3, v4  }
0x576: {  	v4 =	vperm.xlane v3, v0;
	_ =	sdelay $0x1  }
0x577: {  	v4 =	vadd.s32 v1, v4;
	_ =	sdelay $0x4  }
0x578: {  	[tilespmem:s4], [sflag:$0x1] =	stream.indirect_vreg.gather [hbm4b:s1+s3], $0x80, v4, vm0, $0xb8;
	[tilespmem:$0x18400] =	vst v63  }
0x579: {  	s16 =	simm.s32 $0xC00;
	v3 =	vperm.xlane v3, v2  }
0x57a: {  	[tilespmem:s16], [sflag:$0x1] =	stream.indirect_vreg.gather [hbm4b:s5+s3], $0x80, v4, vm0, $0xb8;
	[tilespmem:$0x18400] =	vst v63  }
0x57b: {  	v3 =	vadd.s32 v1, v3  }
0x57c: {  	[tilespmem:s28], [sflag:$0x1] =	stream.indirect_vreg.gather [hbm4b:s6+s3], $0x80, v4, vm0, $0xb8;
	[tilespmem:$0x18400] =	vst v63  }
0x57d: {  	s25 =	simm.s32 $0x1C00  }
0x57e: {  	[tilespmem:s25], [sflag:$0x1] =	stream.indirect_vreg.gather [hbm4b:s7+s3], $0x80, v4, vm0, $0xb8;
	[tilespmem:$0x18400] =	vst v63  }
0x57f: {  	_ = 	snop  }
0x580: {  	[tilespmem:s26], [sflag:$0x1] =	stream.indirect_vreg.gather [hbm4b:s1+s3], $0x80, v3, vm0, $0xb8;
	[tilespmem:$0x18400] =	vst v63  }
0x581: {  	_ = 	snop  }
0x582: {  	[tilespmem:s30], [sflag:$0x1] =	stream.indirect_vreg.gather [hbm4b:s5+s3], $0x80, v3, vm0, $0xb8;
	[tilespmem:$0x18400] =	vst v63  }
0x583: {  	_ = 	snop  }
0x584: {  	[tilespmem:s31], [sflag:$0x1] =	stream.indirect_vreg.gather [hbm4b:s6+s3], $0x80, v3, vm0, $0xb8;
	[tilespmem:$0x18400] =	vst v63  }
0x585: {  	s29 =	simm.s32 $0x3C00  }
0x586: {  	[tilespmem:s29], [sflag:$0x1] =	stream.indirect_vreg.gather [hbm4b:s7+s3], $0x80, v3, vm0, $0xb8;
	[tilespmem:$0x18400] =	vst v63  }
0x587: {  	v3 =	vld [tilespmem:$0x370];
	_ =	sdelay $0x4  }
0x588: {  	v55 =	vshll.u32 v3, $0x3  }
0x589: {  	v3 =	vand.u32 $0x7, v3;
	v4 =	vand.u32 $0xFFFFFFC0, v55  }
0x58a: {  	v3 =	vor.u32 v3, v4  }
0x58b: {  	v4 =	vperm.xlane v3, v0;
	_ =	sdelay $0x1  }
0x58c: {  	v4 =	vadd.s32 v1, v4;
	_ =	sdelay $0x3  }
0x58d: {  	s31 =	simm.s32 $0x4400  }
0x58e: {  	[tilespmem:s31], [sflag:$0x1] =	stream.indirect_vreg.gather [hbm4b:s1+s3], $0x80, v4, vm0, $0xb8;
	[tilespmem:$0x18400] =	vst v63  }
0x58f: {  	s16 =	simm.s32 $0x4C00;
	v3 =	vperm.xlane v3, v2  }
0x590: {  	[tilespmem:s16], [sflag:$0x1] =	stream.indirect_vreg.gather [hbm4b:s5+s3], $0x80, v4, vm0, $0xb8;
	[tilespmem:$0x18400] =	vst v63  }
0x591: {  	s25 =	simm.s32 $0x5400;
	v3 =	vadd.s32 v1, v3  }
0x592: {  	[tilespmem:s25], [sflag:$0x1] =	stream.indirect_vreg.gather [hbm4b:s6+s3], $0x80, v4, vm0, $0xb8;
	[tilespmem:$0x18400] =	vst v63  }
0x593: {  	s16 =	simm.s32 $0x5C00  }
0x594: {  	[tilespmem:s16], [sflag:$0x1] =	stream.indirect_vreg.gather [hbm4b:s7+s3], $0x80, v4, vm0, $0xb8;
	[tilespmem:$0x18400] =	vst v63  }
0x595: {  	_ = 	snop  }
0x596: {  	[tilespmem:s11], [sflag:$0x1] =	stream.indirect_vreg.gather [hbm4b:s1+s3], $0x80, v3, vm0, $0xb8;
	[tilespmem:$0x18400] =	vst v63  }
0x597: {  	s25 =	simm.s32 $0x6C00  }
0x598: {  	[tilespmem:s25], [sflag:$0x1] =	stream.indirect_vreg.gather [hbm4b:s5+s3], $0x80, v3, vm0, $0xb8;
	[tilespmem:$0x18400] =	vst v63  }
0x599: {  	s16 =	simm.s32 $0x7400  }
0x59a: {  	[tilespmem:s16], [sflag:$0x1] =	stream.indirect_vreg.gather [hbm4b:s6+s3], $0x80, v3, vm0, $0xb8;
	[tilespmem:$0x18400] =	vst v63  }
0x59b: {  	_ = 	snop  }
0x59c: {  	[tilespmem:s17], [sflag:$0x1] =	stream.indirect_vreg.gather [hbm4b:s7+s3], $0x80, v3, vm0, $0xb8;
	[tilespmem:$0x18400] =	vst v63  }
0x59d: {  	_ =	swait.ge [sflag:s21], $0x8000  }
0x59e: {  	[sflag:s21] =	ssyncset.done $0x0  }
0x59f: {  	s0 =	simm.s32 $0x8400;
	s17 =	rddreg [dreg:$0x1e];
	[sflag:s21] =	ssyncadd.s32 $0xFFFF8000  }
0x5a0: {  	[hbm4b:s17+s3] =	stream.linear.scatter [tilespmem:s0], [sflag:$0x5], $0x8000, $0x38;
	[tilespmem:$0x18400] =	vst v63  }
0x5a1: {  	_ =	swait.ge [sflag:s22], $0x8000  }
0x5a2: {  	[sflag:s22] =	ssyncset.done $0x0  }
0x5a3: {  	[sflag:s22] =	ssyncadd.s32 $0xFFFF8000  }
0x5a4: {  	v3 =	vld [tilespmem:$0x380];
	_ =	sdelay $0x4  }
0x5a5: {  	v56 =	vshll.u32 v3, $0x3  }
0x5a6: {  	v3 =	vand.u32 $0x7, v3;
	v4 =	vand.u32 $0xFFFFFFC0, v56  }
0x5a7: {  	v3 =	vor.u32 v3, v4  }
0x5a8: {  	v4 =	vperm.xlane v3, v0;
	_ =	sdelay $0x1  }
0x5a9: {  	v4 =	vadd.s32 v1, v4;
	_ =	sdelay $0x4  }
0x5aa: {  	[tilespmem:s0], [sflag:$0x2] =	stream.indirect_vreg.gather [hbm4b:s1+s3], $0x80, v4, vm0, $0xb8;
	[tilespmem:$0x18400] =	vst v63  }
0x5ab: {  	v3 =	vperm.xlane v3, v2;
	s0 =	simm.s32 $0x8C00  }
0x5ac: {  	[tilespmem:s0], [sflag:$0x2] =	stream.indirect_vreg.gather [hbm4b:s5+s3], $0x80, v4, vm0, $0xb8;
	[tilespmem:$0x18400] =	vst v63  }
0x5ad: {  	s16 =	simm.s32 $0x9400;
	v3 =	vadd.s32 v1, v3  }
0x5ae: {  	[tilespmem:s16], [sflag:$0x2] =	stream.indirect_vreg.gather [hbm4b:s6+s3], $0x80, v4, vm0, $0xb8;
	[tilespmem:$0x18400] =	vst v63  }
0x5af: {  	s11 =	simm.s32 $0x9C00  }
0x5b0: {  	[tilespmem:s11], [sflag:$0x2] =	stream.indirect_vreg.gather [hbm4b:s7+s3], $0x80, v4, vm0, $0xb8;
	[tilespmem:$0x18400] =	vst v63  }
0x5b1: {  	_ = 	snop  }
0x5b2: {  	[tilespmem:s9], [sflag:$0x2] =	stream.indirect_vreg.gather [hbm4b:s1+s3], $0x80, v3, vm0, $0xb8;
	[tilespmem:$0x18400] =	vst v63  }
0x5b3: {  	s9 =	simm.s32 $0xAC00  }
0x5b4: {  	[tilespmem:s9], [sflag:$0x2] =	stream.indirect_vreg.gather [hbm4b:s5+s3], $0x80, v3, vm0, $0xb8;
	[tilespmem:$0x18400] =	vst v63  }
0x5b5: {  	s0 =	simm.s32 $0xB400  }
0x5b6: {  	[tilespmem:s0], [sflag:$0x2] =	stream.indirect_vreg.gather [hbm4b:s6+s3], $0x80, v3, vm0, $0xb8;
	[tilespmem:$0x18400] =	vst v63  }
0x5b7: {  	_ = 	snop  }
0x5b8: {  	[tilespmem:s15], [sflag:$0x2] =	stream.indirect_vreg.gather [hbm4b:s7+s3], $0x80, v3, vm0, $0xb8;
	[tilespmem:$0x18400] =	vst v63  }
0x5b9: {  	v3 =	vld [tilespmem:$0x390];
	_ =	sdelay $0x4  }
0x5ba: {  	v57 =	vshll.u32 v3, $0x3  }
0x5bb: {  	v3 =	vand.u32 $0x7, v3;
	v4 =	vand.u32 $0xFFFFFFC0, v57  }
0x5bc: {  	v3 =	vor.u32 v3, v4  }
0x5bd: {  	v4 =	vperm.xlane v3, v0;
	_ =	sdelay $0x1  }
0x5be: {  	v4 =	vadd.s32 v1, v4;
	_ =	sdelay $0x4  }
0x5bf: {  	[tilespmem:s14], [sflag:$0x2] =	stream.indirect_vreg.gather [hbm4b:s1+s3], $0x80, v4, vm0, $0xb8;
	[tilespmem:$0x18400] =	vst v63  }
0x5c0: {  	v3 =	vperm.xlane v3, v2;
	s14 =	simm.s32 $0xCC00  }
0x5c1: {  	[tilespmem:s14], [sflag:$0x2] =	stream.indirect_vreg.gather [hbm4b:s5+s3], $0x80, v4, vm0, $0xb8;
	[tilespmem:$0x18400] =	vst v63  }
0x5c2: {  	v3 =	vadd.s32 v1, v3  }
0x5c3: {  	[tilespmem:s13], [sflag:$0x2] =	stream.indirect_vreg.gather [hbm4b:s6+s3], $0x80, v4, vm0, $0xb8;
	[tilespmem:$0x18400] =	vst v63  }
0x5c4: {  	s9 =	simm.s32 $0xDC00  }
0x5c5: {  	[tilespmem:s9], [sflag:$0x2] =	stream.indirect_vreg.gather [hbm4b:s7+s3], $0x80, v4, vm0, $0xb8;
	[tilespmem:$0x18400] =	vst v63  }
0x5c6: {  	s15 =	simm.s32 $0xE400  }
0x5c7: {  	[tilespmem:s15], [sflag:$0x2] =	stream.indirect_vreg.gather [hbm4b:s1+s3], $0x80, v3, vm0, $0xb8;
	[tilespmem:$0x18400] =	vst v63  }
0x5c8: {  	s25 =	simm.s32 $0xEC00  }
0x5c9: {  	[tilespmem:s25], [sflag:$0x2] =	stream.indirect_vreg.gather [hbm4b:s5+s3], $0x80, v3, vm0, $0xb8;
	[tilespmem:$0x18400] =	vst v63  }
0x5ca: {  	s15 =	simm.s32 $0xF400  }
0x5cb: {  	[tilespmem:s15], [sflag:$0x2] =	stream.indirect_vreg.gather [hbm4b:s6+s3], $0x80, v3, vm0, $0xb8;
	[tilespmem:$0x18400] =	vst v63  }
0x5cc: {  	s25 =	simm.s32 $0xFC00  }
0x5cd: {  	[tilespmem:s25], [sflag:$0x2] =	stream.indirect_vreg.gather [hbm4b:s7+s3], $0x80, v3, vm0, $0xb8;
	[tilespmem:$0x18400] =	vst v63  }
0x5ce: {  	_ =	swait.ge [sflag:s23], $0x8000  }
0x5cf: {  	[sflag:s23] =	ssyncset.done $0x0  }
0x5d0: {  	s15 =	simm.s32 $0x10400;
	s13 =	rddreg [dreg:$0x1f];
	[sflag:s23] =	ssyncadd.s32 $0xFFFF8000  }
0x5d1: {  	[hbm4b:s13+s3] =	stream.linear.scatter [tilespmem:s15], [sflag:$0x6], $0x8000, $0x38;
	[tilespmem:$0x18400] =	vst v63  }
0x5d2: {  	_ =	swait.ge [sflag:s24], $0x8000  }
0x5d3: {  	[sflag:s24] =	ssyncset.done $0x0  }
0x5d4: {  	[sflag:s24] =	ssyncadd.s32 $0xFFFF8000  }
0x5d5: {  	v3 =	vld [tilespmem:$0x3A0];
	_ =	sdelay $0x4  }
0x5d6: {  	v58 =	vshll.u32 v3, $0x3  }
0x5d7: {  	v3 =	vand.u32 $0x7, v3;
	v4 =	vand.u32 $0xFFFFFFC0, v58  }
0x5d8: {  	v3 =	vor.u32 v3, v4  }
0x5d9: {  	v4 =	vperm.xlane v3, v0;
	_ =	sdelay $0x1  }
0x5da: {  	v4 =	vadd.s32 v1, v4;
	_ =	sdelay $0x4  }
0x5db: {  	[tilespmem:s15], [sflag:$0x3] =	stream.indirect_vreg.gather [hbm4b:s1+s3], $0x80, v4, vm0, $0xb8;
	[tilespmem:$0x18400] =	vst v63  }
0x5dc: {  	s25 =	simm.s32 $0x10C00;
	v3 =	vperm.xlane v3, v2  }
0x5dd: {  	[tilespmem:s25], [sflag:$0x3] =	stream.indirect_vreg.gather [hbm4b:s5+s3], $0x80, v4, vm0, $0xb8;
	[tilespmem:$0x18400] =	vst v63  }
0x5de: {  	v3 =	vadd.s32 v1, v3;
	s25 =	simm.s32 $0x11400  }
0x5df: {  	[tilespmem:s25], [sflag:$0x3] =	stream.indirect_vreg.gather [hbm4b:s6+s3], $0x80, v4, vm0, $0xb8;
	[tilespmem:$0x18400] =	vst v63  }
0x5e0: {  	s25 =	simm.s32 $0x11C00  }
0x5e1: {  	[tilespmem:s25], [sflag:$0x3] =	stream.indirect_vreg.gather [hbm4b:s7+s3], $0x80, v4, vm0, $0xb8;
	[tilespmem:$0x18400] =	vst v63  }
0x5e2: {  	_ = 	snop  }
0x5e3: {  	[tilespmem:s2], [sflag:$0x3] =	stream.indirect_vreg.gather [hbm4b:s1+s3], $0x80, v3, vm0, $0xb8;
	[tilespmem:$0x18400] =	vst v63  }
0x5e4: {  	s25 =	simm.s32 $0x12C00  }
0x5e5: {  	[tilespmem:s25], [sflag:$0x3] =	stream.indirect_vreg.gather [hbm4b:s5+s3], $0x80, v3, vm0, $0xb8;
	[tilespmem:$0x18400] =	vst v63  }
0x5e6: {  	_ = 	snop  }
0x5e7: {  	[tilespmem:s8], [sflag:$0x3] =	stream.indirect_vreg.gather [hbm4b:s6+s3], $0x80, v3, vm0, $0xb8;
	[tilespmem:$0x18400] =	vst v63  }
0x5e8: {  	s8 =	simm.s32 $0x13C00  }
0x5e9: {  	[tilespmem:s8], [sflag:$0x3] =	stream.indirect_vreg.gather [hbm4b:s7+s3], $0x80, v3, vm0, $0xb8;
	[tilespmem:$0x18400] =	vst v63  }
0x5ea: {  	v3 =	vld [tilespmem:$0x3B0];
	_ =	sdelay $0x4  }
0x5eb: {  	v59 =	vshll.u32 v3, $0x3  }
0x5ec: {  	v3 =	vand.u32 $0x7, v3;
	v4 =	vand.u32 $0xFFFFFFC0, v59  }
0x5ed: {  	v3 =	vor.u32 v3, v4  }
0x5ee: {  	v4 =	vperm.xlane v3, v0;
	_ =	sdelay $0x1  }
0x5ef: {  	v4 =	vadd.s32 v1, v4;
	_ =	sdelay $0x3  }
0x5f0: {  	s15 =	simm.s32 $0x14400  }
0x5f1: {  	[tilespmem:s15], [sflag:$0x3] =	stream.indirect_vreg.gather [hbm4b:s1+s3], $0x80, v4, vm0, $0xb8;
	[tilespmem:$0x18400] =	vst v63  }
0x5f2: {  	s25 =	simm.s32 $0x14C00;
	v3 =	vperm.xlane v3, v2  }
0x5f3: {  	[tilespmem:s25], [sflag:$0x3] =	stream.indirect_vreg.gather [hbm4b:s5+s3], $0x80, v4, vm0, $0xb8;
	[tilespmem:$0x18400] =	vst v63  }
0x5f4: {  	s8 =	simm.s32 $0x15400;
	v3 =	vadd.s32 v1, v3  }
0x5f5: {  	[tilespmem:s8], [sflag:$0x3] =	stream.indirect_vreg.gather [hbm4b:s6+s3], $0x80, v4, vm0, $0xb8;
	[tilespmem:$0x18400] =	vst v63  }
0x5f6: {  	_ = 	snop  }
0x5f7: {  	[tilespmem:s12], [sflag:$0x3] =	stream.indirect_vreg.gather [hbm4b:s7+s3], $0x80, v4, vm0, $0xb8;
	[tilespmem:$0x18400] =	vst v63  }
0x5f8: {  	s15 =	simm.s32 $0x16400  }
0x5f9: {  	[tilespmem:s15], [sflag:$0x3] =	stream.indirect_vreg.gather [hbm4b:s1+s3], $0x80, v3, vm0, $0xb8;
	[tilespmem:$0x18400] =	vst v63  }
0x5fa: {  	s18 =	simm.s32 $0x16C00  }
0x5fb: {  	[tilespmem:s18], [sflag:$0x3] =	stream.indirect_vreg.gather [hbm4b:s5+s3], $0x80, v3, vm0, $0xb8;
	[tilespmem:$0x18400] =	vst v63  }
0x5fc: {  	s25 =	simm.s32 $0x17400  }
0x5fd: {  	[tilespmem:s25], [sflag:$0x3] =	stream.indirect_vreg.gather [hbm4b:s6+s3], $0x80, v3, vm0, $0xb8;
	[tilespmem:$0x18400] =	vst v63  }
0x5fe: {  	_ = 	snop  }
0x5ff: {  	[tilespmem:s10], [sflag:$0x3] =	stream.indirect_vreg.gather [hbm4b:s7+s3], $0x80, v3, vm0, $0xb8;
	[tilespmem:$0x18400] =	vst v63  }
0x600: {  	_ =	swait.ge [sflag:s19], $0x8000  }
0x601: {  	s2 =	sld [smem:$0x7F7]  }
0x602: {  	[sflag:s19] =	ssyncset.done $0x0  }
0x603: {  	s8 =	simm.s32 $0x400;
	[sflag:s19] =	ssyncadd.s32 $0xFFFF8000  }
0x604: {  	[hbm4b:s2+s3] =	stream.linear.scatter [tilespmem:s8], [sflag:$0x4], $0x8000, $0x38;
	[tilespmem:$0x18400] =	vst v63  }
0x605: {  	_ =	swait.ge [sflag:s20], $0x8000  }
0x606: {  	[sflag:s20] =	ssyncset.done $0x0  }
0x607: {  	[sflag:s20] =	ssyncadd.s32 $0xFFFF8000  }
0x608: {  	v3 =	vld [tilespmem:$0x3C0];
	_ =	sdelay $0x4  }
0x609: {  	v60 =	vshll.u32 v3, $0x3  }
0x60a: {  	v3 =	vand.u32 $0x7, v3;
	v4 =	vand.u32 $0xFFFFFFC0, v60  }
0x60b: {  	v3 =	vor.u32 v3, v4  }
0x60c: {  	v4 =	vperm.xlane v3, v0;
	_ =	sdelay $0x1  }
0x60d: {  	v4 =	vadd.s32 v1, v4;
	_ =	sdelay $0x4  }
0x60e: {  	[tilespmem:s8], [sflag:$0x1] =	stream.indirect_vreg.gather [hbm4b:s1+s3], $0x80, v4, vm0, $0xb8;
	[tilespmem:$0x18400] =	vst v63  }
0x60f: {  	s10 =	simm.s32 $0xC00;
	v3 =	vperm.xlane v3, v2  }
0x610: {  	[tilespmem:s10], [sflag:$0x1] =	stream.indirect_vreg.gather [hbm4b:s5+s3], $0x80, v4, vm0, $0xb8;
	[tilespmem:$0x18400] =	vst v63  }
0x611: {  	s28 =	simm.s32 $0x1400;
	v3 =	vadd.s32 v1, v3  }
0x612: {  	[tilespmem:s28], [sflag:$0x1] =	stream.indirect_vreg.gather [hbm4b:s6+s3], $0x80, v4, vm0, $0xb8;
	[tilespmem:$0x18400] =	vst v63  }
0x613: {  	s12 =	simm.s32 $0x1C00  }
0x614: {  	[tilespmem:s12], [sflag:$0x1] =	stream.indirect_vreg.gather [hbm4b:s7+s3], $0x80, v4, vm0, $0xb8;
	[tilespmem:$0x18400] =	vst v63  }
0x615: {  	s18 =	simm.s32 $0x2400  }
0x616: {  	[tilespmem:s18], [sflag:$0x1] =	stream.indirect_vreg.gather [hbm4b:s1+s3], $0x80, v3, vm0, $0xb8;
	[tilespmem:$0x18400] =	vst v63  }
0x617: {  	s26 =	simm.s32 $0x2C00  }
0x618: {  	[tilespmem:s26], [sflag:$0x1] =	stream.indirect_vreg.gather [hbm4b:s5+s3], $0x80, v3, vm0, $0xb8;
	[tilespmem:$0x18400] =	vst v63  }
0x619: {  	s30 =	simm.s32 $0x3400  }
0x61a: {  	[tilespmem:s30], [sflag:$0x1] =	stream.indirect_vreg.gather [hbm4b:s6+s3], $0x80, v3, vm0, $0xb8;
	[tilespmem:$0x18400] =	vst v63  }
0x61b: {  	s25 =	simm.s32 $0x3C00  }
0x61c: {  	[tilespmem:s25], [sflag:$0x1] =	stream.indirect_vreg.gather [hbm4b:s7+s3], $0x80, v3, vm0, $0xb8;
	[tilespmem:$0x18400] =	vst v63  }
0x61d: {  	v3 =	vld [tilespmem:$0x3D0];
	_ =	sdelay $0x4  }
0x61e: {  	v61 =	vshll.u32 v3, $0x3  }
0x61f: {  	v3 =	vand.u32 $0x7, v3;
	v4 =	vand.u32 $0xFFFFFFC0, v61  }
0x620: {  	v3 =	vor.u32 v3, v4  }
0x621: {  	v4 =	vperm.xlane v3, v0;
	_ =	sdelay $0x1  }
0x622: {  	v4 =	vadd.s32 v1, v4;
	_ =	sdelay $0x3  }
0x623: {  	s31 =	simm.s32 $0x4400  }
0x624: {  	[tilespmem:s31], [sflag:$0x1] =	stream.indirect_vreg.gather [hbm4b:s1+s3], $0x80, v4, vm0, $0xb8;
	[tilespmem:$0x18400] =	vst v63  }
0x625: {  	s29 =	simm.s32 $0x4C00;
	v3 =	vperm.xlane v3, v2  }
0x626: {  	[tilespmem:s29], [sflag:$0x1] =	stream.indirect_vreg.gather [hbm4b:s5+s3], $0x80, v4, vm0, $0xb8;
	[tilespmem:$0x18400] =	vst v63  }
0x627: {  	s26 =	simm.s32 $0x5400;
	v3 =	vadd.s32 v1, v3  }
0x628: {  	[tilespmem:s26], [sflag:$0x1] =	stream.indirect_vreg.gather [hbm4b:s6+s3], $0x80, v4, vm0, $0xb8;
	[tilespmem:$0x18400] =	vst v63  }
0x629: {  	s28 =	simm.s32 $0x5C00  }
0x62a: {  	[tilespmem:s28], [sflag:$0x1] =	stream.indirect_vreg.gather [hbm4b:s7+s3], $0x80, v4, vm0, $0xb8;
	[tilespmem:$0x18400] =	vst v63  }
0x62b: {  	s4 =	simm.s32 $0x6400  }
0x62c: {  	[tilespmem:s4], [sflag:$0x1] =	stream.indirect_vreg.gather [hbm4b:s1+s3], $0x80, v3, vm0, $0xb8;
	[tilespmem:$0x18400] =	vst v63  }
0x62d: {  	s29 =	simm.s32 $0x6C00  }
0x62e: {  	[tilespmem:s29], [sflag:$0x1] =	stream.indirect_vreg.gather [hbm4b:s5+s3], $0x80, v3, vm0, $0xb8;
	[tilespmem:$0x18400] =	vst v63  }
0x62f: {  	s30 =	simm.s32 $0x7400  }
0x630: {  	[tilespmem:s30], [sflag:$0x1] =	stream.indirect_vreg.gather [hbm4b:s6+s3], $0x80, v3, vm0, $0xb8;
	[tilespmem:$0x18400] =	vst v63  }
0x631: {  	s31 =	simm.s32 $0x7C00  }
0x632: {  	[tilespmem:s31], [sflag:$0x1] =	stream.indirect_vreg.gather [hbm4b:s7+s3], $0x80, v3, vm0, $0xb8;
	[tilespmem:$0x18400] =	vst v63  }
0x633: {  	_ =	swait.ge [sflag:s21], $0x8000  }
0x634: {  	s2 =	sld [smem:$0x7F8]  }
0x635: {  	[sflag:s21] =	ssyncset.done $0x0  }
0x636: {  	s4 =	simm.s32 $0x8400;
	[sflag:s21] =	ssyncadd.s32 $0xFFFF8000  }
0x637: {  	[hbm4b:s2+s3] =	stream.linear.scatter [tilespmem:s4], [sflag:$0x5], $0x8000, $0x38;
	[tilespmem:$0x18400] =	vst v63  }
0x638: {  	_ =	swait.ge [sflag:s22], $0x8000  }
0x639: {  	[sflag:s22] =	ssyncset.done $0x0  }
0x63a: {  	[sflag:s22] =	ssyncadd.s32 $0xFFFF8000  }
0x63b: {  	v3 =	vld [tilespmem:$0x3E0];
	_ =	sdelay $0x4  }
0x63c: {  	v62 =	vshll.u32 v3, $0x3  }
0x63d: {  	v3 =	vand.u32 $0x7, v3;
	v4 =	vand.u32 $0xFFFFFFC0, v62  }
0x63e: {  	v3 =	vor.u32 v3, v4  }
0x63f: {  	v4 =	vperm.xlane v3, v0;
	_ =	sdelay $0x1  }
0x640: {  	v4 =	vadd.s32 v1, v4;
	_ =	sdelay $0x4  }
0x641: {  	[tilespmem:s4], [sflag:$0x2] =	stream.indirect_vreg.gather [hbm4b:s1+s3], $0x80, v4, vm0, $0xb8;
	[tilespmem:$0x18400] =	vst v63  }
0x642: {  	s8 =	simm.s32 $0x8C00;
	v3 =	vperm.xlane v3, v2  }
0x643: {  	[tilespmem:s8], [sflag:$0x2] =	stream.indirect_vreg.gather [hbm4b:s5+s3], $0x80, v4, vm0, $0xb8;
	[tilespmem:$0x18400] =	vst v63  }
0x644: {  	v3 =	vadd.s32 v1, v3  }
0x645: {  	[tilespmem:s16], [sflag:$0x2] =	stream.indirect_vreg.gather [hbm4b:s6+s3], $0x80, v4, vm0, $0xb8;
	[tilespmem:$0x18400] =	vst v63  }
0x646: {  	_ = 	snop  }
0x647: {  	[tilespmem:s11], [sflag:$0x2] =	stream.indirect_vreg.gather [hbm4b:s7+s3], $0x80, v4, vm0, $0xb8;
	[tilespmem:$0x18400] =	vst v63  }
0x648: {  	s10 =	simm.s32 $0xA400  }
0x649: {  	[tilespmem:s10], [sflag:$0x2] =	stream.indirect_vreg.gather [hbm4b:s1+s3], $0x80, v3, vm0, $0xb8;
	[tilespmem:$0x18400] =	vst v63  }
0x64a: {  	s12 =	simm.s32 $0xAC00  }
0x64b: {  	[tilespmem:s12], [sflag:$0x2] =	stream.indirect_vreg.gather [hbm4b:s5+s3], $0x80, v3, vm0, $0xb8;
	[tilespmem:$0x18400] =	vst v63  }
0x64c: {  	_ = 	snop  }
0x64d: {  	[tilespmem:s0], [sflag:$0x2] =	stream.indirect_vreg.gather [hbm4b:s6+s3], $0x80, v3, vm0, $0xb8;
	[tilespmem:$0x18400] =	vst v63  }
0x64e: {  	s17 =	simm.s32 $0xBC00  }
0x64f: {  	[tilespmem:s17], [sflag:$0x2] =	stream.indirect_vreg.gather [hbm4b:s7+s3], $0x80, v3, vm0, $0xb8;
	[tilespmem:$0x18400] =	vst v63  }
0x650: {  	v3 =	vld [tilespmem:$0x3F0];
	_ =	sdelay $0x4  }
0x651: {  	v63 =	vshll.u32 v3, $0x3  }
0x652: {  	v3 =	vand.u32 $0x7, v3;
	v4 =	vand.u32 $0xFFFFFFC0, v63  }
0x653: {  	v3 =	vor.u32 v3, v4  }
0x654: {  	v4 =	vperm.xlane v3, v0;
	_ =	sdelay $0x1  }
0x655: {  	v4 =	vadd.s32 v1, v4;
	_ =	sdelay $0x3  }
0x656: {  	s16 =	simm.s32 $0xC400  }
0x657: {  	[tilespmem:s16], [sflag:$0x2] =	stream.indirect_vreg.gather [hbm4b:s1+s3], $0x80, v4, vm0, $0xb8;
	[tilespmem:$0x18400] =	vst v63  }
0x658: {  	v3 =	vperm.xlane v3, v2  }
0x659: {  	[tilespmem:s14], [sflag:$0x2] =	stream.indirect_vreg.gather [hbm4b:s5+s3], $0x80, v4, vm0, $0xb8;
	[tilespmem:$0x18400] =	vst v63  }
0x65a: {  	s17 =	simm.s32 $0xD400;
	v3 =	vadd.s32 v1, v3  }
0x65b: {  	[tilespmem:s17], [sflag:$0x2] =	stream.indirect_vreg.gather [hbm4b:s6+s3], $0x80, v4, vm0, $0xb8;
	[tilespmem:$0x18400] =	vst v63  }
0x65c: {  	_ = 	snop  }
0x65d: {  	[tilespmem:s9], [sflag:$0x2] =	stream.indirect_vreg.gather [hbm4b:s7+s3], $0x80, v4, vm0, $0xb8;
	[tilespmem:$0x18400] =	vst v63  }
0x65e: {  	s18 =	simm.s32 $0xE400  }
0x65f: {  	[tilespmem:s18], [sflag:$0x2] =	stream.indirect_vreg.gather [hbm4b:s1+s3], $0x80, v3, vm0, $0xb8;
	[tilespmem:$0x18400] =	vst v63  }
0x660: {  	s25 =	simm.s32 $0xEC00  }
0x661: {  	[tilespmem:s25], [sflag:$0x2] =	stream.indirect_vreg.gather [hbm4b:s5+s3], $0x80, v3, vm0, $0xb8;
	[tilespmem:$0x18400] =	vst v63  }
0x662: {  	s26 =	simm.s32 $0xF400  }
0x663: {  	[tilespmem:s26], [sflag:$0x2] =	stream.indirect_vreg.gather [hbm4b:s6+s3], $0x80, v3, vm0, $0xb8;
	[tilespmem:$0x18400] =	vst v63  }
0x664: {  	s28 =	simm.s32 $0xFC00  }
0x665: {  	[tilespmem:s28], [sflag:$0x2] =	stream.indirect_vreg.gather [hbm4b:s7+s3], $0x80, v3, vm0, $0xb8;
	[tilespmem:$0x18400] =	vst v63  }
0x666: {  	s11 =	sld [smem:$0x7F6];
	_ =	swait.ge [sflag:s23], $0x8000  }
0x667: {  	s29 =	sld [smem:$0x7F9]  }
0x668: {  	[sflag:s23] =	ssyncset.done $0x0  }
0x669: {  	s13 =	simm.s32 $0x10400;
	[sflag:s23] =	ssyncadd.s32 $0xFFFF8000  }
0x66a: {  	[hbm4b:s29+s3] =	stream.linear.scatter [tilespmem:s13], [sflag:$0x6], $0x8000, $0x38;
	[tilespmem:$0x18400] =	vst v63  }
0x66b: {  	_ =	swait.ge [sflag:s19], $0x8000  }
0x66c: {  	s30 =	sld [smem:$0x7FA]  }
0x66d: {  	[sflag:s19] =	ssyncset.done $0x0  }
0x66e: {  	s15 =	simm.s32 $0x400;
	[sflag:s19] =	ssyncadd.s32 $0xFFFF8000  }
0x66f: {  	[hbm4b:s30+s3] =	stream.linear.scatter [tilespmem:s15], [sflag:$0x4], $0x8000, $0x38;
	[tilespmem:$0x18400] =	vst v63  }
0x670: {  	_ =	swait.ge [sflag:s21], $0x8000  }
0x671: {  	s31 =	sld [smem:$0x7FC]  }
0x672: {  	[sflag:s21] =	ssyncset.done $0x0  }
0x673: {  	s4 =	simm.s32 $0x8400;
	[sflag:s21] =	ssyncadd.s32 $0xFFFF8000  }
0x674: {  	[hbm4b:s31+s3] =	stream.linear.scatter [tilespmem:s4], [sflag:$0x5], $0x8000, $0x38;
	[tilespmem:$0x18400] =	vst v63  }
0x675: {  	_ =	swait.ge [sflag:s20], $0x8000  }
0x676: {  	[sflag:s20] =	ssyncset.done $0x0  }
0x677: {  	[sflag:s20] =	ssyncadd.s32 $0xFFFF8000  }
0x678: {  	p0 =	sne.s32 s11, $0x1;
	_ =	swait.ge [sflag:s22], $0x8000  }
.Ltmp0:
0x679: {  	[sflag:s22] =	ssyncset.done $0x0;
	(pc) =	sbr.rel @p0 .LBB2_1-.Ltmp0, $4  }
0x67a: {  	[sflag:s22] =	ssyncadd.s32 $0xFFFF8000  }
0x67b: {  	_ =	swait.ge [sflag:s24], $0x8000  }
0x67c: {  	[sflag:s24] =	ssyncset.done $0x0  }
0x67d: {  	s2 =	sadd.s32 $0xFFFFFFFF, s11;
	[sflag:s24] =	ssyncadd.s32 $0xFFFF8000  }
0x67e: {  	_ =	sfence.sel $0x180000  }
0x67f: {  	[bflag:$0x0] =	sbarrier.arrive $0xFFFF  }
0x680: {  	_ =	strace $0x90000047  }
0x681: {  	s0 =	stileid.u32;
	[bflag:$0x2] =	sbarrier.arrive $0xFFFF  }
0x682: {  	p0 =	sne.s32 s0, $0x0;
	s0 =	rddreg [dreg:$0x3]  }
0x683: {  	s0 =	sadd.s32 @!p0 $0x100000, s0  }
0x684: {  	[sflag:s0] =	ssyncadd.tile.s32 @!p0 $0x1;
	_ =	shalt  }
.Lfunc_end2:
_tile_overlayer_lowered:
.L_overlay_start_2:
0x685: {  	(tag) =	ssettag $0x2  }
0x686: {  	s0 =	rddreg [dreg:$0x0];
	s2 =	stileid.u32  }
0x687: {  	s1 =	rddreg [dreg:$0x1];
	p0 =	sne.s32 s2, $0x0  }
0x688: {  	s3 =	rddreg [dreg:$0x2];
	[bflag:$0x3] =	sbarrier.arrive $0xFFFF;
	s2 =	simm.s32 @!p0 $0x1C09  }
0x689: {  	[timem:s3], [sflag:s2] =	dma.local @!p0 [hbm:s0], s1  }
0x68a: {  	s0 =	simm.s32 @!p0 $0x9  }
0x68b: {  	_ =	swait.ge @!p0 [sflag:s0], s1  }
0x68c: {  	s1 =	ssub.s32 @!p0 $0x0, s1;
	[sflag:s0] =	ssyncset.done @!p0 $0x0  }
0x68d: {  	[sflag:s0] =	ssyncadd.s32 @!p0 s1  }
0x68e: {  	[bflag:$0x3] =	sbarrier.arrive $0xFFFF  }
0x68f: {  	_ =	shalt  }

</sc_bundles>
